<compile_context>
chip_gen: v7x
topology: tpu7x:2x2x1
jax: 0.10.2.dev20260603
libtpu: 0.0.44.dev20260713+nightly
codegen_flags: <defaults>
</compile_context>

<pallas_src>
import functools

import jax
import jax.numpy as jnp
from jax import lax
from jax.experimental import pallas as pl
from jax.experimental.pallas import tpu as pltpu
from jax.experimental.pallas import tpu_sc as plsc

N_NODES = 10000
N_EDGES = 320000
IN_FEATS = 128
N_HIDDEN = 128
N_CLASSES = 64

_NC = 2
_NS = 16
_NW = _NC * _NS
_CH = 128
_NCH = 80
_EPT = _NCH * _CH
_EPAD = _NW * _EPT
_NPAD = 10240
_RPT = _NPAD // _NS
_DH = 64


def _make_agg(with_deg, n_halves=2):
    mesh = plsc.VectorSubcoreMesh(core_axis_name="c", subcore_axis_name="s")

    out_type = [jax.ShapeDtypeStruct((_NC, _NPAD, _DH), jnp.float32)
                for _ in range(n_halves)]
    scratch = [
        pltpu.VMEM((_EPT,), jnp.int32),
        pltpu.VMEM((_EPT,), jnp.int32),
        pltpu.VMEM((_CH,), jnp.int32),
        pltpu.VMEM((_CH, _DH), jnp.float32),
        pltpu.VMEM((_CH, _DH), jnp.float32),
        pltpu.VMEM_SHARED((_NPAD, _DH), jnp.float32),
        pltpu.VMEM_SHARED((_NPAD, _DH), jnp.float32),
        pltpu.SemaphoreType.DMA,
        pltpu.SemaphoreType.DMA,
    ]
    if with_deg:
        out_type.append(jax.ShapeDtypeStruct((_NW * _NPAD,), jnp.float32))
        scratch.append(pltpu.VMEM((_NPAD,), jnp.float32))

    @functools.partial(
        pl.kernel,
        out_type=out_type,
        mesh=mesh,
        scratch_types=scratch,
        compiler_params=pltpu.CompilerParams(
            needs_layout_passes=False, use_tc_tiling_on_sc=False),
    )
    def agg(*args):
        t_hbms = args[:n_halves]
        src_hbm, dst_hbm, zeros_hbm = args[n_halves:n_halves + 3]
        refs = args[n_halves + 3:]
        o_hbms = refs[:n_halves]
        refs = refs[n_halves:]
        if with_deg:
            deg_hbm, srcf, dstf, dstbuf, rows0, rows1, \
                table, accum, sem0, sem1, degv = refs
        else:
            srcf, dstf, dstbuf, rows0, rows1, \
                table, accum, sem0, sem1 = refs
        c = lax.axis_index("c")
        s = lax.axis_index("s")
        wid = s * _NC + c
        myrows = pl.ds(s * _RPT, _RPT)
        ones16 = jnp.ones((16,), jnp.float32)

        def gather(i, buf, sem):
            idx = srcf.at[pl.ds(pl.multiple_of(i * _CH, _CH), _CH)]
            pltpu.async_copy(table.at[idx], buf, sem)

        def gwait(i, buf, sem):
            idx = srcf.at[pl.ds(pl.multiple_of(i * _CH, _CH), _CH)]
            pltpu.make_async_copy(table.at[idx], buf, sem).wait()

        for half in range(n_halves):
            t_hbm = t_hbms[half]
            out_hbm = o_hbms[half]
            pltpu.sync_copy(t_hbm.at[myrows], table.at[myrows])
            pltpu.sync_copy(zeros_hbm, accum.at[myrows])
            if half == 0:
                pltpu.sync_copy(src_hbm.at[pl.ds(wid * _EPT, _EPT)], srcf)
                pltpu.sync_copy(dst_hbm.at[pl.ds(wid * _EPT, _EPT)], dstf)
                if with_deg:
                    def zstep(i, carry):
                        degv[pl.ds(i * 16, 16)] = jnp.zeros((16,), jnp.float32)
                        return carry
                    lax.fori_loop(0, _NPAD // 16, zstep, 0)
            plsc.subcore_barrier()

            def consume(i, buf, track_deg):
                for j in range(_CH // 16):
                    v = dstf[pl.ds(i * _CH + j * 16, 16)]
                    dstbuf[pl.ds(j * 16, 16)] = v
                    if track_deg:
                        plsc.addupdate_scatter(degv, [v], ones16)
                pltpu.sync_copy(buf, accum.at[dstbuf], add=True)

            track_deg = with_deg and half == 0
            gather(0, rows0, sem0)

            def pair(p, carry):
                i0 = 2 * p
                i1 = i0 + 1
                gather(i1, rows1, sem1)
                gwait(i0, rows0, sem0)
                consume(i0, rows0, track_deg)

                @pl.when(p < _NCH // 2 - 1)
                def _():
                    gather(i0 + 2, rows0, sem0)

                gwait(i1, rows1, sem1)
                consume(i1, rows1, track_deg)
                return carry

            lax.fori_loop(0, _NCH // 2, pair, 0)
            plsc.subcore_barrier()
            pltpu.sync_copy(accum.at[myrows], out_hbm.at[c, myrows])

        if with_deg:
            pltpu.sync_copy(degv, deg_hbm.at[pl.ds(wid * _NPAD, _NPAD)])

    return agg


_agg_deg = _make_agg(True)
_agg = _make_agg(False)
_agg1 = _make_agg(False, n_halves=1)

_BLK = 1024
_GRID = (_NPAD // _BLK,)


def _deg_body(parts_ref, deg_ref):
    deg_ref[...] = jnp.sum(parts_ref[...], axis=0, keepdims=True)


_tc_deg = pl.pallas_call(
    _deg_body,
    grid=_GRID,
    in_specs=[pl.BlockSpec((_NW, _BLK), lambda i: (0, i))],
    out_specs=pl.BlockSpec((1, _BLK), lambda i: (0, i)),
    out_shape=jax.ShapeDtypeStruct((1, _NPAD), jnp.float32),
)


def _hidden_sage(x_ref, plo_ref, phi_ref, deg_ref, ws_ref, wnlo_ref,
                 wnhi_ref, b_ref):
    rdeg = 1.0 / jnp.maximum(deg_ref[...], 1.0)
    agg_lo = (plo_ref[0] + plo_ref[1]) * rdeg
    agg_hi = (phi_ref[0] + phi_ref[1]) * rdeg
    h = (jnp.dot(x_ref[...], ws_ref[...], preferred_element_type=jnp.float32)
         + jnp.dot(agg_lo, wnlo_ref[...], preferred_element_type=jnp.float32)
         + jnp.dot(agg_hi, wnhi_ref[...], preferred_element_type=jnp.float32)
         + b_ref[...])
    return jnp.maximum(h, 0.0)


def _tc0_body(x_ref, plo_ref, phi_ref, deg_ref, ws_ref, wnlo_ref, wnhi_ref,
              b_ref, h_ref, hlo_ref, hhi_ref):
    h = _hidden_sage(x_ref, plo_ref, phi_ref, deg_ref, ws_ref, wnlo_ref,
                     wnhi_ref, b_ref)
    h_ref[...] = h
    hlo_ref[...] = h[:, :_DH]
    hhi_ref[...] = h[:, _DH:]


def _tc1_body(x_ref, plo_ref, phi_ref, deg_ref, ws_ref, wnlo_ref, wnhi_ref,
              b_ref, wn2_ref, h_ref, y2_ref):
    h = _hidden_sage(x_ref, plo_ref, phi_ref, deg_ref, ws_ref, wnlo_ref,
                     wnhi_ref, b_ref)
    h_ref[...] = h
    y2_ref[...] = jnp.dot(h, wn2_ref[...], preferred_element_type=jnp.float32)


def _tc2_body(h_ref, p_ref, deg_ref, ws_ref, b_ref, out_ref):
    rdeg = 1.0 / jnp.maximum(deg_ref[...], 1.0)
    out_ref[...] = (
        jnp.dot(h_ref[...], ws_ref[...], preferred_element_type=jnp.float32)
        + (p_ref[0] + p_ref[1]) * rdeg + b_ref[...])


_HIDDEN_SPECS = [
    pl.BlockSpec((_BLK, IN_FEATS), lambda i: (i, 0)),
    pl.BlockSpec((2, _BLK, _DH), lambda i: (0, i, 0)),
    pl.BlockSpec((2, _BLK, _DH), lambda i: (0, i, 0)),
    pl.BlockSpec((_BLK, 1), lambda i: (i, 0)),
    pl.BlockSpec((IN_FEATS, N_HIDDEN), lambda i: (0, 0)),
    pl.BlockSpec((_DH, N_HIDDEN), lambda i: (0, 0)),
    pl.BlockSpec((_DH, N_HIDDEN), lambda i: (0, 0)),
    pl.BlockSpec((1, N_HIDDEN), lambda i: (0, 0)),
]

_tc0 = pl.pallas_call(
    _tc0_body,
    grid=_GRID,
    in_specs=_HIDDEN_SPECS,
    out_specs=[
        pl.BlockSpec((_BLK, N_HIDDEN), lambda i: (i, 0)),
        pl.BlockSpec((_BLK, _DH), lambda i: (i, 0)),
        pl.BlockSpec((_BLK, _DH), lambda i: (i, 0)),
    ],
    out_shape=[
        jax.ShapeDtypeStruct((_NPAD, N_HIDDEN), jnp.float32),
        jax.ShapeDtypeStruct((_NPAD, _DH), jnp.float32),
        jax.ShapeDtypeStruct((_NPAD, _DH), jnp.float32),
    ],
)

_tc1 = pl.pallas_call(
    _tc1_body,
    grid=_GRID,
    in_specs=_HIDDEN_SPECS + [
        pl.BlockSpec((N_HIDDEN, N_CLASSES), lambda i: (0, 0)),
    ],
    out_specs=[
        pl.BlockSpec((_BLK, N_HIDDEN), lambda i: (i, 0)),
        pl.BlockSpec((_BLK, N_CLASSES), lambda i: (i, 0)),
    ],
    out_shape=[
        jax.ShapeDtypeStruct((_NPAD, N_HIDDEN), jnp.float32),
        jax.ShapeDtypeStruct((_NPAD, N_CLASSES), jnp.float32),
    ],
)

_tc2 = pl.pallas_call(
    _tc2_body,
    grid=_GRID,
    in_specs=[
        pl.BlockSpec((_BLK, N_HIDDEN), lambda i: (i, 0)),
        pl.BlockSpec((2, _BLK, N_CLASSES), lambda i: (0, i, 0)),
        pl.BlockSpec((_BLK, 1), lambda i: (i, 0)),
        pl.BlockSpec((N_HIDDEN, N_CLASSES), lambda i: (0, 0)),
        pl.BlockSpec((1, N_CLASSES), lambda i: (0, 0)),
    ],
    out_specs=pl.BlockSpec((_BLK, N_CLASSES), lambda i: (i, 0)),
    out_shape=jax.ShapeDtypeStruct((_NPAD, N_CLASSES), jnp.float32),
)


def kernel(x, edge_index, Ws0, Wn0, b0, Ws1, Wn1, b1, Ws2, Wn2, b2):
    npad = _EPAD - N_EDGES
    src = jnp.concatenate(
        [edge_index[0].astype(jnp.int32), jnp.zeros((npad,), jnp.int32)])
    dst = jnp.concatenate(
        [edge_index[1].astype(jnp.int32),
         jnp.full((npad,), _NPAD - 1, jnp.int32)])
    zeros = jnp.zeros((_RPT, _DH), jnp.float32)
    x_pad = jnp.zeros((_NPAD, IN_FEATS), jnp.float32).at[:N_NODES].set(x)

    p0lo, p0hi, deg_parts = _agg_deg(
        x_pad[:, :_DH], x_pad[:, _DH:], src, dst, zeros)
    deg_row = _tc_deg(deg_parts.reshape(_NW, _NPAD))
    deg_col = deg_row.reshape(_NPAD, 1)

    h0, h0lo, h0hi = _tc0(x_pad, p0lo, p0hi, deg_col, Ws0,
                          Wn0[:_DH], Wn0[_DH:], b0.reshape(1, -1))
    p1lo, p1hi = _agg(h0lo, h0hi, src, dst, zeros)
    h1, y2 = _tc1(h0, p1lo, p1hi, deg_col, Ws1,
                  Wn1[:_DH], Wn1[_DH:], b1.reshape(1, -1), Wn2)
    p2, = _agg1(y2, src, dst, zeros)
    out = _tc2(h1, p2, deg_col, Ws2, b2.reshape(1, -1))
    return out[:N_NODES]

# --- scband reference (transcript-rebuilt; emitter-appended) ---
"""Pipeline reference for scband-sage-26560077759043 (READ-ONLY COPY).

The authoritative reference and input builder live on the scoring server;
editing this copy changes nothing except your own understanding.
"""

import jax, jax.numpy as jnp
import numpy as np

N_NODES = 10000
N_EDGES = 320000
IN_FEATS = 128
N_HIDDEN = 128
N_CLASSES = 64


def setup_inputs(seed: int = 0) -> dict:
    key = jax.random.key(seed)
    ks = jax.random.split(key, 12)
    x = jax.random.normal(ks[0], (N_NODES, IN_FEATS), dtype=jnp.float32)
    edge_index = jax.random.randint(ks[1], (2, N_EDGES), 0, N_NODES, dtype=jnp.int64)
    def glorot(k, fan_in, fan_out):
        scale = jnp.sqrt(2.0 / (fan_in + fan_out))
        return jax.random.normal(k, (fan_in, fan_out), dtype=jnp.float32) * scale
    # layer 0: in_feats -> n_hidden
    Ws0 = glorot(ks[2], IN_FEATS, N_HIDDEN)
    Wn0 = glorot(ks[3], IN_FEATS, N_HIDDEN)
    b0 = jnp.zeros((N_HIDDEN,), dtype=jnp.float32)
    # layer 1: n_hidden -> n_hidden
    Ws1 = glorot(ks[4], N_HIDDEN, N_HIDDEN)
    Wn1 = glorot(ks[5], N_HIDDEN, N_HIDDEN)
    b1 = jnp.zeros((N_HIDDEN,), dtype=jnp.float32)
    # layer 2: n_hidden -> n_classes
    Ws2 = glorot(ks[6], N_HIDDEN, N_CLASSES)
    Wn2 = glorot(ks[7], N_HIDDEN, N_CLASSES)
    b2 = jnp.zeros((N_CLASSES,), dtype=jnp.float32)
    return {"x": x, "edge_index": edge_index,
            "Ws0": Ws0, "Wn0": Wn0, "b0": b0,
            "Ws1": Ws1, "Wn1": Wn1, "b1": b1,
            "Ws2": Ws2, "Wn2": Wn2, "b2": b2}


def _sage_conv(x, src, dst, Ws, Wn, b):
    # DGL SAGEConv with 'mean' aggregator:
    # h = fc_self(x_dst) + fc_neigh(mean_{u in N(v)} x_u) + bias
    msgs = jnp.take(x, src, axis=0)                       # gather [E, d]
    summed = jax.ops.segment_sum(msgs, dst, num_segments=N_NODES)
    deg = jax.ops.segment_sum(jnp.ones((src.shape[0],), dtype=x.dtype), dst,
                              num_segments=N_NODES)
    agg = summed / jnp.clip(deg, 1.0)[:, None]
    return x @ Ws + agg @ Wn + b


def reference(x, edge_index, Ws0, Wn0, b0, Ws1, Wn1, b1, Ws2, Wn2, b2):
    src = edge_index[0]
    dst = edge_index[1]
    h = _sage_conv(x, src, dst, Ws0, Wn0, b0)
    h = jax.nn.relu(h)
    h = _sage_conv(h, src, dst, Ws1, Wn1, b1)
    h = jax.nn.relu(h)
    h = _sage_conv(h, src, dst, Ws2, Wn2, b2)
    return h

if __name__ == "__main__":
    import jax
    _d = setup_inputs()
    print(jax.jit(kernel)(*tuple(_d.values())))

</pallas_src>

<mosaic_0001>
#map = affine_map<(d0, d1) -> (0, 0)>
#map1 = affine_map<(d0, d1) -> (0)>
#map2 = affine_map<(d0, d1) -> (0, 0, 0)>
module attributes {stable_mosaic.version = 14 : i64} {
  func.func @agg(%arg0: i32, %arg1: i32, %arg2: memref<10240x64xf32, #tpu.memory_space<hbm>>, %arg3: memref<327680xi32, #tpu.memory_space<hbm>>, %arg4: memref<327680xi32, #tpu.memory_space<hbm>>, %arg5: memref<640x64xf32, #tpu.memory_space<hbm>>, %arg6: memref<2x10240x64xf32, #tpu.memory_space<hbm>>, %arg7: memref<10240xi32, #tpu.memory_space<vmem>>, %arg8: memref<10240xi32, #tpu.memory_space<vmem>>, %arg9: memref<128xi32, #tpu.memory_space<vmem>>, %arg10: memref<128x64xf32, #tpu.memory_space<vmem>>, %arg11: memref<128x64xf32, #tpu.memory_space<vmem>>, %arg12: memref<10240x64xf32, #tpu.memory_space<vmem_shared>>, %arg13: memref<10240x64xf32, #tpu.memory_space<vmem_shared>>, %arg14: memref<!tpu.dma_semaphore, #tpu.memory_space<semaphore_mem>>, %arg15: memref<!tpu.dma_semaphore, #tpu.memory_space<semaphore_mem>>) attributes {dimension_semantics = [#tpu.dimension_semantics<core_parallel>, #tpu.dimension_semantics<subcore_parallel>], iteration_bounds = array<i64: 2, 16>, scalar_prefetch = 0 : i64, scratch_operands = 9 : i64, tpu.core_type = #tpu.core_type<sc_vector_subcore>, window_params = [{transform_indices = #map}, {transform_indices = #map1}, {transform_indices = #map1}, {transform_indices = #map}, {transform_indices = #map2}]} {
    %mul3A = arith.constant 2 : i32
    %mul3A_0 = arith.muli %arg1, %mul3A : i32
    %add3A = arith.addi %mul3A_0, %arg0 : i32
    %mul3A_1 = arith.constant 640 : i32
    %mul3A_2 = arith.muli %arg1, %mul3A_1 : i32
    %broadcast_in_dim3A = arith.constant 1.000000e+00 : f32
    %broadcast_in_dim3A_3 = vector.broadcast %broadcast_in_dim3A : f32 to vector<16xf32>
    "tpu.region"() ({
      %run_scoped3A = tpu.sem_alloc : memref<!tpu.dma_semaphore, #tpu.memory_space<semaphore_mem>>
      %dma_start3A_18 = arith.constant 0 : i32
      %dma_start3A_19 = tpu.memref_slice %arg12[%mul3A_2, %dma_start3A_18] : memref<10240x64xf32, #tpu.memory_space<vmem_shared>> -> memref<640x64xf32, #tpu.memory_space<vmem_shared>>
      %dma_start3A_20 = arith.constant 0 : i32
      %dma_start3A_21 = tpu.memref_slice %arg2[%mul3A_2, %dma_start3A_20] : memref<10240x64xf32, #tpu.memory_space<hbm>> -> memref<640x64xf32, #tpu.memory_space<hbm>>
      tpu.enqueue_dma source(%dma_start3A_21 : memref<640x64xf32, #tpu.memory_space<hbm>>) target(%dma_start3A_19 : memref<640x64xf32, #tpu.memory_space<vmem_shared>>) target_semaphore(%run_scoped3A : memref<!tpu.dma_semaphore, #tpu.memory_space<semaphore_mem>>)
      %dma_wait3A = arith.constant 0 : i32
      %dma_wait3A_22 = tpu.memref_slice %arg12[%mul3A_2, %dma_wait3A] : memref<10240x64xf32, #tpu.memory_space<vmem_shared>> -> memref<640x64xf32, #tpu.memory_space<vmem_shared>>
      %dma_wait3A_23 = arith.constant 0 : i32
      %dma_wait3A_24 = tpu.memref_slice %arg2[%mul3A_2, %dma_wait3A_23] : memref<10240x64xf32, #tpu.memory_space<hbm>> -> memref<640x64xf32, #tpu.memory_space<hbm>>
      tpu.wait_dma2 semaphore(%run_scoped3A : memref<!tpu.dma_semaphore, #tpu.memory_space<semaphore_mem>>) src(%dma_wait3A_24 : memref<640x64xf32, #tpu.memory_space<hbm>>) dst(%dma_wait3A_22 : memref<640x64xf32, #tpu.memory_space<vmem_shared>>)
      tpu.yield
    }) : () -> ()
    "tpu.region"() ({
      %run_scoped3A = tpu.sem_alloc : memref<!tpu.dma_semaphore, #tpu.memory_space<semaphore_mem>>
      %dma_start3A_18 = arith.constant 0 : i32
      %dma_start3A_19 = tpu.memref_slice %arg13[%mul3A_2, %dma_start3A_18] : memref<10240x64xf32, #tpu.memory_space<vmem_shared>> -> memref<640x64xf32, #tpu.memory_space<vmem_shared>>
      tpu.enqueue_dma source(%arg5 : memref<640x64xf32, #tpu.memory_space<hbm>>) target(%dma_start3A_19 : memref<640x64xf32, #tpu.memory_space<vmem_shared>>) target_semaphore(%run_scoped3A : memref<!tpu.dma_semaphore, #tpu.memory_space<semaphore_mem>>)
      %dma_wait3A = arith.constant 0 : i32
      %dma_wait3A_20 = tpu.memref_slice %arg13[%mul3A_2, %dma_wait3A] : memref<10240x64xf32, #tpu.memory_space<vmem_shared>> -> memref<640x64xf32, #tpu.memory_space<vmem_shared>>
      tpu.wait_dma2 semaphore(%run_scoped3A : memref<!tpu.dma_semaphore, #tpu.memory_space<semaphore_mem>>) src(%arg5 : memref<640x64xf32, #tpu.memory_space<hbm>>) dst(%dma_wait3A_20 : memref<640x64xf32, #tpu.memory_space<vmem_shared>>)
      tpu.yield
    }) : () -> ()
    %mul3A_4 = arith.constant 10240 : i32
    %mul3A_5 = arith.muli %add3A, %mul3A_4 : i32
    "tpu.region"() ({
      %run_scoped3A = tpu.sem_alloc : memref<!tpu.dma_semaphore, #tpu.memory_space<semaphore_mem>>
      %dma_start3A_18 = tpu.memref_slice %arg3[%mul3A_5] : memref<327680xi32, #tpu.memory_space<hbm>> -> memref<10240xi32, #tpu.memory_space<hbm>>
      %dma_start3A_19 = tpu.memref_slice %arg3[%mul3A_5] : memref<327680xi32, #tpu.memory_space<hbm>> -> memref<10240xi32, #tpu.memory_space<hbm>>
      tpu.enqueue_dma source(%dma_start3A_19 : memref<10240xi32, #tpu.memory_space<hbm>>) target(%arg7 : memref<10240xi32, #tpu.memory_space<vmem>>) target_semaphore(%run_scoped3A : memref<!tpu.dma_semaphore, #tpu.memory_space<semaphore_mem>>)
      %dma_wait3A = tpu.memref_slice %arg3[%mul3A_5] : memref<327680xi32, #tpu.memory_space<hbm>> -> memref<10240xi32, #tpu.memory_space<hbm>>
      %dma_wait3A_20 = tpu.memref_slice %arg3[%mul3A_5] : memref<327680xi32, #tpu.memory_space<hbm>> -> memref<10240xi32, #tpu.memory_space<hbm>>
      tpu.wait_dma2 semaphore(%run_scoped3A : memref<!tpu.dma_semaphore, #tpu.memory_space<semaphore_mem>>) src(%dma_wait3A_20 : memref<10240xi32, #tpu.memory_space<hbm>>) dst(%arg7 : memref<10240xi32, #tpu.memory_space<vmem>>)
      tpu.yield
    }) : () -> ()
    %mul3A_6 = arith.constant 10240 : i32
    %mul3A_7 = arith.muli %add3A, %mul3A_6 : i32
    "tpu.region"() ({
      %run_scoped3A = tpu.sem_alloc : memref<!tpu.dma_semaphore, #tpu.memory_space<semaphore_mem>>
      %dma_start3A_18 = tpu.memref_slice %arg4[%mul3A_7] : memref<327680xi32, #tpu.memory_space<hbm>> -> memref<10240xi32, #tpu.memory_space<hbm>>
      %dma_start3A_19 = tpu.memref_slice %arg4[%mul3A_7] : memref<327680xi32, #tpu.memory_space<hbm>> -> memref<10240xi32, #tpu.memory_space<hbm>>
      tpu.enqueue_dma source(%dma_start3A_19 : memref<10240xi32, #tpu.memory_space<hbm>>) target(%arg8 : memref<10240xi32, #tpu.memory_space<vmem>>) target_semaphore(%run_scoped3A : memref<!tpu.dma_semaphore, #tpu.memory_space<semaphore_mem>>)
      %dma_wait3A = tpu.memref_slice %arg4[%mul3A_7] : memref<327680xi32, #tpu.memory_space<hbm>> -> memref<10240xi32, #tpu.memory_space<hbm>>
      %dma_wait3A_20 = tpu.memref_slice %arg4[%mul3A_7] : memref<327680xi32, #tpu.memory_space<hbm>> -> memref<10240xi32, #tpu.memory_space<hbm>>
      tpu.wait_dma2 semaphore(%run_scoped3A : memref<!tpu.dma_semaphore, #tpu.memory_space<semaphore_mem>>) src(%dma_wait3A_20 : memref<10240xi32, #tpu.memory_space<hbm>>) dst(%arg8 : memref<10240xi32, #tpu.memory_space<vmem>>)
      tpu.yield
    }) : () -> ()
    %barrier3A = arith.constant 0 : index
    tpu.barrier barrier_id(%barrier3A)
    %multiple_of3A = arith.constant 0 : i32
    %multiple_of3A_8 = tpu.assume_multiple %multiple_of3A, 128 : i32
    %dma_start3A = tpu.memref_slice %arg7[%multiple_of3A_8] : memref<10240xi32, #tpu.memory_space<vmem>> -> memref<128xi32, #tpu.memory_space<vmem>>
    %dma_start3A_9 = arith.constant 0 : i32
    %dma_start3A_10 = arith.constant 0 : i32
    %dma_start3A_11 = tpu.memref_slice %arg12[%dma_start3A_9, %dma_start3A_10] : memref<10240x64xf32, #tpu.memory_space<vmem_shared>> -> memref<10240x64xf32, #tpu.memory_space<vmem_shared>>
    tpu.enqueue_indirect_dma source(%dma_start3A_11 : memref<10240x64xf32, #tpu.memory_space<vmem_shared>>) target(%arg10 : memref<128x64xf32, #tpu.memory_space<vmem>>) offsets(%dma_start3A : memref<128xi32, #tpu.memory_space<vmem>>) semaphore(%arg14 : memref<!tpu.dma_semaphore, #tpu.memory_space<semaphore_mem>>)
    %scan3A = arith.constant 0 : i32
    %scan3A_12 = arith.constant 0 : i32
    %scan3A_13 = arith.constant 40 : i32
    %scan3A_14 = arith.addi %scan3A_12, %scan3A_13 : i32
    %scan3A_15 = arith.constant 1 : i32
    scf.for %scan3A_18 = %scan3A_12 to %scan3A_14 step %scan3A_15  : i32 {
      %mul3A_19 = arith.constant 2 : i32
      %mul3A_20 = arith.muli %mul3A_19, %scan3A_18 : i32
      %add3A_21 = arith.constant 1 : i32
      %add3A_22 = arith.addi %mul3A_20, %add3A_21 : i32
      %mul3A_23 = arith.constant 128 : i32
      %mul3A_24 = arith.muli %add3A_22, %mul3A_23 : i32
      %multiple_of3A_25 = tpu.assume_multiple %mul3A_24, 128 : i32
      %dma_start3A_26 = tpu.memref_slice %arg7[%multiple_of3A_25] : memref<10240xi32, #tpu.memory_space<vmem>> -> memref<128xi32, #tpu.memory_space<vmem>>
      %dma_start3A_27 = arith.constant 0 : i32
      %dma_start3A_28 = arith.constant 0 : i32
      %dma_start3A_29 = tpu.memref_slice %arg12[%dma_start3A_27, %dma_start3A_28] : memref<10240x64xf32, #tpu.memory_space<vmem_shared>> -> memref<10240x64xf32, #tpu.memory_space<vmem_shared>>
      tpu.enqueue_indirect_dma source(%dma_start3A_29 : memref<10240x64xf32, #tpu.memory_space<vmem_shared>>) target(%arg11 : memref<128x64xf32, #tpu.memory_space<vmem>>) offsets(%dma_start3A_26 : memref<128xi32, #tpu.memory_space<vmem>>) semaphore(%arg15 : memref<!tpu.dma_semaphore, #tpu.memory_space<semaphore_mem>>)
      %mul3A_30 = arith.constant 128 : i32
      %mul3A_31 = arith.muli %mul3A_20, %mul3A_30 : i32
      %multiple_of3A_32 = tpu.assume_multiple %mul3A_31, 128 : i32
      %dma_wait3A = tpu.memref_slice %arg7[%multiple_of3A_32] : memref<10240xi32, #tpu.memory_space<vmem>> -> memref<128xi32, #tpu.memory_space<vmem>>
      %dma_wait3A_33 = arith.constant 0 : i32
      %dma_wait3A_34 = arith.constant 0 : i32
      %dma_wait3A_35 = tpu.memref_slice %arg12[%dma_wait3A_33, %dma_wait3A_34] : memref<10240x64xf32, #tpu.memory_space<vmem_shared>> -> memref<10240x64xf32, #tpu.memory_space<vmem_shared>>
      tpu.wait_indirect_dma semaphore(%arg14 : memref<!tpu.dma_semaphore, #tpu.memory_space<semaphore_mem>>) src(%dma_wait3A_35 : memref<10240x64xf32, #tpu.memory_space<vmem_shared>>) dst(%arg10 : memref<128x64xf32, #tpu.memory_space<vmem>>)
      %mul3A_36 = arith.constant 128 : i32
      %mul3A_37 = arith.muli %mul3A_20, %mul3A_36 : i32
      %add3A_38 = arith.constant 0 : i32
      %add3A_39 = arith.addi %mul3A_37, %add3A_38 : i32
      %get3A = arith.index_cast %add3A_39 : i32 to index
      %get3A_40 = tpu.vector_load %arg8[%get3A] {strides = array<i32>} : memref<10240xi32, #tpu.memory_space<vmem>>, vector<16xi32>,
      %swap3A = arith.constant 0 : index
      %swap3A_41 = tpu.vector_load %arg9[%swap3A] {strides = array<i32>} : memref<128xi32, #tpu.memory_space<vmem>>, vector<16xi32>,
      tpu.vector_store %arg9[%swap3A], %get3A_40 {strides = array<i32>} : memref<128xi32, #tpu.memory_space<vmem>>, vector<16xi32>,
      %mul3A_42 = arith.constant 128 : i32
      %mul3A_43 = arith.muli %mul3A_20, %mul3A_42 : i32
      %add3A_44 = arith.constant 16 : i32
      %add3A_45 = arith.addi %mul3A_43, %add3A_44 : i32
      %get3A_46 = arith.index_cast %add3A_45 : i32 to index
      %get3A_47 = tpu.vector_load %arg8[%get3A_46] {strides = array<i32>} : memref<10240xi32, #tpu.memory_space<vmem>>, vector<16xi32>,
      %swap3A_48 = arith.constant 16 : index
      %swap3A_49 = tpu.vector_load %arg9[%swap3A_48] {strides = array<i32>} : memref<128xi32, #tpu.memory_space<vmem>>, vector<16xi32>,
      tpu.vector_store %arg9[%swap3A_48], %get3A_47 {strides = array<i32>} : memref<128xi32, #tpu.memory_space<vmem>>, vector<16xi32>,
      %mul3A_50 = arith.constant 128 : i32
      %mul3A_51 = arith.muli %mul3A_20, %mul3A_50 : i32
      %add3A_52 = arith.constant 32 : i32
      %add3A_53 = arith.addi %mul3A_51, %add3A_52 : i32
      %get3A_54 = arith.index_cast %add3A_53 : i32 to index
      %get3A_55 = tpu.vector_load %arg8[%get3A_54] {strides = array<i32>} : memref<10240xi32, #tpu.memory_space<vmem>>, vector<16xi32>,
      %swap3A_56 = arith.constant 32 : index
      %swap3A_57 = tpu.vector_load %arg9[%swap3A_56] {strides = array<i32>} : memref<128xi32, #tpu.memory_space<vmem>>, vector<16xi32>,
      tpu.vector_store %arg9[%swap3A_56], %get3A_55 {strides = array<i32>} : memref<128xi32, #tpu.memory_space<vmem>>, vector<16xi32>,
      %mul3A_58 = arith.constant 128 : i32
      %mul3A_59 = arith.muli %mul3A_20, %mul3A_58 : i32
      %add3A_60 = arith.constant 48 : i32
      %add3A_61 = arith.addi %mul3A_59, %add3A_60 : i32
      %get3A_62 = arith.index_cast %add3A_61 : i32 to index
      %get3A_63 = tpu.vector_load %arg8[%get3A_62] {strides = array<i32>} : memref<10240xi32, #tpu.memory_space<vmem>>, vector<16xi32>,
      %swap3A_64 = arith.constant 48 : index
      %swap3A_65 = tpu.vector_load %arg9[%swap3A_64] {strides = array<i32>} : memref<128xi32, #tpu.memory_space<vmem>>, vector<16xi32>,
      tpu.vector_store %arg9[%swap3A_64], %get3A_63 {strides = array<i32>} : memref<128xi32, #tpu.memory_space<vmem>>, vector<16xi32>,
      %mul3A_66 = arith.constant 128 : i32
      %mul3A_67 = arith.muli %mul3A_20, %mul3A_66 : i32
      %add3A_68 = arith.constant 64 : i32
      %add3A_69 = arith.addi %mul3A_67, %add3A_68 : i32
      %get3A_70 = arith.index_cast %add3A_69 : i32 to index
      %get3A_71 = tpu.vector_load %arg8[%get3A_70] {strides = array<i32>} : memref<10240xi32, #tpu.memory_space<vmem>>, vector<16xi32>,
      %swap3A_72 = arith.constant 64 : index
      %swap3A_73 = tpu.vector_load %arg9[%swap3A_72] {strides = array<i32>} : memref<128xi32, #tpu.memory_space<vmem>>, vector<16xi32>,
      tpu.vector_store %arg9[%swap3A_72], %get3A_71 {strides = array<i32>} : memref<128xi32, #tpu.memory_space<vmem>>, vector<16xi32>,
      %mul3A_74 = arith.constant 128 : i32
      %mul3A_75 = arith.muli %mul3A_20, %mul3A_74 : i32
      %add3A_76 = arith.constant 80 : i32
      %add3A_77 = arith.addi %mul3A_75, %add3A_76 : i32
      %get3A_78 = arith.index_cast %add3A_77 : i32 to index
      %get3A_79 = tpu.vector_load %arg8[%get3A_78] {strides = array<i32>} : memref<10240xi32, #tpu.memory_space<vmem>>, vector<16xi32>,
      %swap3A_80 = arith.constant 80 : index
      %swap3A_81 = tpu.vector_load %arg9[%swap3A_80] {strides = array<i32>} : memref<128xi32, #tpu.memory_space<vmem>>, vector<16xi32>,
      tpu.vector_store %arg9[%swap3A_80], %get3A_79 {strides = array<i32>} : memref<128xi32, #tpu.memory_space<vmem>>, vector<16xi32>,
      %mul3A_82 = arith.constant 128 : i32
      %mul3A_83 = arith.muli %mul3A_20, %mul3A_82 : i32
      %add3A_84 = arith.constant 96 : i32
      %add3A_85 = arith.addi %mul3A_83, %add3A_84 : i32
      %get3A_86 = arith.index_cast %add3A_85 : i32 to index
      %get3A_87 = tpu.vector_load %arg8[%get3A_86] {strides = array<i32>} : memref<10240xi32, #tpu.memory_space<vmem>>, vector<16xi32>,
      %swap3A_88 = arith.constant 96 : index
      %swap3A_89 = tpu.vector_load %arg9[%swap3A_88] {strides = array<i32>} : memref<128xi32, #tpu.memory_space<vmem>>, vector<16xi32>,
      tpu.vector_store %arg9[%swap3A_88], %get3A_87 {strides = array<i32>} : memref<128xi32, #tpu.memory_space<vmem>>, vector<16xi32>,
      %mul3A_90 = arith.constant 128 : i32
      %mul3A_91 = arith.muli %mul3A_20, %mul3A_90 : i32
      %add3A_92 = arith.constant 112 : i32
      %add3A_93 = arith.addi %mul3A_91, %add3A_92 : i32
      %get3A_94 = arith.index_cast %add3A_93 : i32 to index
      %get3A_95 = tpu.vector_load %arg8[%get3A_94] {strides = array<i32>} : memref<10240xi32, #tpu.memory_space<vmem>>, vector<16xi32>,
      %swap3A_96 = arith.constant 112 : index
      %swap3A_97 = tpu.vector_load %arg9[%swap3A_96] {strides = array<i32>} : memref<128xi32, #tpu.memory_space<vmem>>, vector<16xi32>,
      tpu.vector_store %arg9[%swap3A_96], %get3A_95 {strides = array<i32>} : memref<128xi32, #tpu.memory_space<vmem>>, vector<16xi32>,
      "tpu.region"() ({
        %run_scoped3A = tpu.sem_alloc : memref<!tpu.dma_semaphore, #tpu.memory_space<semaphore_mem>>
        %dma_start3A_171 = arith.constant 0 : i32
        %dma_start3A_172 = arith.constant 0 : i32
        %dma_start3A_173 = tpu.memref_slice %arg13[%dma_start3A_171, %dma_start3A_172] : memref<10240x64xf32, #tpu.memory_space<vmem_shared>> -> memref<10240x64xf32, #tpu.memory_space<vmem_shared>>
        tpu.enqueue_indirect_dma source(%arg10 : memref<128x64xf32, #tpu.memory_space<vmem>>) target(%dma_start3A_173 : memref<10240x64xf32, #tpu.memory_space<vmem_shared>>) offsets(%arg9 : memref<128xi32, #tpu.memory_space<vmem>>) semaphore(%run_scoped3A : memref<!tpu.dma_semaphore, #tpu.memory_space<semaphore_mem>>) {add = true}
        %dma_wait3A_174 = arith.constant 0 : i32
        %dma_wait3A_175 = arith.constant 0 : i32
        %dma_wait3A_176 = tpu.memref_slice %arg13[%dma_wait3A_174, %dma_wait3A_175] : memref<10240x64xf32, #tpu.memory_space<vmem_shared>> -> memref<10240x64xf32, #tpu.memory_space<vmem_shared>>
        tpu.wait_indirect_dma semaphore(%run_scoped3A : memref<!tpu.dma_semaphore, #tpu.memory_space<semaphore_mem>>) src(%arg10 : memref<128x64xf32, #tpu.memory_space<vmem>>) dst(%dma_wait3A_176 : memref<10240x64xf32, #tpu.memory_space<vmem_shared>>)
        tpu.yield
      }) : () -> ()
      %lt3A = arith.constant 39 : i32
      %lt3A_98 = arith.cmpi slt, %scan3A_18, %lt3A : i32
      %convert_element_type3A = arith.extui %lt3A_98 : i1 to i32
      %cond3A = arith.constant 0 : i32
      %cond3A_99 = arith.cmpi ne, %convert_element_type3A, %cond3A : i32
      scf.if %cond3A_99 {
        %add3A_171 = arith.constant 2 : i32
        %add3A_172 = arith.addi %mul3A_20, %add3A_171 : i32
        %mul3A_173 = arith.constant 128 : i32
        %mul3A_174 = arith.muli %add3A_172, %mul3A_173 : i32
        %multiple_of3A_175 = tpu.assume_multiple %mul3A_174, 128 : i32
        %dma_start3A_176 = tpu.memref_slice %arg7[%multiple_of3A_175] : memref<10240xi32, #tpu.memory_space<vmem>> -> memref<128xi32, #tpu.memory_space<vmem>>
        %dma_start3A_177 = arith.constant 0 : i32
        %dma_start3A_178 = arith.constant 0 : i32
        %dma_start3A_179 = tpu.memref_slice %arg12[%dma_start3A_177, %dma_start3A_178] : memref<10240x64xf32, #tpu.memory_space<vmem_shared>> -> memref<10240x64xf32, #tpu.memory_space<vmem_shared>>
        tpu.enqueue_indirect_dma source(%dma_start3A_179 : memref<10240x64xf32, #tpu.memory_space<vmem_shared>>) target(%arg10 : memref<128x64xf32, #tpu.memory_space<vmem>>) offsets(%dma_start3A_176 : memref<128xi32, #tpu.memory_space<vmem>>) semaphore(%arg14 : memref<!tpu.dma_semaphore, #tpu.memory_space<semaphore_mem>>)
      } else {
      }
      %mul3A_100 = arith.constant 128 : i32
      %mul3A_101 = arith.muli %add3A_22, %mul3A_100 : i32
      %multiple_of3A_102 = tpu.assume_multiple %mul3A_101, 128 : i32
      %dma_wait3A_103 = tpu.memref_slice %arg7[%multiple_of3A_102] : memref<10240xi32, #tpu.memory_space<vmem>> -> memref<128xi32, #tpu.memory_space<vmem>>
      %dma_wait3A_104 = arith.constant 0 : i32
      %dma_wait3A_105 = arith.constant 0 : i32
      %dma_wait3A_106 = tpu.memref_slice %arg12[%dma_wait3A_104, %dma_wait3A_105] : memref<10240x64xf32, #tpu.memory_space<vmem_shared>> -> memref<10240x64xf32, #tpu.memory_space<vmem_shared>>
      tpu.wait_indirect_dma semaphore(%arg15 : memref<!tpu.dma_semaphore, #tpu.memory_space<semaphore_mem>>) src(%dma_wait3A_106 : memref<10240x64xf32, #tpu.memory_space<vmem_shared>>) dst(%arg11 : memref<128x64xf32, #tpu.memory_space<vmem>>)
      %mul3A_107 = arith.constant 128 : i32
      %mul3A_108 = arith.muli %add3A_22, %mul3A_107 : i32
      %add3A_109 = arith.constant 0 : i32
      %add3A_110 = arith.addi %mul3A_108, %add3A_109 : i32
      %get3A_111 = arith.index_cast %add3A_110 : i32 to index
      %get3A_112 = tpu.vector_load %arg8[%get3A_111] {strides = array<i32>} : memref<10240xi32, #tpu.memory_space<vmem>>, vector<16xi32>,
      %swap3A_113 = arith.constant 0 : index
      %swap3A_114 = tpu.vector_load %arg9[%swap3A_113] {strides = array<i32>} : memref<128xi32, #tpu.memory_space<vmem>>, vector<16xi32>,
      tpu.vector_store %arg9[%swap3A_113], %get3A_112 {strides = array<i32>} : memref<128xi32, #tpu.memory_space<vmem>>, vector<16xi32>,
      %mul3A_115 = arith.constant 128 : i32
      %mul3A_116 = arith.muli %add3A_22, %mul3A_115 : i32
      %add3A_117 = arith.constant 16 : i32
      %add3A_118 = arith.addi %mul3A_116, %add3A_117 : i32
      %get3A_119 = arith.index_cast %add3A_118 : i32 to index
      %get3A_120 = tpu.vector_load %arg8[%get3A_119] {strides = array<i32>} : memref<10240xi32, #tpu.memory_space<vmem>>, vector<16xi32>,
      %swap3A_121 = arith.constant 16 : index
      %swap3A_122 = tpu.vector_load %arg9[%swap3A_121] {strides = array<i32>} : memref<128xi32, #tpu.memory_space<vmem>>, vector<16xi32>,
      tpu.vector_store %arg9[%swap3A_121], %get3A_120 {strides = array<i32>} : memref<128xi32, #tpu.memory_space<vmem>>, vector<16xi32>,
      %mul3A_123 = arith.constant 128 : i32
      %mul3A_124 = arith.muli %add3A_22, %mul3A_123 : i32
      %add3A_125 = arith.constant 32 : i32
      %add3A_126 = arith.addi %mul3A_124, %add3A_125 : i32
      %get3A_127 = arith.index_cast %add3A_126 : i32 to index
      %get3A_128 = tpu.vector_load %arg8[%get3A_127] {strides = array<i32>} : memref<10240xi32, #tpu.memory_space<vmem>>, vector<16xi32>,
      %swap3A_129 = arith.constant 32 : index
      %swap3A_130 = tpu.vector_load %arg9[%swap3A_129] {strides = array<i32>} : memref<128xi32, #tpu.memory_space<vmem>>, vector<16xi32>,
      tpu.vector_store %arg9[%swap3A_129], %get3A_128 {strides = array<i32>} : memref<128xi32, #tpu.memory_space<vmem>>, vector<16xi32>,
      %mul3A_131 = arith.constant 128 : i32
      %mul3A_132 = arith.muli %add3A_22, %mul3A_131 : i32
      %add3A_133 = arith.constant 48 : i32
      %add3A_134 = arith.addi %mul3A_132, %add3A_133 : i32
      %get3A_135 = arith.index_cast %add3A_134 : i32 to index
      %get3A_136 = tpu.vector_load %arg8[%get3A_135] {strides = array<i32>} : memref<10240xi32, #tpu.memory_space<vmem>>, vector<16xi32>,
      %swap3A_137 = arith.constant 48 : index
      %swap3A_138 = tpu.vector_load %arg9[%swap3A_137] {strides = array<i32>} : memref<128xi32, #tpu.memory_space<vmem>>, vector<16xi32>,
      tpu.vector_store %arg9[%swap3A_137], %get3A_136 {strides = array<i32>} : memref<128xi32, #tpu.memory_space<vmem>>, vector<16xi32>,
      %mul3A_139 = arith.constant 128 : i32
      %mul3A_140 = arith.muli %add3A_22, %mul3A_139 : i32
      %add3A_141 = arith.constant 64 : i32
      %add3A_142 = arith.addi %mul3A_140, %add3A_141 : i32
      %get3A_143 = arith.index_cast %add3A_142 : i32 to index
      %get3A_144 = tpu.vector_load %arg8[%get3A_143] {strides = array<i32>} : memref<10240xi32, #tpu.memory_space<vmem>>, vector<16xi32>,
      %swap3A_145 = arith.constant 64 : index
      %swap3A_146 = tpu.vector_load %arg9[%swap3A_145] {strides = array<i32>} : memref<128xi32, #tpu.memory_space<vmem>>, vector<16xi32>,
      tpu.vector_store %arg9[%swap3A_145], %get3A_144 {strides = array<i32>} : memref<128xi32, #tpu.memory_space<vmem>>, vector<16xi32>,
      %mul3A_147 = arith.constant 128 : i32
      %mul3A_148 = arith.muli %add3A_22, %mul3A_147 : i32
      %add3A_149 = arith.constant 80 : i32
      %add3A_150 = arith.addi %mul3A_148, %add3A_149 : i32
      %get3A_151 = arith.index_cast %add3A_150 : i32 to index
      %get3A_152 = tpu.vector_load %arg8[%get3A_151] {strides = array<i32>} : memref<10240xi32, #tpu.memory_space<vmem>>, vector<16xi32>,
      %swap3A_153 = arith.constant 80 : index
      %swap3A_154 = tpu.vector_load %arg9[%swap3A_153] {strides = array<i32>} : memref<128xi32, #tpu.memory_space<vmem>>, vector<16xi32>,
      tpu.vector_store %arg9[%swap3A_153], %get3A_152 {strides = array<i32>} : memref<128xi32, #tpu.memory_space<vmem>>, vector<16xi32>,
      %mul3A_155 = arith.constant 128 : i32
      %mul3A_156 = arith.muli %add3A_22, %mul3A_155 : i32
      %add3A_157 = arith.constant 96 : i32
      %add3A_158 = arith.addi %mul3A_156, %add3A_157 : i32
      %get3A_159 = arith.index_cast %add3A_158 : i32 to index
      %get3A_160 = tpu.vector_load %arg8[%get3A_159] {strides = array<i32>} : memref<10240xi32, #tpu.memory_space<vmem>>, vector<16xi32>,
      %swap3A_161 = arith.constant 96 : index
      %swap3A_162 = tpu.vector_load %arg9[%swap3A_161] {strides = array<i32>} : memref<128xi32, #tpu.memory_space<vmem>>, vector<16xi32>,
      tpu.vector_store %arg9[%swap3A_161], %get3A_160 {strides = array<i32>} : memref<128xi32, #tpu.memory_space<vmem>>, vector<16xi32>,
      %mul3A_163 = arith.constant 128 : i32
      %mul3A_164 = arith.muli %add3A_22, %mul3A_163 : i32
      %add3A_165 = arith.constant 112 : i32
      %add3A_166 = arith.addi %mul3A_164, %add3A_165 : i32
      %get3A_167 = arith.index_cast %add3A_166 : i32 to index
      %get3A_168 = tpu.vector_load %arg8[%get3A_167] {strides = array<i32>} : memref<10240xi32, #tpu.memory_space<vmem>>, vector<16xi32>,
      %swap3A_169 = arith.constant 112 : index
      %swap3A_170 = tpu.vector_load %arg9[%swap3A_169] {strides = array<i32>} : memref<128xi32, #tpu.memory_space<vmem>>, vector<16xi32>,
      tpu.vector_store %arg9[%swap3A_169], %get3A_168 {strides = array<i32>} : memref<128xi32, #tpu.memory_space<vmem>>, vector<16xi32>,
      "tpu.region"() ({
        %run_scoped3A = tpu.sem_alloc : memref<!tpu.dma_semaphore, #tpu.memory_space<semaphore_mem>>
        %dma_start3A_171 = arith.constant 0 : i32
        %dma_start3A_172 = arith.constant 0 : i32
        %dma_start3A_173 = tpu.memref_slice %arg13[%dma_start3A_171, %dma_start3A_172] : memref<10240x64xf32, #tpu.memory_space<vmem_shared>> -> memref<10240x64xf32, #tpu.memory_space<vmem_shared>>
        tpu.enqueue_indirect_dma source(%arg11 : memref<128x64xf32, #tpu.memory_space<vmem>>) target(%dma_start3A_173 : memref<10240x64xf32, #tpu.memory_space<vmem_shared>>) offsets(%arg9 : memref<128xi32, #tpu.memory_space<vmem>>) semaphore(%run_scoped3A : memref<!tpu.dma_semaphore, #tpu.memory_space<semaphore_mem>>) {add = true}
        %dma_wait3A_174 = arith.constant 0 : i32
        %dma_wait3A_175 = arith.constant 0 : i32
        %dma_wait3A_176 = tpu.memref_slice %arg13[%dma_wait3A_174, %dma_wait3A_175] : memref<10240x64xf32, #tpu.memory_space<vmem_shared>> -> memref<10240x64xf32, #tpu.memory_space<vmem_shared>>
        tpu.wait_indirect_dma semaphore(%run_scoped3A : memref<!tpu.dma_semaphore, #tpu.memory_space<semaphore_mem>>) src(%arg11 : memref<128x64xf32, #tpu.memory_space<vmem>>) dst(%dma_wait3A_176 : memref<10240x64xf32, #tpu.memory_space<vmem_shared>>)
        tpu.yield
      }) : () -> ()
    }
    %scan3A_16 = arith.constant 40 : i32
    %barrier3A_17 = arith.constant 0 : index
    tpu.barrier barrier_id(%barrier3A_17)
    "tpu.region"() ({
      %run_scoped3A = tpu.sem_alloc : memref<!tpu.dma_semaphore, #tpu.memory_space<semaphore_mem>>
      %dma_start3A_18 = arith.constant 0 : i32
      %dma_start3A_19 = tpu.memref_slice %arg6[%arg0, %mul3A_2, %dma_start3A_18] : memref<2x10240x64xf32, #tpu.memory_space<hbm>> -> memref<1x640x64xf32, #tpu.memory_space<hbm>>
      %dma_start3A_20 = tpu.memref_squeeze %dma_start3A_19 : memref<1x640x64xf32, #tpu.memory_space<hbm>> -> memref<640x64xf32, #tpu.memory_space<hbm>>
      %dma_start3A_21 = arith.constant 0 : i32
      %dma_start3A_22 = tpu.memref_slice %arg13[%mul3A_2, %dma_start3A_21] : memref<10240x64xf32, #tpu.memory_space<vmem_shared>> -> memref<640x64xf32, #tpu.memory_space<vmem_shared>>
      tpu.enqueue_dma source(%dma_start3A_22 : memref<640x64xf32, #tpu.memory_space<vmem_shared>>) target(%dma_start3A_20 : memref<640x64xf32, #tpu.memory_space<hbm>>) target_semaphore(%run_scoped3A : memref<!tpu.dma_semaphore, #tpu.memory_space<semaphore_mem>>)
      %dma_wait3A = arith.constant 0 : i32
      %dma_wait3A_23 = tpu.memref_slice %arg6[%arg0, %mul3A_2, %dma_wait3A] : memref<2x10240x64xf32, #tpu.memory_space<hbm>> -> memref<1x640x64xf32, #tpu.memory_space<hbm>>
      %dma_wait3A_24 = tpu.memref_squeeze %dma_wait3A_23 : memref<1x640x64xf32, #tpu.memory_space<hbm>> -> memref<640x64xf32, #tpu.memory_space<hbm>>
      %dma_wait3A_25 = arith.constant 0 : i32
      %dma_wait3A_26 = tpu.memref_slice %arg13[%mul3A_2, %dma_wait3A_25] : memref<10240x64xf32, #tpu.memory_space<vmem_shared>> -> memref<640x64xf32, #tpu.memory_space<vmem_shared>>
      tpu.wait_dma2 semaphore(%run_scoped3A : memref<!tpu.dma_semaphore, #tpu.memory_space<semaphore_mem>>) src(%dma_wait3A_26 : memref<640x64xf32, #tpu.memory_space<vmem_shared>>) dst(%dma_wait3A_24 : memref<640x64xf32, #tpu.memory_space<hbm>>)
      tpu.yield
    }) : () -> ()
    return
  }
}

#map = affine_map<(d0, d1) -> (0, 0)>
#map1 = affine_map<(d0, d1) -> (0)>
#map2 = affine_map<(d0, d1) -> (0, 0, 0)>
module attributes {stable_mosaic.version = 14 : i64} {
  func.func @agg(%arg0: i32, %arg1: i32, %arg2: memref<10240x64xf32, #tpu.memory_space<hbm>>, %arg3: memref<10240x64xf32, #tpu.memory_space<hbm>>, %arg4: memref<327680xi32, #tpu.memory_space<hbm>>, %arg5: memref<327680xi32, #tpu.memory_space<hbm>>, %arg6: memref<640x64xf32, #tpu.memory_space<hbm>>, %arg7: memref<2x10240x64xf32, #tpu.memory_space<hbm>>, %arg8: memref<2x10240x64xf32, #tpu.memory_space<hbm>>, %arg9: memref<327680xf32, #tpu.memory_space<hbm>>, %arg10: memref<10240xi32, #tpu.memory_space<vmem>>, %arg11: memref<10240xi32, #tpu.memory_space<vmem>>, %arg12: memref<128xi32, #tpu.memory_space<vmem>>, %arg13: memref<128x64xf32, #tpu.memory_space<vmem>>, %arg14: memref<128x64xf32, #tpu.memory_space<vmem>>, %arg15: memref<10240x64xf32, #tpu.memory_space<vmem_shared>>, %arg16: memref<10240x64xf32, #tpu.memory_space<vmem_shared>>, %arg17: memref<!tpu.dma_semaphore, #tpu.memory_space<semaphore_mem>>, %arg18: memref<!tpu.dma_semaphore, #tpu.memory_space<semaphore_mem>>, %arg19: memref<10240xf32, #tpu.memory_space<vmem>>) attributes {dimension_semantics = [#tpu.dimension_semantics<core_parallel>, #tpu.dimension_semantics<subcore_parallel>], iteration_bounds = array<i64: 2, 16>, scalar_prefetch = 0 : i64, scratch_operands = 10 : i64, tpu.core_type = #tpu.core_type<sc_vector_subcore>, window_params = [{transform_indices = #map}, {transform_indices = #map}, {transform_indices = #map1}, {transform_indices = #map1}, {transform_indices = #map}, {transform_indices = #map2}, {transform_indices = #map2}, {transform_indices = #map1}]} {
    %mul3A = arith.constant 2 : i32
    %mul3A_0 = arith.muli %arg1, %mul3A : i32
    %add3A = arith.addi %mul3A_0, %arg0 : i32
    %mul3A_1 = arith.constant 640 : i32
    %mul3A_2 = arith.muli %arg1, %mul3A_1 : i32
    %broadcast_in_dim3A = arith.constant 1.000000e+00 : f32
    %broadcast_in_dim3A_3 = vector.broadcast %broadcast_in_dim3A : f32 to vector<16xf32>
    "tpu.region"() ({
      %run_scoped3A = tpu.sem_alloc : memref<!tpu.dma_semaphore, #tpu.memory_space<semaphore_mem>>
      %dma_start3A_40 = arith.constant 0 : i32
      %dma_start3A_41 = tpu.memref_slice %arg15[%mul3A_2, %dma_start3A_40] : memref<10240x64xf32, #tpu.memory_space<vmem_shared>> -> memref<640x64xf32, #tpu.memory_space<vmem_shared>>
      %dma_start3A_42 = arith.constant 0 : i32
      %dma_start3A_43 = tpu.memref_slice %arg2[%mul3A_2, %dma_start3A_42] : memref<10240x64xf32, #tpu.memory_space<hbm>> -> memref<640x64xf32, #tpu.memory_space<hbm>>
      tpu.enqueue_dma source(%dma_start3A_43 : memref<640x64xf32, #tpu.memory_space<hbm>>) target(%dma_start3A_41 : memref<640x64xf32, #tpu.memory_space<vmem_shared>>) target_semaphore(%run_scoped3A : memref<!tpu.dma_semaphore, #tpu.memory_space<semaphore_mem>>)
      %dma_wait3A = arith.constant 0 : i32
      %dma_wait3A_44 = tpu.memref_slice %arg15[%mul3A_2, %dma_wait3A] : memref<10240x64xf32, #tpu.memory_space<vmem_shared>> -> memref<640x64xf32, #tpu.memory_space<vmem_shared>>
      %dma_wait3A_45 = arith.constant 0 : i32
      %dma_wait3A_46 = tpu.memref_slice %arg2[%mul3A_2, %dma_wait3A_45] : memref<10240x64xf32, #tpu.memory_space<hbm>> -> memref<640x64xf32, #tpu.memory_space<hbm>>
      tpu.wait_dma2 semaphore(%run_scoped3A : memref<!tpu.dma_semaphore, #tpu.memory_space<semaphore_mem>>) src(%dma_wait3A_46 : memref<640x64xf32, #tpu.memory_space<hbm>>) dst(%dma_wait3A_44 : memref<640x64xf32, #tpu.memory_space<vmem_shared>>)
      tpu.yield
    }) : () -> ()
    "tpu.region"() ({
      %run_scoped3A = tpu.sem_alloc : memref<!tpu.dma_semaphore, #tpu.memory_space<semaphore_mem>>
      %dma_start3A_40 = arith.constant 0 : i32
      %dma_start3A_41 = tpu.memref_slice %arg16[%mul3A_2, %dma_start3A_40] : memref<10240x64xf32, #tpu.memory_space<vmem_shared>> -> memref<640x64xf32, #tpu.memory_space<vmem_shared>>
      tpu.enqueue_dma source(%arg6 : memref<640x64xf32, #tpu.memory_space<hbm>>) target(%dma_start3A_41 : memref<640x64xf32, #tpu.memory_space<vmem_shared>>) target_semaphore(%run_scoped3A : memref<!tpu.dma_semaphore, #tpu.memory_space<semaphore_mem>>)
      %dma_wait3A = arith.constant 0 : i32
      %dma_wait3A_42 = tpu.memref_slice %arg16[%mul3A_2, %dma_wait3A] : memref<10240x64xf32, #tpu.memory_space<vmem_shared>> -> memref<640x64xf32, #tpu.memory_space<vmem_shared>>
      tpu.wait_dma2 semaphore(%run_scoped3A : memref<!tpu.dma_semaphore, #tpu.memory_space<semaphore_mem>>) src(%arg6 : memref<640x64xf32, #tpu.memory_space<hbm>>) dst(%dma_wait3A_42 : memref<640x64xf32, #tpu.memory_space<vmem_shared>>)
      tpu.yield
    }) : () -> ()
    %mul3A_4 = arith.constant 10240 : i32
    %mul3A_5 = arith.muli %add3A, %mul3A_4 : i32
    "tpu.region"() ({
      %run_scoped3A = tpu.sem_alloc : memref<!tpu.dma_semaphore, #tpu.memory_space<semaphore_mem>>
      %dma_start3A_40 = tpu.memref_slice %arg4[%mul3A_5] : memref<327680xi32, #tpu.memory_space<hbm>> -> memref<10240xi32, #tpu.memory_space<hbm>>
      %dma_start3A_41 = tpu.memref_slice %arg4[%mul3A_5] : memref<327680xi32, #tpu.memory_space<hbm>> -> memref<10240xi32, #tpu.memory_space<hbm>>
      tpu.enqueue_dma source(%dma_start3A_41 : memref<10240xi32, #tpu.memory_space<hbm>>) target(%arg10 : memref<10240xi32, #tpu.memory_space<vmem>>) target_semaphore(%run_scoped3A : memref<!tpu.dma_semaphore, #tpu.memory_space<semaphore_mem>>)
      %dma_wait3A = tpu.memref_slice %arg4[%mul3A_5] : memref<327680xi32, #tpu.memory_space<hbm>> -> memref<10240xi32, #tpu.memory_space<hbm>>
      %dma_wait3A_42 = tpu.memref_slice %arg4[%mul3A_5] : memref<327680xi32, #tpu.memory_space<hbm>> -> memref<10240xi32, #tpu.memory_space<hbm>>
      tpu.wait_dma2 semaphore(%run_scoped3A : memref<!tpu.dma_semaphore, #tpu.memory_space<semaphore_mem>>) src(%dma_wait3A_42 : memref<10240xi32, #tpu.memory_space<hbm>>) dst(%arg10 : memref<10240xi32, #tpu.memory_space<vmem>>)
      tpu.yield
    }) : () -> ()
    %mul3A_6 = arith.constant 10240 : i32
    %mul3A_7 = arith.muli %add3A, %mul3A_6 : i32
    "tpu.region"() ({
      %run_scoped3A = tpu.sem_alloc : memref<!tpu.dma_semaphore, #tpu.memory_space<semaphore_mem>>
      %dma_start3A_40 = tpu.memref_slice %arg5[%mul3A_7] : memref<327680xi32, #tpu.memory_space<hbm>> -> memref<10240xi32, #tpu.memory_space<hbm>>
      %dma_start3A_41 = tpu.memref_slice %arg5[%mul3A_7] : memref<327680xi32, #tpu.memory_space<hbm>> -> memref<10240xi32, #tpu.memory_space<hbm>>
      tpu.enqueue_dma source(%dma_start3A_41 : memref<10240xi32, #tpu.memory_space<hbm>>) target(%arg11 : memref<10240xi32, #tpu.memory_space<vmem>>) target_semaphore(%run_scoped3A : memref<!tpu.dma_semaphore, #tpu.memory_space<semaphore_mem>>)
      %dma_wait3A = tpu.memref_slice %arg5[%mul3A_7] : memref<327680xi32, #tpu.memory_space<hbm>> -> memref<10240xi32, #tpu.memory_space<hbm>>
      %dma_wait3A_42 = tpu.memref_slice %arg5[%mul3A_7] : memref<327680xi32, #tpu.memory_space<hbm>> -> memref<10240xi32, #tpu.memory_space<hbm>>
      tpu.wait_dma2 semaphore(%run_scoped3A : memref<!tpu.dma_semaphore, #tpu.memory_space<semaphore_mem>>) src(%dma_wait3A_42 : memref<10240xi32, #tpu.memory_space<hbm>>) dst(%arg11 : memref<10240xi32, #tpu.memory_space<vmem>>)
      tpu.yield
    }) : () -> ()
    %scan3A = arith.constant 0 : i32
    %scan3A_8 = arith.constant 0 : i32
    %scan3A_9 = arith.constant 640 : i32
    %scan3A_10 = arith.addi %scan3A_8, %scan3A_9 : i32
    %scan3A_11 = arith.constant 1 : i32
    scf.for %scan3A_40 = %scan3A_8 to %scan3A_10 step %scan3A_11  : i32 {
      %broadcast_in_dim3A_41 = arith.constant 0.000000e+00 : f32
      %broadcast_in_dim3A_42 = vector.broadcast %broadcast_in_dim3A_41 : f32 to vector<16xf32>
      %mul3A_43 = arith.constant 16 : i32
      %mul3A_44 = arith.muli %scan3A_40, %mul3A_43 : i32
      %swap3A = arith.index_cast %mul3A_44 : i32 to index
      %swap3A_45 = tpu.vector_load %arg19[%swap3A] {strides = array<i32>} : memref<10240xf32, #tpu.memory_space<vmem>>, vector<16xf32>,
      tpu.vector_store %arg19[%swap3A], %broadcast_in_dim3A_42 {strides = array<i32>} : memref<10240xf32, #tpu.memory_space<vmem>>, vector<16xf32>,
    }
    %scan3A_12 = arith.constant 640 : i32
    %barrier3A = arith.constant 0 : index
    tpu.barrier barrier_id(%barrier3A)
    %multiple_of3A = arith.constant 0 : i32
    %multiple_of3A_13 = tpu.assume_multiple %multiple_of3A, 128 : i32
    %dma_start3A = tpu.memref_slice %arg10[%multiple_of3A_13] : memref<10240xi32, #tpu.memory_space<vmem>> -> memref<128xi32, #tpu.memory_space<vmem>>
    %dma_start3A_14 = arith.constant 0 : i32
    %dma_start3A_15 = arith.constant 0 : i32
    %dma_start3A_16 = tpu.memref_slice %arg15[%dma_start3A_14, %dma_start3A_15] : memref<10240x64xf32, #tpu.memory_space<vmem_shared>> -> memref<10240x64xf32, #tpu.memory_space<vmem_shared>>
    tpu.enqueue_indirect_dma source(%dma_start3A_16 : memref<10240x64xf32, #tpu.memory_space<vmem_shared>>) target(%arg13 : memref<128x64xf32, #tpu.memory_space<vmem>>) offsets(%dma_start3A : memref<128xi32, #tpu.memory_space<vmem>>) semaphore(%arg17 : memref<!tpu.dma_semaphore, #tpu.memory_space<semaphore_mem>>)
    %scan3A_17 = arith.constant 0 : i32
    %scan3A_18 = arith.constant 0 : i32
    %scan3A_19 = arith.constant 40 : i32
    %scan3A_20 = arith.addi %scan3A_18, %scan3A_19 : i32
    %scan3A_21 = arith.constant 1 : i32
    scf.for %scan3A_40 = %scan3A_18 to %scan3A_20 step %scan3A_21  : i32 {
      %mul3A_41 = arith.constant 2 : i32
      %mul3A_42 = arith.muli %mul3A_41, %scan3A_40 : i32
      %add3A_43 = arith.constant 1 : i32
      %add3A_44 = arith.addi %mul3A_42, %add3A_43 : i32
      %mul3A_45 = arith.constant 128 : i32
      %mul3A_46 = arith.muli %add3A_44, %mul3A_45 : i32
      %multiple_of3A_47 = tpu.assume_multiple %mul3A_46, 128 : i32
      %dma_start3A_48 = tpu.memref_slice %arg10[%multiple_of3A_47] : memref<10240xi32, #tpu.memory_space<vmem>> -> memref<128xi32, #tpu.memory_space<vmem>>
      %dma_start3A_49 = arith.constant 0 : i32
      %dma_start3A_50 = arith.constant 0 : i32
      %dma_start3A_51 = tpu.memref_slice %arg15[%dma_start3A_49, %dma_start3A_50] : memref<10240x64xf32, #tpu.memory_space<vmem_shared>> -> memref<10240x64xf32, #tpu.memory_space<vmem_shared>>
      tpu.enqueue_indirect_dma source(%dma_start3A_51 : memref<10240x64xf32, #tpu.memory_space<vmem_shared>>) target(%arg14 : memref<128x64xf32, #tpu.memory_space<vmem>>) offsets(%dma_start3A_48 : memref<128xi32, #tpu.memory_space<vmem>>) semaphore(%arg18 : memref<!tpu.dma_semaphore, #tpu.memory_space<semaphore_mem>>)
      %mul3A_52 = arith.constant 128 : i32
      %mul3A_53 = arith.muli %mul3A_42, %mul3A_52 : i32
      %multiple_of3A_54 = tpu.assume_multiple %mul3A_53, 128 : i32
      %dma_wait3A = tpu.memref_slice %arg10[%multiple_of3A_54] : memref<10240xi32, #tpu.memory_space<vmem>> -> memref<128xi32, #tpu.memory_space<vmem>>
      %dma_wait3A_55 = arith.constant 0 : i32
      %dma_wait3A_56 = arith.constant 0 : i32
      %dma_wait3A_57 = tpu.memref_slice %arg15[%dma_wait3A_55, %dma_wait3A_56] : memref<10240x64xf32, #tpu.memory_space<vmem_shared>> -> memref<10240x64xf32, #tpu.memory_space<vmem_shared>>
      tpu.wait_indirect_dma semaphore(%arg17 : memref<!tpu.dma_semaphore, #tpu.memory_space<semaphore_mem>>) src(%dma_wait3A_57 : memref<10240x64xf32, #tpu.memory_space<vmem_shared>>) dst(%arg13 : memref<128x64xf32, #tpu.memory_space<vmem>>)
      %mul3A_58 = arith.constant 128 : i32
      %mul3A_59 = arith.muli %mul3A_42, %mul3A_58 : i32
      %add3A_60 = arith.constant 0 : i32
      %add3A_61 = arith.addi %mul3A_59, %add3A_60 : i32
      %get3A = arith.index_cast %add3A_61 : i32 to index
      %get3A_62 = tpu.vector_load %arg11[%get3A] {strides = array<i32>} : memref<10240xi32, #tpu.memory_space<vmem>>, vector<16xi32>,
      %swap3A = arith.constant 0 : index
      %swap3A_63 = tpu.vector_load %arg12[%swap3A] {strides = array<i32>} : memref<128xi32, #tpu.memory_space<vmem>>, vector<16xi32>,
      tpu.vector_store %arg12[%swap3A], %get3A_62 {strides = array<i32>} : memref<128xi32, #tpu.memory_space<vmem>>, vector<16xi32>,
      tpu.vector_store_idx %arg19[%get3A_62], %broadcast_in_dim3A_3 {add = true} : memref<10240xf32, #tpu.memory_space<vmem>>[vector<16xi32>], vector<16xf32>,
      %mul3A_64 = arith.constant 128 : i32
      %mul3A_65 = arith.muli %mul3A_42, %mul3A_64 : i32
      %add3A_66 = arith.constant 16 : i32
      %add3A_67 = arith.addi %mul3A_65, %add3A_66 : i32
      %get3A_68 = arith.index_cast %add3A_67 : i32 to index
      %get3A_69 = tpu.vector_load %arg11[%get3A_68] {strides = array<i32>} : memref<10240xi32, #tpu.memory_space<vmem>>, vector<16xi32>,
      %swap3A_70 = arith.constant 16 : index
      %swap3A_71 = tpu.vector_load %arg12[%swap3A_70] {strides = array<i32>} : memref<128xi32, #tpu.memory_space<vmem>>, vector<16xi32>,
      tpu.vector_store %arg12[%swap3A_70], %get3A_69 {strides = array<i32>} : memref<128xi32, #tpu.memory_space<vmem>>, vector<16xi32>,
      tpu.vector_store_idx %arg19[%get3A_69], %broadcast_in_dim3A_3 {add = true} : memref<10240xf32, #tpu.memory_space<vmem>>[vector<16xi32>], vector<16xf32>,
      %mul3A_72 = arith.constant 128 : i32
      %mul3A_73 = arith.muli %mul3A_42, %mul3A_72 : i32
      %add3A_74 = arith.constant 32 : i32
      %add3A_75 = arith.addi %mul3A_73, %add3A_74 : i32
      %get3A_76 = arith.index_cast %add3A_75 : i32 to index
      %get3A_77 = tpu.vector_load %arg11[%get3A_76] {strides = array<i32>} : memref<10240xi32, #tpu.memory_space<vmem>>, vector<16xi32>,
      %swap3A_78 = arith.constant 32 : index
      %swap3A_79 = tpu.vector_load %arg12[%swap3A_78] {strides = array<i32>} : memref<128xi32, #tpu.memory_space<vmem>>, vector<16xi32>,
      tpu.vector_store %arg12[%swap3A_78], %get3A_77 {strides = array<i32>} : memref<128xi32, #tpu.memory_space<vmem>>, vector<16xi32>,
      tpu.vector_store_idx %arg19[%get3A_77], %broadcast_in_dim3A_3 {add = true} : memref<10240xf32, #tpu.memory_space<vmem>>[vector<16xi32>], vector<16xf32>,
      %mul3A_80 = arith.constant 128 : i32
      %mul3A_81 = arith.muli %mul3A_42, %mul3A_80 : i32
      %add3A_82 = arith.constant 48 : i32
      %add3A_83 = arith.addi %mul3A_81, %add3A_82 : i32
      %get3A_84 = arith.index_cast %add3A_83 : i32 to index
      %get3A_85 = tpu.vector_load %arg11[%get3A_84] {strides = array<i32>} : memref<10240xi32, #tpu.memory_space<vmem>>, vector<16xi32>,
      %swap3A_86 = arith.constant 48 : index
      %swap3A_87 = tpu.vector_load %arg12[%swap3A_86] {strides = array<i32>} : memref<128xi32, #tpu.memory_space<vmem>>, vector<16xi32>,
      tpu.vector_store %arg12[%swap3A_86], %get3A_85 {strides = array<i32>} : memref<128xi32, #tpu.memory_space<vmem>>, vector<16xi32>,
      tpu.vector_store_idx %arg19[%get3A_85], %broadcast_in_dim3A_3 {add = true} : memref<10240xf32, #tpu.memory_space<vmem>>[vector<16xi32>], vector<16xf32>,
      %mul3A_88 = arith.constant 128 : i32
      %mul3A_89 = arith.muli %mul3A_42, %mul3A_88 : i32
      %add3A_90 = arith.constant 64 : i32
      %add3A_91 = arith.addi %mul3A_89, %add3A_90 : i32
      %get3A_92 = arith.index_cast %add3A_91 : i32 to index
      %get3A_93 = tpu.vector_load %arg11[%get3A_92] {strides = array<i32>} : memref<10240xi32, #tpu.memory_space<vmem>>, vector<16xi32>,
      %swap3A_94 = arith.constant 64 : index
      %swap3A_95 = tpu.vector_load %arg12[%swap3A_94] {strides = array<i32>} : memref<128xi32, #tpu.memory_space<vmem>>, vector<16xi32>,
      tpu.vector_store %arg12[%swap3A_94], %get3A_93 {strides = array<i32>} : memref<128xi32, #tpu.memory_space<vmem>>, vector<16xi32>,
      tpu.vector_store_idx %arg19[%get3A_93], %broadcast_in_dim3A_3 {add = true} : memref<10240xf32, #tpu.memory_space<vmem>>[vector<16xi32>], vector<16xf32>,
      %mul3A_96 = arith.constant 128 : i32
      %mul3A_97 = arith.muli %mul3A_42, %mul3A_96 : i32
      %add3A_98 = arith.constant 80 : i32
      %add3A_99 = arith.addi %mul3A_97, %add3A_98 : i32
      %get3A_100 = arith.index_cast %add3A_99 : i32 to index
      %get3A_101 = tpu.vector_load %arg11[%get3A_100] {strides = array<i32>} : memref<10240xi32, #tpu.memory_space<vmem>>, vector<16xi32>,
      %swap3A_102 = arith.constant 80 : index
      %swap3A_103 = tpu.vector_load %arg12[%swap3A_102] {strides = array<i32>} : memref<128xi32, #tpu.memory_space<vmem>>, vector<16xi32>,
      tpu.vector_store %arg12[%swap3A_102], %get3A_101 {strides = array<i32>} : memref<128xi32, #tpu.memory_space<vmem>>, vector<16xi32>,
      tpu.vector_store_idx %arg19[%get3A_101], %broadcast_in_dim3A_3 {add = true} : memref<10240xf32, #tpu.memory_space<vmem>>[vector<16xi32>], vector<16xf32>,
      %mul3A_104 = arith.constant 128 : i32
      %mul3A_105 = arith.muli %mul3A_42, %mul3A_104 : i32
      %add3A_106 = arith.constant 96 : i32
      %add3A_107 = arith.addi %mul3A_105, %add3A_106 : i32
      %get3A_108 = arith.index_cast %add3A_107 : i32 to index
      %get3A_109 = tpu.vector_load %arg11[%get3A_108] {strides = array<i32>} : memref<10240xi32, #tpu.memory_space<vmem>>, vector<16xi32>,
      %swap3A_110 = arith.constant 96 : index
      %swap3A_111 = tpu.vector_load %arg12[%swap3A_110] {strides = array<i32>} : memref<128xi32, #tpu.memory_space<vmem>>, vector<16xi32>,
      tpu.vector_store %arg12[%swap3A_110], %get3A_109 {strides = array<i32>} : memref<128xi32, #tpu.memory_space<vmem>>, vector<16xi32>,
      tpu.vector_store_idx %arg19[%get3A_109], %broadcast_in_dim3A_3 {add = true} : memref<10240xf32, #tpu.memory_space<vmem>>[vector<16xi32>], vector<16xf32>,
      %mul3A_112 = arith.constant 128 : i32
      %mul3A_113 = arith.muli %mul3A_42, %mul3A_112 : i32
      %add3A_114 = arith.constant 112 : i32
      %add3A_115 = arith.addi %mul3A_113, %add3A_114 : i32
      %get3A_116 = arith.index_cast %add3A_115 : i32 to index
      %get3A_117 = tpu.vector_load %arg11[%get3A_116] {strides = array<i32>} : memref<10240xi32, #tpu.memory_space<vmem>>, vector<16xi32>,
      %swap3A_118 = arith.constant 112 : index
      %swap3A_119 = tpu.vector_load %arg12[%swap3A_118] {strides = array<i32>} : memref<128xi32, #tpu.memory_space<vmem>>, vector<16xi32>,
      tpu.vector_store %arg12[%swap3A_118], %get3A_117 {strides = array<i32>} : memref<128xi32, #tpu.memory_space<vmem>>, vector<16xi32>,
      tpu.vector_store_idx %arg19[%get3A_117], %broadcast_in_dim3A_3 {add = true} : memref<10240xf32, #tpu.memory_space<vmem>>[vector<16xi32>], vector<16xf32>,
      "tpu.region"() ({
        %run_scoped3A = tpu.sem_alloc : memref<!tpu.dma_semaphore, #tpu.memory_space<semaphore_mem>>
        %dma_start3A_193 = arith.constant 0 : i32
        %dma_start3A_194 = arith.constant 0 : i32
        %dma_start3A_195 = tpu.memref_slice %arg16[%dma_start3A_193, %dma_start3A_194] : memref<10240x64xf32, #tpu.memory_space<vmem_shared>> -> memref<10240x64xf32, #tpu.memory_space<vmem_shared>>
        tpu.enqueue_indirect_dma source(%arg13 : memref<128x64xf32, #tpu.memory_space<vmem>>) target(%dma_start3A_195 : memref<10240x64xf32, #tpu.memory_space<vmem_shared>>) offsets(%arg12 : memref<128xi32, #tpu.memory_space<vmem>>) semaphore(%run_scoped3A : memref<!tpu.dma_semaphore, #tpu.memory_space<semaphore_mem>>) {add = true}
        %dma_wait3A_196 = arith.constant 0 : i32
        %dma_wait3A_197 = arith.constant 0 : i32
        %dma_wait3A_198 = tpu.memref_slice %arg16[%dma_wait3A_196, %dma_wait3A_197] : memref<10240x64xf32, #tpu.memory_space<vmem_shared>> -> memref<10240x64xf32, #tpu.memory_space<vmem_shared>>
        tpu.wait_indirect_dma semaphore(%run_scoped3A : memref<!tpu.dma_semaphore, #tpu.memory_space<semaphore_mem>>) src(%arg13 : memref<128x64xf32, #tpu.memory_space<vmem>>) dst(%dma_wait3A_198 : memref<10240x64xf32, #tpu.memory_space<vmem_shared>>)
        tpu.yield
      }) : () -> ()
      %lt3A = arith.constant 39 : i32
      %lt3A_120 = arith.cmpi slt, %scan3A_40, %lt3A : i32
      %convert_element_type3A = arith.extui %lt3A_120 : i1 to i32
      %cond3A = arith.constant 0 : i32
      %cond3A_121 = arith.cmpi ne, %convert_element_type3A, %cond3A : i32
      scf.if %cond3A_121 {
        %add3A_193 = arith.constant 2 : i32
        %add3A_194 = arith.addi %mul3A_42, %add3A_193 : i32
        %mul3A_195 = arith.constant 128 : i32
        %mul3A_196 = arith.muli %add3A_194, %mul3A_195 : i32
        %multiple_of3A_197 = tpu.assume_multiple %mul3A_196, 128 : i32
        %dma_start3A_198 = tpu.memref_slice %arg10[%multiple_of3A_197] : memref<10240xi32, #tpu.memory_space<vmem>> -> memref<128xi32, #tpu.memory_space<vmem>>
        %dma_start3A_199 = arith.constant 0 : i32
        %dma_start3A_200 = arith.constant 0 : i32
        %dma_start3A_201 = tpu.memref_slice %arg15[%dma_start3A_199, %dma_start3A_200] : memref<10240x64xf32, #tpu.memory_space<vmem_shared>> -> memref<10240x64xf32, #tpu.memory_space<vmem_shared>>
        tpu.enqueue_indirect_dma source(%dma_start3A_201 : memref<10240x64xf32, #tpu.memory_space<vmem_shared>>) target(%arg13 : memref<128x64xf32, #tpu.memory_space<vmem>>) offsets(%dma_start3A_198 : memref<128xi32, #tpu.memory_space<vmem>>) semaphore(%arg17 : memref<!tpu.dma_semaphore, #tpu.memory_space<semaphore_mem>>)
      } else {
      }
      %mul3A_122 = arith.constant 128 : i32
      %mul3A_123 = arith.muli %add3A_44, %mul3A_122 : i32
      %multiple_of3A_124 = tpu.assume_multiple %mul3A_123, 128 : i32
      %dma_wait3A_125 = tpu.memref_slice %arg10[%multiple_of3A_124] : memref<10240xi32, #tpu.memory_space<vmem>> -> memref<128xi32, #tpu.memory_space<vmem>>
      %dma_wait3A_126 = arith.constant 0 : i32
      %dma_wait3A_127 = arith.constant 0 : i32
      %dma_wait3A_128 = tpu.memref_slice %arg15[%dma_wait3A_126, %dma_wait3A_127] : memref<10240x64xf32, #tpu.memory_space<vmem_shared>> -> memref<10240x64xf32, #tpu.memory_space<vmem_shared>>
      tpu.wait_indirect_dma semaphore(%arg18 : memref<!tpu.dma_semaphore, #tpu.memory_space<semaphore_mem>>) src(%dma_wait3A_128 : memref<10240x64xf32, #tpu.memory_space<vmem_shared>>) dst(%arg14 : memref<128x64xf32, #tpu.memory_space<vmem>>)
      %mul3A_129 = arith.constant 128 : i32
      %mul3A_130 = arith.muli %add3A_44, %mul3A_129 : i32
      %add3A_131 = arith.constant 0 : i32
      %add3A_132 = arith.addi %mul3A_130, %add3A_131 : i32
      %get3A_133 = arith.index_cast %add3A_132 : i32 to index
      %get3A_134 = tpu.vector_load %arg11[%get3A_133] {strides = array<i32>} : memref<10240xi32, #tpu.memory_space<vmem>>, vector<16xi32>,
      %swap3A_135 = arith.constant 0 : index
      %swap3A_136 = tpu.vector_load %arg12[%swap3A_135] {strides = array<i32>} : memref<128xi32, #tpu.memory_space<vmem>>, vector<16xi32>,
      tpu.vector_store %arg12[%swap3A_135], %get3A_134 {strides = array<i32>} : memref<128xi32, #tpu.memory_space<vmem>>, vector<16xi32>,
      tpu.vector_store_idx %arg19[%get3A_134], %broadcast_in_dim3A_3 {add = true} : memref<10240xf32, #tpu.memory_space<vmem>>[vector<16xi32>], vector<16xf32>,
      %mul3A_137 = arith.constant 128 : i32
      %mul3A_138 = arith.muli %add3A_44, %mul3A_137 : i32
      %add3A_139 = arith.constant 16 : i32
      %add3A_140 = arith.addi %mul3A_138, %add3A_139 : i32
      %get3A_141 = arith.index_cast %add3A_140 : i32 to index
      %get3A_142 = tpu.vector_load %arg11[%get3A_141] {strides = array<i32>} : memref<10240xi32, #tpu.memory_space<vmem>>, vector<16xi32>,
      %swap3A_143 = arith.constant 16 : index
      %swap3A_144 = tpu.vector_load %arg12[%swap3A_143] {strides = array<i32>} : memref<128xi32, #tpu.memory_space<vmem>>, vector<16xi32>,
      tpu.vector_store %arg12[%swap3A_143], %get3A_142 {strides = array<i32>} : memref<128xi32, #tpu.memory_space<vmem>>, vector<16xi32>,
      tpu.vector_store_idx %arg19[%get3A_142], %broadcast_in_dim3A_3 {add = true} : memref<10240xf32, #tpu.memory_space<vmem>>[vector<16xi32>], vector<16xf32>,
      %mul3A_145 = arith.constant 128 : i32
      %mul3A_146 = arith.muli %add3A_44, %mul3A_145 : i32
      %add3A_147 = arith.constant 32 : i32
      %add3A_148 = arith.addi %mul3A_146, %add3A_147 : i32
      %get3A_149 = arith.index_cast %add3A_148 : i32 to index
      %get3A_150 = tpu.vector_load %arg11[%get3A_149] {strides = array<i32>} : memref<10240xi32, #tpu.memory_space<vmem>>, vector<16xi32>,
      %swap3A_151 = arith.constant 32 : index
      %swap3A_152 = tpu.vector_load %arg12[%swap3A_151] {strides = array<i32>} : memref<128xi32, #tpu.memory_space<vmem>>, vector<16xi32>,
      tpu.vector_store %arg12[%swap3A_151], %get3A_150 {strides = array<i32>} : memref<128xi32, #tpu.memory_space<vmem>>, vector<16xi32>,
      tpu.vector_store_idx %arg19[%get3A_150], %broadcast_in_dim3A_3 {add = true} : memref<10240xf32, #tpu.memory_space<vmem>>[vector<16xi32>], vector<16xf32>,
      %mul3A_153 = arith.constant 128 : i32
      %mul3A_154 = arith.muli %add3A_44, %mul3A_153 : i32
      %add3A_155 = arith.constant 48 : i32
      %add3A_156 = arith.addi %mul3A_154, %add3A_155 : i32
      %get3A_157 = arith.index_cast %add3A_156 : i32 to index
      %get3A_158 = tpu.vector_load %arg11[%get3A_157] {strides = array<i32>} : memref<10240xi32, #tpu.memory_space<vmem>>, vector<16xi32>,
      %swap3A_159 = arith.constant 48 : index
      %swap3A_160 = tpu.vector_load %arg12[%swap3A_159] {strides = array<i32>} : memref<128xi32, #tpu.memory_space<vmem>>, vector<16xi32>,
      tpu.vector_store %arg12[%swap3A_159], %get3A_158 {strides = array<i32>} : memref<128xi32, #tpu.memory_space<vmem>>, vector<16xi32>,
      tpu.vector_store_idx %arg19[%get3A_158], %broadcast_in_dim3A_3 {add = true} : memref<10240xf32, #tpu.memory_space<vmem>>[vector<16xi32>], vector<16xf32>,
      %mul3A_161 = arith.constant 128 : i32
      %mul3A_162 = arith.muli %add3A_44, %mul3A_161 : i32
      %add3A_163 = arith.constant 64 : i32
      %add3A_164 = arith.addi %mul3A_162, %add3A_163 : i32
      %get3A_165 = arith.index_cast %add3A_164 : i32 to index
      %get3A_166 = tpu.vector_load %arg11[%get3A_165] {strides = array<i32>} : memref<10240xi32, #tpu.memory_space<vmem>>, vector<16xi32>,
      %swap3A_167 = arith.constant 64 : index
      %swap3A_168 = tpu.vector_load %arg12[%swap3A_167] {strides = array<i32>} : memref<128xi32, #tpu.memory_space<vmem>>, vector<16xi32>,
      tpu.vector_store %arg12[%swap3A_167], %get3A_166 {strides = array<i32>} : memref<128xi32, #tpu.memory_space<vmem>>, vector<16xi32>,
      tpu.vector_store_idx %arg19[%get3A_166], %broadcast_in_dim3A_3 {add = true} : memref<10240xf32, #tpu.memory_space<vmem>>[vector<16xi32>], vector<16xf32>,
      %mul3A_169 = arith.constant 128 : i32
      %mul3A_170 = arith.muli %add3A_44, %mul3A_169 : i32
      %add3A_171 = arith.constant 80 : i32
      %add3A_172 = arith.addi %mul3A_170, %add3A_171 : i32
      %get3A_173 = arith.index_cast %add3A_172 : i32 to index
      %get3A_174 = tpu.vector_load %arg11[%get3A_173] {strides = array<i32>} : memref<10240xi32, #tpu.memory_space<vmem>>, vector<16xi32>,
      %swap3A_175 = arith.constant 80 : index
      %swap3A_176 = tpu.vector_load %arg12[%swap3A_175] {strides = array<i32>} : memref<128xi32, #tpu.memory_space<vmem>>, vector<16xi32>,
      tpu.vector_store %arg12[%swap3A_175], %get3A_174 {strides = array<i32>} : memref<128xi32, #tpu.memory_space<vmem>>, vector<16xi32>,
      tpu.vector_store_idx %arg19[%get3A_174], %broadcast_in_dim3A_3 {add = true} : memref<10240xf32, #tpu.memory_space<vmem>>[vector<16xi32>], vector<16xf32>,
      %mul3A_177 = arith.constant 128 : i32
      %mul3A_178 = arith.muli %add3A_44, %mul3A_177 : i32
      %add3A_179 = arith.constant 96 : i32
      %add3A_180 = arith.addi %mul3A_178, %add3A_179 : i32
      %get3A_181 = arith.index_cast %add3A_180 : i32 to index
      %get3A_182 = tpu.vector_load %arg11[%get3A_181] {strides = array<i32>} : memref<10240xi32, #tpu.memory_space<vmem>>, vector<16xi32>,
      %swap3A_183 = arith.constant 96 : index
      %swap3A_184 = tpu.vector_load %arg12[%swap3A_183] {strides = array<i32>} : memref<128xi32, #tpu.memory_space<vmem>>, vector<16xi32>,
      tpu.vector_store %arg12[%swap3A_183], %get3A_182 {strides = array<i32>} : memref<128xi32, #tpu.memory_space<vmem>>, vector<16xi32>,
      tpu.vector_store_idx %arg19[%get3A_182], %broadcast_in_dim3A_3 {add = true} : memref<10240xf32, #tpu.memory_space<vmem>>[vector<16xi32>], vector<16xf32>,
      %mul3A_185 = arith.constant 128 : i32
      %mul3A_186 = arith.muli %add3A_44, %mul3A_185 : i32
      %add3A_187 = arith.constant 112 : i32
      %add3A_188 = arith.addi %mul3A_186, %add3A_187 : i32
      %get3A_189 = arith.index_cast %add3A_188 : i32 to index
      %get3A_190 = tpu.vector_load %arg11[%get3A_189] {strides = array<i32>} : memref<10240xi32, #tpu.memory_space<vmem>>, vector<16xi32>,
      %swap3A_191 = arith.constant 112 : index
      %swap3A_192 = tpu.vector_load %arg12[%swap3A_191] {strides = array<i32>} : memref<128xi32, #tpu.memory_space<vmem>>, vector<16xi32>,
      tpu.vector_store %arg12[%swap3A_191], %get3A_190 {strides = array<i32>} : memref<128xi32, #tpu.memory_space<vmem>>, vector<16xi32>,
      tpu.vector_store_idx %arg19[%get3A_190], %broadcast_in_dim3A_3 {add = true} : memref<10240xf32, #tpu.memory_space<vmem>>[vector<16xi32>], vector<16xf32>,
      "tpu.region"() ({
        %run_scoped3A = tpu.sem_alloc : memref<!tpu.dma_semaphore, #tpu.memory_space<semaphore_mem>>
        %dma_start3A_193 = arith.constant 0 : i32
        %dma_start3A_194 = arith.constant 0 : i32
        %dma_start3A_195 = tpu.memref_slice %arg16[%dma_start3A_193, %dma_start3A_194] : memref<10240x64xf32, #tpu.memory_space<vmem_shared>> -> memref<10240x64xf32, #tpu.memory_space<vmem_shared>>
        tpu.enqueue_indirect_dma source(%arg14 : memref<128x64xf32, #tpu.memory_space<vmem>>) target(%dma_start3A_195 : memref<10240x64xf32, #tpu.memory_space<vmem_shared>>) offsets(%arg12 : memref<128xi32, #tpu.memory_space<vmem>>) semaphore(%run_scoped3A : memref<!tpu.dma_semaphore, #tpu.memory_space<semaphore_mem>>) {add = true}
        %dma_wait3A_196 = arith.constant 0 : i32
        %dma_wait3A_197 = arith.constant 0 : i32
        %dma_wait3A_198 = tpu.memref_slice %arg16[%dma_wait3A_196, %dma_wait3A_197] : memref<10240x64xf32, #tpu.memory_space<vmem_shared>> -> memref<10240x64xf32, #tpu.memory_space<vmem_shared>>
        tpu.wait_indirect_dma semaphore(%run_scoped3A : memref<!tpu.dma_semaphore, #tpu.memory_space<semaphore_mem>>) src(%arg14 : memref<128x64xf32, #tpu.memory_space<vmem>>) dst(%dma_wait3A_198 : memref<10240x64xf32, #tpu.memory_space<vmem_shared>>)
        tpu.yield
      }) : () -> ()
    }
    %scan3A_22 = arith.constant 40 : i32
    %barrier3A_23 = arith.constant 0 : index
    tpu.barrier barrier_id(%barrier3A_23)
    "tpu.region"() ({
      %run_scoped3A = tpu.sem_alloc : memref<!tpu.dma_semaphore, #tpu.memory_space<semaphore_mem>>
      %dma_start3A_40 = arith.constant 0 : i32
      %dma_start3A_41 = tpu.memref_slice %arg7[%arg0, %mul3A_2, %dma_start3A_40] : memref<2x10240x64xf32, #tpu.memory_space<hbm>> -> memref<1x640x64xf32, #tpu.memory_space<hbm>>
      %dma_start3A_42 = tpu.memref_squeeze %dma_start3A_41 : memref<1x640x64xf32, #tpu.memory_space<hbm>> -> memref<640x64xf32, #tpu.memory_space<hbm>>
      %dma_start3A_43 = arith.constant 0 : i32
      %dma_start3A_44 = tpu.memref_slice %arg16[%mul3A_2, %dma_start3A_43] : memref<10240x64xf32, #tpu.memory_space<vmem_shared>> -> memref<640x64xf32, #tpu.memory_space<vmem_shared>>
      tpu.enqueue_dma source(%dma_start3A_44 : memref<640x64xf32, #tpu.memory_space<vmem_shared>>) target(%dma_start3A_42 : memref<640x64xf32, #tpu.memory_space<hbm>>) target_semaphore(%run_scoped3A : memref<!tpu.dma_semaphore, #tpu.memory_space<semaphore_mem>>)
      %dma_wait3A = arith.constant 0 : i32
      %dma_wait3A_45 = tpu.memref_slice %arg7[%arg0, %mul3A_2, %dma_wait3A] : memref<2x10240x64xf32, #tpu.memory_space<hbm>> -> memref<1x640x64xf32, #tpu.memory_space<hbm>>
      %dma_wait3A_46 = tpu.memref_squeeze %dma_wait3A_45 : memref<1x640x64xf32, #tpu.memory_space<hbm>> -> memref<640x64xf32, #tpu.memory_space<hbm>>
      %dma_wait3A_47 = arith.constant 0 : i32
      %dma_wait3A_48 = tpu.memref_slice %arg16[%mul3A_2, %dma_wait3A_47] : memref<10240x64xf32, #tpu.memory_space<vmem_shared>> -> memref<640x64xf32, #tpu.memory_space<vmem_shared>>
      tpu.wait_dma2 semaphore(%run_scoped3A : memref<!tpu.dma_semaphore, #tpu.memory_space<semaphore_mem>>) src(%dma_wait3A_48 : memref<640x64xf32, #tpu.memory_space<vmem_shared>>) dst(%dma_wait3A_46 : memref<640x64xf32, #tpu.memory_space<hbm>>)
      tpu.yield
    }) : () -> ()
    "tpu.region"() ({
      %run_scoped3A = tpu.sem_alloc : memref<!tpu.dma_semaphore, #tpu.memory_space<semaphore_mem>>
      %dma_start3A_40 = arith.constant 0 : i32
      %dma_start3A_41 = tpu.memref_slice %arg15[%mul3A_2, %dma_start3A_40] : memref<10240x64xf32, #tpu.memory_space<vmem_shared>> -> memref<640x64xf32, #tpu.memory_space<vmem_shared>>
      %dma_start3A_42 = arith.constant 0 : i32
      %dma_start3A_43 = tpu.memref_slice %arg3[%mul3A_2, %dma_start3A_42] : memref<10240x64xf32, #tpu.memory_space<hbm>> -> memref<640x64xf32, #tpu.memory_space<hbm>>
      tpu.enqueue_dma source(%dma_start3A_43 : memref<640x64xf32, #tpu.memory_space<hbm>>) target(%dma_start3A_41 : memref<640x64xf32, #tpu.memory_space<vmem_shared>>) target_semaphore(%run_scoped3A : memref<!tpu.dma_semaphore, #tpu.memory_space<semaphore_mem>>)
      %dma_wait3A = arith.constant 0 : i32
      %dma_wait3A_44 = tpu.memref_slice %arg15[%mul3A_2, %dma_wait3A] : memref<10240x64xf32, #tpu.memory_space<vmem_shared>> -> memref<640x64xf32, #tpu.memory_space<vmem_shared>>
      %dma_wait3A_45 = arith.constant 0 : i32
      %dma_wait3A_46 = tpu.memref_slice %arg3[%mul3A_2, %dma_wait3A_45] : memref<10240x64xf32, #tpu.memory_space<hbm>> -> memref<640x64xf32, #tpu.memory_space<hbm>>
      tpu.wait_dma2 semaphore(%run_scoped3A : memref<!tpu.dma_semaphore, #tpu.memory_space<semaphore_mem>>) src(%dma_wait3A_46 : memref<640x64xf32, #tpu.memory_space<hbm>>) dst(%dma_wait3A_44 : memref<640x64xf32, #tpu.memory_space<vmem_shared>>)
      tpu.yield
    }) : () -> ()
    "tpu.region"() ({
      %run_scoped3A = tpu.sem_alloc : memref<!tpu.dma_semaphore, #tpu.memory_space<semaphore_mem>>
      %dma_start3A_40 = arith.constant 0 : i32
      %dma_start3A_41 = tpu.memref_slice %arg16[%mul3A_2, %dma_start3A_40] : memref<10240x64xf32, #tpu.memory_space<vmem_shared>> -> memref<640x64xf32, #tpu.memory_space<vmem_shared>>
      tpu.enqueue_dma source(%arg6 : memref<640x64xf32, #tpu.memory_space<hbm>>) target(%dma_start3A_41 : memref<640x64xf32, #tpu.memory_space<vmem_shared>>) target_semaphore(%run_scoped3A : memref<!tpu.dma_semaphore, #tpu.memory_space<semaphore_mem>>)
      %dma_wait3A = arith.constant 0 : i32
      %dma_wait3A_42 = tpu.memref_slice %arg16[%mul3A_2, %dma_wait3A] : memref<10240x64xf32, #tpu.memory_space<vmem_shared>> -> memref<640x64xf32, #tpu.memory_space<vmem_shared>>
      tpu.wait_dma2 semaphore(%run_scoped3A : memref<!tpu.dma_semaphore, #tpu.memory_space<semaphore_mem>>) src(%arg6 : memref<640x64xf32, #tpu.memory_space<hbm>>) dst(%dma_wait3A_42 : memref<640x64xf32, #tpu.memory_space<vmem_shared>>)
      tpu.yield
    }) : () -> ()
    %barrier3A_24 = arith.constant 0 : index
    tpu.barrier barrier_id(%barrier3A_24)
    %multiple_of3A_25 = arith.constant 0 : i32
    %multiple_of3A_26 = tpu.assume_multiple %multiple_of3A_25, 128 : i32
    %dma_start3A_27 = tpu.memref_slice %arg10[%multiple_of3A_26] : memref<10240xi32, #tpu.memory_space<vmem>> -> memref<128xi32, #tpu.memory_space<vmem>>
    %dma_start3A_28 = arith.constant 0 : i32
    %dma_start3A_29 = arith.constant 0 : i32
    %dma_start3A_30 = tpu.memref_slice %arg15[%dma_start3A_28, %dma_start3A_29] : memref<10240x64xf32, #tpu.memory_space<vmem_shared>> -> memref<10240x64xf32, #tpu.memory_space<vmem_shared>>
    tpu.enqueue_indirect_dma source(%dma_start3A_30 : memref<10240x64xf32, #tpu.memory_space<vmem_shared>>) target(%arg13 : memref<128x64xf32, #tpu.memory_space<vmem>>) offsets(%dma_start3A_27 : memref<128xi32, #tpu.memory_space<vmem>>) semaphore(%arg17 : memref<!tpu.dma_semaphore, #tpu.memory_space<semaphore_mem>>)
    %scan3A_31 = arith.constant 0 : i32
    %scan3A_32 = arith.constant 0 : i32
    %scan3A_33 = arith.constant 40 : i32
    %scan3A_34 = arith.addi %scan3A_32, %scan3A_33 : i32
    %scan3A_35 = arith.constant 1 : i32
    scf.for %scan3A_40 = %scan3A_32 to %scan3A_34 step %scan3A_35  : i32 {
      %mul3A_41 = arith.constant 2 : i32
      %mul3A_42 = arith.muli %mul3A_41, %scan3A_40 : i32
      %add3A_43 = arith.constant 1 : i32
      %add3A_44 = arith.addi %mul3A_42, %add3A_43 : i32
      %mul3A_45 = arith.constant 128 : i32
      %mul3A_46 = arith.muli %add3A_44, %mul3A_45 : i32
      %multiple_of3A_47 = tpu.assume_multiple %mul3A_46, 128 : i32
      %dma_start3A_48 = tpu.memref_slice %arg10[%multiple_of3A_47] : memref<10240xi32, #tpu.memory_space<vmem>> -> memref<128xi32, #tpu.memory_space<vmem>>
      %dma_start3A_49 = arith.constant 0 : i32
      %dma_start3A_50 = arith.constant 0 : i32
      %dma_start3A_51 = tpu.memref_slice %arg15[%dma_start3A_49, %dma_start3A_50] : memref<10240x64xf32, #tpu.memory_space<vmem_shared>> -> memref<10240x64xf32, #tpu.memory_space<vmem_shared>>
      tpu.enqueue_indirect_dma source(%dma_start3A_51 : memref<10240x64xf32, #tpu.memory_space<vmem_shared>>) target(%arg14 : memref<128x64xf32, #tpu.memory_space<vmem>>) offsets(%dma_start3A_48 : memref<128xi32, #tpu.memory_space<vmem>>) semaphore(%arg18 : memref<!tpu.dma_semaphore, #tpu.memory_space<semaphore_mem>>)
      %mul3A_52 = arith.constant 128 : i32
      %mul3A_53 = arith.muli %mul3A_42, %mul3A_52 : i32
      %multiple_of3A_54 = tpu.assume_multiple %mul3A_53, 128 : i32
      %dma_wait3A = tpu.memref_slice %arg10[%multiple_of3A_54] : memref<10240xi32, #tpu.memory_space<vmem>> -> memref<128xi32, #tpu.memory_space<vmem>>
      %dma_wait3A_55 = arith.constant 0 : i32
      %dma_wait3A_56 = arith.constant 0 : i32
      %dma_wait3A_57 = tpu.memref_slice %arg15[%dma_wait3A_55, %dma_wait3A_56] : memref<10240x64xf32, #tpu.memory_space<vmem_shared>> -> memref<10240x64xf32, #tpu.memory_space<vmem_shared>>
      tpu.wait_indirect_dma semaphore(%arg17 : memref<!tpu.dma_semaphore, #tpu.memory_space<semaphore_mem>>) src(%dma_wait3A_57 : memref<10240x64xf32, #tpu.memory_space<vmem_shared>>) dst(%arg13 : memref<128x64xf32, #tpu.memory_space<vmem>>)
      %mul3A_58 = arith.constant 128 : i32
      %mul3A_59 = arith.muli %mul3A_42, %mul3A_58 : i32
      %add3A_60 = arith.constant 0 : i32
      %add3A_61 = arith.addi %mul3A_59, %add3A_60 : i32
      %get3A = arith.index_cast %add3A_61 : i32 to index
      %get3A_62 = tpu.vector_load %arg11[%get3A] {strides = array<i32>} : memref<10240xi32, #tpu.memory_space<vmem>>, vector<16xi32>,
      %swap3A = arith.constant 0 : index
      %swap3A_63 = tpu.vector_load %arg12[%swap3A] {strides = array<i32>} : memref<128xi32, #tpu.memory_space<vmem>>, vector<16xi32>,
      tpu.vector_store %arg12[%swap3A], %get3A_62 {strides = array<i32>} : memref<128xi32, #tpu.memory_space<vmem>>, vector<16xi32>,
      %mul3A_64 = arith.constant 128 : i32
      %mul3A_65 = arith.muli %mul3A_42, %mul3A_64 : i32
      %add3A_66 = arith.constant 16 : i32
      %add3A_67 = arith.addi %mul3A_65, %add3A_66 : i32
      %get3A_68 = arith.index_cast %add3A_67 : i32 to index
      %get3A_69 = tpu.vector_load %arg11[%get3A_68] {strides = array<i32>} : memref<10240xi32, #tpu.memory_space<vmem>>, vector<16xi32>,
      %swap3A_70 = arith.constant 16 : index
      %swap3A_71 = tpu.vector_load %arg12[%swap3A_70] {strides = array<i32>} : memref<128xi32, #tpu.memory_space<vmem>>, vector<16xi32>,
      tpu.vector_store %arg12[%swap3A_70], %get3A_69 {strides = array<i32>} : memref<128xi32, #tpu.memory_space<vmem>>, vector<16xi32>,
      %mul3A_72 = arith.constant 128 : i32
      %mul3A_73 = arith.muli %mul3A_42, %mul3A_72 : i32
      %add3A_74 = arith.constant 32 : i32
      %add3A_75 = arith.addi %mul3A_73, %add3A_74 : i32
      %get3A_76 = arith.index_cast %add3A_75 : i32 to index
      %get3A_77 = tpu.vector_load %arg11[%get3A_76] {strides = array<i32>} : memref<10240xi32, #tpu.memory_space<vmem>>, vector<16xi32>,
      %swap3A_78 = arith.constant 32 : index
      %swap3A_79 = tpu.vector_load %arg12[%swap3A_78] {strides = array<i32>} : memref<128xi32, #tpu.memory_space<vmem>>, vector<16xi32>,
      tpu.vector_store %arg12[%swap3A_78], %get3A_77 {strides = array<i32>} : memref<128xi32, #tpu.memory_space<vmem>>, vector<16xi32>,
      %mul3A_80 = arith.constant 128 : i32
      %mul3A_81 = arith.muli %mul3A_42, %mul3A_80 : i32
      %add3A_82 = arith.constant 48 : i32
      %add3A_83 = arith.addi %mul3A_81, %add3A_82 : i32
      %get3A_84 = arith.index_cast %add3A_83 : i32 to index
      %get3A_85 = tpu.vector_load %arg11[%get3A_84] {strides = array<i32>} : memref<10240xi32, #tpu.memory_space<vmem>>, vector<16xi32>,
      %swap3A_86 = arith.constant 48 : index
      %swap3A_87 = tpu.vector_load %arg12[%swap3A_86] {strides = array<i32>} : memref<128xi32, #tpu.memory_space<vmem>>, vector<16xi32>,
      tpu.vector_store %arg12[%swap3A_86], %get3A_85 {strides = array<i32>} : memref<128xi32, #tpu.memory_space<vmem>>, vector<16xi32>,
      %mul3A_88 = arith.constant 128 : i32
      %mul3A_89 = arith.muli %mul3A_42, %mul3A_88 : i32
      %add3A_90 = arith.constant 64 : i32
      %add3A_91 = arith.addi %mul3A_89, %add3A_90 : i32
      %get3A_92 = arith.index_cast %add3A_91 : i32 to index
      %get3A_93 = tpu.vector_load %arg11[%get3A_92] {strides = array<i32>} : memref<10240xi32, #tpu.memory_space<vmem>>, vector<16xi32>,
      %swap3A_94 = arith.constant 64 : index
      %swap3A_95 = tpu.vector_load %arg12[%swap3A_94] {strides = array<i32>} : memref<128xi32, #tpu.memory_space<vmem>>, vector<16xi32>,
      tpu.vector_store %arg12[%swap3A_94], %get3A_93 {strides = array<i32>} : memref<128xi32, #tpu.memory_space<vmem>>, vector<16xi32>,
      %mul3A_96 = arith.constant 128 : i32
      %mul3A_97 = arith.muli %mul3A_42, %mul3A_96 : i32
      %add3A_98 = arith.constant 80 : i32
      %add3A_99 = arith.addi %mul3A_97, %add3A_98 : i32
      %get3A_100 = arith.index_cast %add3A_99 : i32 to index
      %get3A_101 = tpu.vector_load %arg11[%get3A_100] {strides = array<i32>} : memref<10240xi32, #tpu.memory_space<vmem>>, vector<16xi32>,
      %swap3A_102 = arith.constant 80 : index
      %swap3A_103 = tpu.vector_load %arg12[%swap3A_102] {strides = array<i32>} : memref<128xi32, #tpu.memory_space<vmem>>, vector<16xi32>,
      tpu.vector_store %arg12[%swap3A_102], %get3A_101 {strides = array<i32>} : memref<128xi32, #tpu.memory_space<vmem>>, vector<16xi32>,
      %mul3A_104 = arith.constant 128 : i32
      %mul3A_105 = arith.muli %mul3A_42, %mul3A_104 : i32
      %add3A_106 = arith.constant 96 : i32
      %add3A_107 = arith.addi %mul3A_105, %add3A_106 : i32
      %get3A_108 = arith.index_cast %add3A_107 : i32 to index
      %get3A_109 = tpu.vector_load %arg11[%get3A_108] {strides = array<i32>} : memref<10240xi32, #tpu.memory_space<vmem>>, vector<16xi32>,
      %swap3A_110 = arith.constant 96 : index
      %swap3A_111 = tpu.vector_load %arg12[%swap3A_110] {strides = array<i32>} : memref<128xi32, #tpu.memory_space<vmem>>, vector<16xi32>,
      tpu.vector_store %arg12[%swap3A_110], %get3A_109 {strides = array<i32>} : memref<128xi32, #tpu.memory_space<vmem>>, vector<16xi32>,
      %mul3A_112 = arith.constant 128 : i32
      %mul3A_113 = arith.muli %mul3A_42, %mul3A_112 : i32
      %add3A_114 = arith.constant 112 : i32
      %add3A_115 = arith.addi %mul3A_113, %add3A_114 : i32
      %get3A_116 = arith.index_cast %add3A_115 : i32 to index
      %get3A_117 = tpu.vector_load %arg11[%get3A_116] {strides = array<i32>} : memref<10240xi32, #tpu.memory_space<vmem>>, vector<16xi32>,
      %swap3A_118 = arith.constant 112 : index
      %swap3A_119 = tpu.vector_load %arg12[%swap3A_118] {strides = array<i32>} : memref<128xi32, #tpu.memory_space<vmem>>, vector<16xi32>,
      tpu.vector_store %arg12[%swap3A_118], %get3A_117 {strides = array<i32>} : memref<128xi32, #tpu.memory_space<vmem>>, vector<16xi32>,
      "tpu.region"() ({
        %run_scoped3A = tpu.sem_alloc : memref<!tpu.dma_semaphore, #tpu.memory_space<semaphore_mem>>
        %dma_start3A_193 = arith.constant 0 : i32
        %dma_start3A_194 = arith.constant 0 : i32
        %dma_start3A_195 = tpu.memref_slice %arg16[%dma_start3A_193, %dma_start3A_194] : memref<10240x64xf32, #tpu.memory_space<vmem_shared>> -> memref<10240x64xf32, #tpu.memory_space<vmem_shared>>
        tpu.enqueue_indirect_dma source(%arg13 : memref<128x64xf32, #tpu.memory_space<vmem>>) target(%dma_start3A_195 : memref<10240x64xf32, #tpu.memory_space<vmem_shared>>) offsets(%arg12 : memref<128xi32, #tpu.memory_space<vmem>>) semaphore(%run_scoped3A : memref<!tpu.dma_semaphore, #tpu.memory_space<semaphore_mem>>) {add = true}
        %dma_wait3A_196 = arith.constant 0 : i32
        %dma_wait3A_197 = arith.constant 0 : i32
        %dma_wait3A_198 = tpu.memref_slice %arg16[%dma_wait3A_196, %dma_wait3A_197] : memref<10240x64xf32, #tpu.memory_space<vmem_shared>> -> memref<10240x64xf32, #tpu.memory_space<vmem_shared>>
        tpu.wait_indirect_dma semaphore(%run_scoped3A : memref<!tpu.dma_semaphore, #tpu.memory_space<semaphore_mem>>) src(%arg13 : memref<128x64xf32, #tpu.memory_space<vmem>>) dst(%dma_wait3A_198 : memref<10240x64xf32, #tpu.memory_space<vmem_shared>>)
        tpu.yield
      }) : () -> ()
      %lt3A = arith.constant 39 : i32
      %lt3A_120 = arith.cmpi slt, %scan3A_40, %lt3A : i32
      %convert_element_type3A = arith.extui %lt3A_120 : i1 to i32
      %cond3A = arith.constant 0 : i32
      %cond3A_121 = arith.cmpi ne, %convert_element_type3A, %cond3A : i32
      scf.if %cond3A_121 {
        %add3A_193 = arith.constant 2 : i32
        %add3A_194 = arith.addi %mul3A_42, %add3A_193 : i32
        %mul3A_195 = arith.constant 128 : i32
        %mul3A_196 = arith.muli %add3A_194, %mul3A_195 : i32
        %multiple_of3A_197 = tpu.assume_multiple %mul3A_196, 128 : i32
        %dma_start3A_198 = tpu.memref_slice %arg10[%multiple_of3A_197] : memref<10240xi32, #tpu.memory_space<vmem>> -> memref<128xi32, #tpu.memory_space<vmem>>
        %dma_start3A_199 = arith.constant 0 : i32
        %dma_start3A_200 = arith.constant 0 : i32
        %dma_start3A_201 = tpu.memref_slice %arg15[%dma_start3A_199, %dma_start3A_200] : memref<10240x64xf32, #tpu.memory_space<vmem_shared>> -> memref<10240x64xf32, #tpu.memory_space<vmem_shared>>
        tpu.enqueue_indirect_dma source(%dma_start3A_201 : memref<10240x64xf32, #tpu.memory_space<vmem_shared>>) target(%arg13 : memref<128x64xf32, #tpu.memory_space<vmem>>) offsets(%dma_start3A_198 : memref<128xi32, #tpu.memory_space<vmem>>) semaphore(%arg17 : memref<!tpu.dma_semaphore, #tpu.memory_space<semaphore_mem>>)
      } else {
      }
      %mul3A_122 = arith.constant 128 : i32
      %mul3A_123 = arith.muli %add3A_44, %mul3A_122 : i32
      %multiple_of3A_124 = tpu.assume_multiple %mul3A_123, 128 : i32
      %dma_wait3A_125 = tpu.memref_slice %arg10[%multiple_of3A_124] : memref<10240xi32, #tpu.memory_space<vmem>> -> memref<128xi32, #tpu.memory_space<vmem>>
      %dma_wait3A_126 = arith.constant 0 : i32
      %dma_wait3A_127 = arith.constant 0 : i32
      %dma_wait3A_128 = tpu.memref_slice %arg15[%dma_wait3A_126, %dma_wait3A_127] : memref<10240x64xf32, #tpu.memory_space<vmem_shared>> -> memref<10240x64xf32, #tpu.memory_space<vmem_shared>>
      tpu.wait_indirect_dma semaphore(%arg18 : memref<!tpu.dma_semaphore, #tpu.memory_space<semaphore_mem>>) src(%dma_wait3A_128 : memref<10240x64xf32, #tpu.memory_space<vmem_shared>>) dst(%arg14 : memref<128x64xf32, #tpu.memory_space<vmem>>)
      %mul3A_129 = arith.constant 128 : i32
      %mul3A_130 = arith.muli %add3A_44, %mul3A_129 : i32
      %add3A_131 = arith.constant 0 : i32
      %add3A_132 = arith.addi %mul3A_130, %add3A_131 : i32
      %get3A_133 = arith.index_cast %add3A_132 : i32 to index
      %get3A_134 = tpu.vector_load %arg11[%get3A_133] {strides = array<i32>} : memref<10240xi32, #tpu.memory_space<vmem>>, vector<16xi32>,
      %swap3A_135 = arith.constant 0 : index
      %swap3A_136 = tpu.vector_load %arg12[%swap3A_135] {strides = array<i32>} : memref<128xi32, #tpu.memory_space<vmem>>, vector<16xi32>,
      tpu.vector_store %arg12[%swap3A_135], %get3A_134 {strides = array<i32>} : memref<128xi32, #tpu.memory_space<vmem>>, vector<16xi32>,
      %mul3A_137 = arith.constant 128 : i32
      %mul3A_138 = arith.muli %add3A_44, %mul3A_137 : i32
      %add3A_139 = arith.constant 16 : i32
      %add3A_140 = arith.addi %mul3A_138, %add3A_139 : i32
      %get3A_141 = arith.index_cast %add3A_140 : i32 to index
      %get3A_142 = tpu.vector_load %arg11[%get3A_141] {strides = array<i32>} : memref<10240xi32, #tpu.memory_space<vmem>>, vector<16xi32>,
      %swap3A_143 = arith.constant 16 : index
      %swap3A_144 = tpu.vector_load %arg12[%swap3A_143] {strides = array<i32>} : memref<128xi32, #tpu.memory_space<vmem>>, vector<16xi32>,
      tpu.vector_store %arg12[%swap3A_143], %get3A_142 {strides = array<i32>} : memref<128xi32, #tpu.memory_space<vmem>>, vector<16xi32>,
      %mul3A_145 = arith.constant 128 : i32
      %mul3A_146 = arith.muli %add3A_44, %mul3A_145 : i32
      %add3A_147 = arith.constant 32 : i32
      %add3A_148 = arith.addi %mul3A_146, %add3A_147 : i32
      %get3A_149 = arith.index_cast %add3A_148 : i32 to index
      %get3A_150 = tpu.vector_load %arg11[%get3A_149] {strides = array<i32>} : memref<10240xi32, #tpu.memory_space<vmem>>, vector<16xi32>,
      %swap3A_151 = arith.constant 32 : index
      %swap3A_152 = tpu.vector_load %arg12[%swap3A_151] {strides = array<i32>} : memref<128xi32, #tpu.memory_space<vmem>>, vector<16xi32>,
      tpu.vector_store %arg12[%swap3A_151], %get3A_150 {strides = array<i32>} : memref<128xi32, #tpu.memory_space<vmem>>, vector<16xi32>,
      %mul3A_153 = arith.constant 128 : i32
      %mul3A_154 = arith.muli %add3A_44, %mul3A_153 : i32
      %add3A_155 = arith.constant 48 : i32
      %add3A_156 = arith.addi %mul3A_154, %add3A_155 : i32
      %get3A_157 = arith.index_cast %add3A_156 : i32 to index
      %get3A_158 = tpu.vector_load %arg11[%get3A_157] {strides = array<i32>} : memref<10240xi32, #tpu.memory_space<vmem>>, vector<16xi32>,
      %swap3A_159 = arith.constant 48 : index
      %swap3A_160 = tpu.vector_load %arg12[%swap3A_159] {strides = array<i32>} : memref<128xi32, #tpu.memory_space<vmem>>, vector<16xi32>,
      tpu.vector_store %arg12[%swap3A_159], %get3A_158 {strides = array<i32>} : memref<128xi32, #tpu.memory_space<vmem>>, vector<16xi32>,
      %mul3A_161 = arith.constant 128 : i32
      %mul3A_162 = arith.muli %add3A_44, %mul3A_161 : i32
      %add3A_163 = arith.constant 64 : i32
      %add3A_164 = arith.addi %mul3A_162, %add3A_163 : i32
      %get3A_165 = arith.index_cast %add3A_164 : i32 to index
      %get3A_166 = tpu.vector_load %arg11[%get3A_165] {strides = array<i32>} : memref<10240xi32, #tpu.memory_space<vmem>>, vector<16xi32>,
      %swap3A_167 = arith.constant 64 : index
      %swap3A_168 = tpu.vector_load %arg12[%swap3A_167] {strides = array<i32>} : memref<128xi32, #tpu.memory_space<vmem>>, vector<16xi32>,
      tpu.vector_store %arg12[%swap3A_167], %get3A_166 {strides = array<i32>} : memref<128xi32, #tpu.memory_space<vmem>>, vector<16xi32>,
      %mul3A_169 = arith.constant 128 : i32
      %mul3A_170 = arith.muli %add3A_44, %mul3A_169 : i32
      %add3A_171 = arith.constant 80 : i32
      %add3A_172 = arith.addi %mul3A_170, %add3A_171 : i32
      %get3A_173 = arith.index_cast %add3A_172 : i32 to index
      %get3A_174 = tpu.vector_load %arg11[%get3A_173] {strides = array<i32>} : memref<10240xi32, #tpu.memory_space<vmem>>, vector<16xi32>,
      %swap3A_175 = arith.constant 80 : index
      %swap3A_176 = tpu.vector_load %arg12[%swap3A_175] {strides = array<i32>} : memref<128xi32, #tpu.memory_space<vmem>>, vector<16xi32>,
      tpu.vector_store %arg12[%swap3A_175], %get3A_174 {strides = array<i32>} : memref<128xi32, #tpu.memory_space<vmem>>, vector<16xi32>,
      %mul3A_177 = arith.constant 128 : i32
      %mul3A_178 = arith.muli %add3A_44, %mul3A_177 : i32
      %add3A_179 = arith.constant 96 : i32
      %add3A_180 = arith.addi %mul3A_178, %add3A_179 : i32
      %get3A_181 = arith.index_cast %add3A_180 : i32 to index
      %get3A_182 = tpu.vector_load %arg11[%get3A_181] {strides = array<i32>} : memref<10240xi32, #tpu.memory_space<vmem>>, vector<16xi32>,
      %swap3A_183 = arith.constant 96 : index
      %swap3A_184 = tpu.vector_load %arg12[%swap3A_183] {strides = array<i32>} : memref<128xi32, #tpu.memory_space<vmem>>, vector<16xi32>,
      tpu.vector_store %arg12[%swap3A_183], %get3A_182 {strides = array<i32>} : memref<128xi32, #tpu.memory_space<vmem>>, vector<16xi32>,
      %mul3A_185 = arith.constant 128 : i32
      %mul3A_186 = arith.muli %add3A_44, %mul3A_185 : i32
      %add3A_187 = arith.constant 112 : i32
      %add3A_188 = arith.addi %mul3A_186, %add3A_187 : i32
      %get3A_189 = arith.index_cast %add3A_188 : i32 to index
      %get3A_190 = tpu.vector_load %arg11[%get3A_189] {strides = array<i32>} : memref<10240xi32, #tpu.memory_space<vmem>>, vector<16xi32>,
      %swap3A_191 = arith.constant 112 : index
      %swap3A_192 = tpu.vector_load %arg12[%swap3A_191] {strides = array<i32>} : memref<128xi32, #tpu.memory_space<vmem>>, vector<16xi32>,
      tpu.vector_store %arg12[%swap3A_191], %get3A_190 {strides = array<i32>} : memref<128xi32, #tpu.memory_space<vmem>>, vector<16xi32>,
      "tpu.region"() ({
        %run_scoped3A = tpu.sem_alloc : memref<!tpu.dma_semaphore, #tpu.memory_space<semaphore_mem>>
        %dma_start3A_193 = arith.constant 0 : i32
        %dma_start3A_194 = arith.constant 0 : i32
        %dma_start3A_195 = tpu.memref_slice %arg16[%dma_start3A_193, %dma_start3A_194] : memref<10240x64xf32, #tpu.memory_space<vmem_shared>> -> memref<10240x64xf32, #tpu.memory_space<vmem_shared>>
        tpu.enqueue_indirect_dma source(%arg14 : memref<128x64xf32, #tpu.memory_space<vmem>>) target(%dma_start3A_195 : memref<10240x64xf32, #tpu.memory_space<vmem_shared>>) offsets(%arg12 : memref<128xi32, #tpu.memory_space<vmem>>) semaphore(%run_scoped3A : memref<!tpu.dma_semaphore, #tpu.memory_space<semaphore_mem>>) {add = true}
        %dma_wait3A_196 = arith.constant 0 : i32
        %dma_wait3A_197 = arith.constant 0 : i32
        %dma_wait3A_198 = tpu.memref_slice %arg16[%dma_wait3A_196, %dma_wait3A_197] : memref<10240x64xf32, #tpu.memory_space<vmem_shared>> -> memref<10240x64xf32, #tpu.memory_space<vmem_shared>>
        tpu.wait_indirect_dma semaphore(%run_scoped3A : memref<!tpu.dma_semaphore, #tpu.memory_space<semaphore_mem>>) src(%arg14 : memref<128x64xf32, #tpu.memory_space<vmem>>) dst(%dma_wait3A_198 : memref<10240x64xf32, #tpu.memory_space<vmem_shared>>)
        tpu.yield
      }) : () -> ()
    }
    %scan3A_36 = arith.constant 40 : i32
    %barrier3A_37 = arith.constant 0 : index
    tpu.barrier barrier_id(%barrier3A_37)
    "tpu.region"() ({
      %run_scoped3A = tpu.sem_alloc : memref<!tpu.dma_semaphore, #tpu.memory_space<semaphore_mem>>
      %dma_start3A_40 = arith.constant 0 : i32
      %dma_start3A_41 = tpu.memref_slice %arg8[%arg0, %mul3A_2, %dma_start3A_40] : memref<2x10240x64xf32, #tpu.memory_space<hbm>> -> memref<1x640x64xf32, #tpu.memory_space<hbm>>
      %dma_start3A_42 = tpu.memref_squeeze %dma_start3A_41 : memref<1x640x64xf32, #tpu.memory_space<hbm>> -> memref<640x64xf32, #tpu.memory_space<hbm>>
      %dma_start3A_43 = arith.constant 0 : i32
      %dma_start3A_44 = tpu.memref_slice %arg16[%mul3A_2, %dma_start3A_43] : memref<10240x64xf32, #tpu.memory_space<vmem_shared>> -> memref<640x64xf32, #tpu.memory_space<vmem_shared>>
      tpu.enqueue_dma source(%dma_start3A_44 : memref<640x64xf32, #tpu.memory_space<vmem_shared>>) target(%dma_start3A_42 : memref<640x64xf32, #tpu.memory_space<hbm>>) target_semaphore(%run_scoped3A : memref<!tpu.dma_semaphore, #tpu.memory_space<semaphore_mem>>)
      %dma_wait3A = arith.constant 0 : i32
      %dma_wait3A_45 = tpu.memref_slice %arg8[%arg0, %mul3A_2, %dma_wait3A] : memref<2x10240x64xf32, #tpu.memory_space<hbm>> -> memref<1x640x64xf32, #tpu.memory_space<hbm>>
      %dma_wait3A_46 = tpu.memref_squeeze %dma_wait3A_45 : memref<1x640x64xf32, #tpu.memory_space<hbm>> -> memref<640x64xf32, #tpu.memory_space<hbm>>
      %dma_wait3A_47 = arith.constant 0 : i32
      %dma_wait3A_48 = tpu.memref_slice %arg16[%mul3A_2, %dma_wait3A_47] : memref<10240x64xf32, #tpu.memory_space<vmem_shared>> -> memref<640x64xf32, #tpu.memory_space<vmem_shared>>
      tpu.wait_dma2 semaphore(%run_scoped3A : memref<!tpu.dma_semaphore, #tpu.memory_space<semaphore_mem>>) src(%dma_wait3A_48 : memref<640x64xf32, #tpu.memory_space<vmem_shared>>) dst(%dma_wait3A_46 : memref<640x64xf32, #tpu.memory_space<hbm>>)
      tpu.yield
    }) : () -> ()
    %mul3A_38 = arith.constant 10240 : i32
    %mul3A_39 = arith.muli %add3A, %mul3A_38 : i32
    "tpu.region"() ({
      %run_scoped3A = tpu.sem_alloc : memref<!tpu.dma_semaphore, #tpu.memory_space<semaphore_mem>>
      %dma_start3A_40 = tpu.memref_slice %arg9[%mul3A_39] : memref<327680xf32, #tpu.memory_space<hbm>> -> memref<10240xf32, #tpu.memory_space<hbm>>
      %dma_start3A_41 = tpu.memref_slice %arg9[%mul3A_39] : memref<327680xf32, #tpu.memory_space<hbm>> -> memref<10240xf32, #tpu.memory_space<hbm>>
      tpu.enqueue_dma source(%arg19 : memref<10240xf32, #tpu.memory_space<vmem>>) target(%dma_start3A_41 : memref<10240xf32, #tpu.memory_space<hbm>>) target_semaphore(%run_scoped3A : memref<!tpu.dma_semaphore, #tpu.memory_space<semaphore_mem>>)
      %dma_wait3A = tpu.memref_slice %arg9[%mul3A_39] : memref<327680xf32, #tpu.memory_space<hbm>> -> memref<10240xf32, #tpu.memory_space<hbm>>
      %dma_wait3A_42 = tpu.memref_slice %arg9[%mul3A_39] : memref<327680xf32, #tpu.memory_space<hbm>> -> memref<10240xf32, #tpu.memory_space<hbm>>
      tpu.wait_dma2 semaphore(%run_scoped3A : memref<!tpu.dma_semaphore, #tpu.memory_space<semaphore_mem>>) src(%arg19 : memref<10240xf32, #tpu.memory_space<vmem>>) dst(%dma_wait3A_42 : memref<10240xf32, #tpu.memory_space<hbm>>)
      tpu.yield
    }) : () -> ()
    return
  }
}

#map = affine_map<(d0, d1) -> (0, 0)>
#map1 = affine_map<(d0, d1) -> (0)>
#map2 = affine_map<(d0, d1) -> (0, 0, 0)>
module attributes {stable_mosaic.version = 14 : i64} {
  func.func @agg(%arg0: i32, %arg1: i32, %arg2: memref<10240x64xf32, #tpu.memory_space<hbm>>, %arg3: memref<10240x64xf32, #tpu.memory_space<hbm>>, %arg4: memref<327680xi32, #tpu.memory_space<hbm>>, %arg5: memref<327680xi32, #tpu.memory_space<hbm>>, %arg6: memref<640x64xf32, #tpu.memory_space<hbm>>, %arg7: memref<2x10240x64xf32, #tpu.memory_space<hbm>>, %arg8: memref<2x10240x64xf32, #tpu.memory_space<hbm>>, %arg9: memref<10240xi32, #tpu.memory_space<vmem>>, %arg10: memref<10240xi32, #tpu.memory_space<vmem>>, %arg11: memref<128xi32, #tpu.memory_space<vmem>>, %arg12: memref<128x64xf32, #tpu.memory_space<vmem>>, %arg13: memref<128x64xf32, #tpu.memory_space<vmem>>, %arg14: memref<10240x64xf32, #tpu.memory_space<vmem_shared>>, %arg15: memref<10240x64xf32, #tpu.memory_space<vmem_shared>>, %arg16: memref<!tpu.dma_semaphore, #tpu.memory_space<semaphore_mem>>, %arg17: memref<!tpu.dma_semaphore, #tpu.memory_space<semaphore_mem>>) attributes {dimension_semantics = [#tpu.dimension_semantics<core_parallel>, #tpu.dimension_semantics<subcore_parallel>], iteration_bounds = array<i64: 2, 16>, scalar_prefetch = 0 : i64, scratch_operands = 9 : i64, tpu.core_type = #tpu.core_type<sc_vector_subcore>, window_params = [{transform_indices = #map}, {transform_indices = #map}, {transform_indices = #map1}, {transform_indices = #map1}, {transform_indices = #map}, {transform_indices = #map2}, {transform_indices = #map2}]} {
    %mul3A = arith.constant 2 : i32
    %mul3A_0 = arith.muli %arg1, %mul3A : i32
    %add3A = arith.addi %mul3A_0, %arg0 : i32
    %mul3A_1 = arith.constant 640 : i32
    %mul3A_2 = arith.muli %arg1, %mul3A_1 : i32
    %broadcast_in_dim3A = arith.constant 1.000000e+00 : f32
    %broadcast_in_dim3A_3 = vector.broadcast %broadcast_in_dim3A : f32 to vector<16xf32>
    "tpu.region"() ({
      %run_scoped3A = tpu.sem_alloc : memref<!tpu.dma_semaphore, #tpu.memory_space<semaphore_mem>>
      %dma_start3A_32 = arith.constant 0 : i32
      %dma_start3A_33 = tpu.memref_slice %arg14[%mul3A_2, %dma_start3A_32] : memref<10240x64xf32, #tpu.memory_space<vmem_shared>> -> memref<640x64xf32, #tpu.memory_space<vmem_shared>>
      %dma_start3A_34 = arith.constant 0 : i32
      %dma_start3A_35 = tpu.memref_slice %arg2[%mul3A_2, %dma_start3A_34] : memref<10240x64xf32, #tpu.memory_space<hbm>> -> memref<640x64xf32, #tpu.memory_space<hbm>>
      tpu.enqueue_dma source(%dma_start3A_35 : memref<640x64xf32, #tpu.memory_space<hbm>>) target(%dma_start3A_33 : memref<640x64xf32, #tpu.memory_space<vmem_shared>>) target_semaphore(%run_scoped3A : memref<!tpu.dma_semaphore, #tpu.memory_space<semaphore_mem>>)
      %dma_wait3A = arith.constant 0 : i32
      %dma_wait3A_36 = tpu.memref_slice %arg14[%mul3A_2, %dma_wait3A] : memref<10240x64xf32, #tpu.memory_space<vmem_shared>> -> memref<640x64xf32, #tpu.memory_space<vmem_shared>>
      %dma_wait3A_37 = arith.constant 0 : i32
      %dma_wait3A_38 = tpu.memref_slice %arg2[%mul3A_2, %dma_wait3A_37] : memref<10240x64xf32, #tpu.memory_space<hbm>> -> memref<640x64xf32, #tpu.memory_space<hbm>>
      tpu.wait_dma2 semaphore(%run_scoped3A : memref<!tpu.dma_semaphore, #tpu.memory_space<semaphore_mem>>) src(%dma_wait3A_38 : memref<640x64xf32, #tpu.memory_space<hbm>>) dst(%dma_wait3A_36 : memref<640x64xf32, #tpu.memory_space<vmem_shared>>)
      tpu.yield
    }) : () -> ()
    "tpu.region"() ({
      %run_scoped3A = tpu.sem_alloc : memref<!tpu.dma_semaphore, #tpu.memory_space<semaphore_mem>>
      %dma_start3A_32 = arith.constant 0 : i32
      %dma_start3A_33 = tpu.memref_slice %arg15[%mul3A_2, %dma_start3A_32] : memref<10240x64xf32, #tpu.memory_space<vmem_shared>> -> memref<640x64xf32, #tpu.memory_space<vmem_shared>>
      tpu.enqueue_dma source(%arg6 : memref<640x64xf32, #tpu.memory_space<hbm>>) target(%dma_start3A_33 : memref<640x64xf32, #tpu.memory_space<vmem_shared>>) target_semaphore(%run_scoped3A : memref<!tpu.dma_semaphore, #tpu.memory_space<semaphore_mem>>)
      %dma_wait3A = arith.constant 0 : i32
      %dma_wait3A_34 = tpu.memref_slice %arg15[%mul3A_2, %dma_wait3A] : memref<10240x64xf32, #tpu.memory_space<vmem_shared>> -> memref<640x64xf32, #tpu.memory_space<vmem_shared>>
      tpu.wait_dma2 semaphore(%run_scoped3A : memref<!tpu.dma_semaphore, #tpu.memory_space<semaphore_mem>>) src(%arg6 : memref<640x64xf32, #tpu.memory_space<hbm>>) dst(%dma_wait3A_34 : memref<640x64xf32, #tpu.memory_space<vmem_shared>>)
      tpu.yield
    }) : () -> ()
    %mul3A_4 = arith.constant 10240 : i32
    %mul3A_5 = arith.muli %add3A, %mul3A_4 : i32
    "tpu.region"() ({
      %run_scoped3A = tpu.sem_alloc : memref<!tpu.dma_semaphore, #tpu.memory_space<semaphore_mem>>
      %dma_start3A_32 = tpu.memref_slice %arg4[%mul3A_5] : memref<327680xi32, #tpu.memory_space<hbm>> -> memref<10240xi32, #tpu.memory_space<hbm>>
      %dma_start3A_33 = tpu.memref_slice %arg4[%mul3A_5] : memref<327680xi32, #tpu.memory_space<hbm>> -> memref<10240xi32, #tpu.memory_space<hbm>>
      tpu.enqueue_dma source(%dma_start3A_33 : memref<10240xi32, #tpu.memory_space<hbm>>) target(%arg9 : memref<10240xi32, #tpu.memory_space<vmem>>) target_semaphore(%run_scoped3A : memref<!tpu.dma_semaphore, #tpu.memory_space<semaphore_mem>>)
      %dma_wait3A = tpu.memref_slice %arg4[%mul3A_5] : memref<327680xi32, #tpu.memory_space<hbm>> -> memref<10240xi32, #tpu.memory_space<hbm>>
      %dma_wait3A_34 = tpu.memref_slice %arg4[%mul3A_5] : memref<327680xi32, #tpu.memory_space<hbm>> -> memref<10240xi32, #tpu.memory_space<hbm>>
      tpu.wait_dma2 semaphore(%run_scoped3A : memref<!tpu.dma_semaphore, #tpu.memory_space<semaphore_mem>>) src(%dma_wait3A_34 : memref<10240xi32, #tpu.memory_space<hbm>>) dst(%arg9 : memref<10240xi32, #tpu.memory_space<vmem>>)
      tpu.yield
    }) : () -> ()
    %mul3A_6 = arith.constant 10240 : i32
    %mul3A_7 = arith.muli %add3A, %mul3A_6 : i32
    "tpu.region"() ({
      %run_scoped3A = tpu.sem_alloc : memref<!tpu.dma_semaphore, #tpu.memory_space<semaphore_mem>>
      %dma_start3A_32 = tpu.memref_slice %arg5[%mul3A_7] : memref<327680xi32, #tpu.memory_space<hbm>> -> memref<10240xi32, #tpu.memory_space<hbm>>
      %dma_start3A_33 = tpu.memref_slice %arg5[%mul3A_7] : memref<327680xi32, #tpu.memory_space<hbm>> -> memref<10240xi32, #tpu.memory_space<hbm>>
      tpu.enqueue_dma source(%dma_start3A_33 : memref<10240xi32, #tpu.memory_space<hbm>>) target(%arg10 : memref<10240xi32, #tpu.memory_space<vmem>>) target_semaphore(%run_scoped3A : memref<!tpu.dma_semaphore, #tpu.memory_space<semaphore_mem>>)
      %dma_wait3A = tpu.memref_slice %arg5[%mul3A_7] : memref<327680xi32, #tpu.memory_space<hbm>> -> memref<10240xi32, #tpu.memory_space<hbm>>
      %dma_wait3A_34 = tpu.memref_slice %arg5[%mul3A_7] : memref<327680xi32, #tpu.memory_space<hbm>> -> memref<10240xi32, #tpu.memory_space<hbm>>
      tpu.wait_dma2 semaphore(%run_scoped3A : memref<!tpu.dma_semaphore, #tpu.memory_space<semaphore_mem>>) src(%dma_wait3A_34 : memref<10240xi32, #tpu.memory_space<hbm>>) dst(%arg10 : memref<10240xi32, #tpu.memory_space<vmem>>)
      tpu.yield
    }) : () -> ()
    %barrier3A = arith.constant 0 : index
    tpu.barrier barrier_id(%barrier3A)
    %multiple_of3A = arith.constant 0 : i32
    %multiple_of3A_8 = tpu.assume_multiple %multiple_of3A, 128 : i32
    %dma_start3A = tpu.memref_slice %arg9[%multiple_of3A_8] : memref<10240xi32, #tpu.memory_space<vmem>> -> memref<128xi32, #tpu.memory_space<vmem>>
    %dma_start3A_9 = arith.constant 0 : i32
    %dma_start3A_10 = arith.constant 0 : i32
    %dma_start3A_11 = tpu.memref_slice %arg14[%dma_start3A_9, %dma_start3A_10] : memref<10240x64xf32, #tpu.memory_space<vmem_shared>> -> memref<10240x64xf32, #tpu.memory_space<vmem_shared>>
    tpu.enqueue_indirect_dma source(%dma_start3A_11 : memref<10240x64xf32, #tpu.memory_space<vmem_shared>>) target(%arg12 : memref<128x64xf32, #tpu.memory_space<vmem>>) offsets(%dma_start3A : memref<128xi32, #tpu.memory_space<vmem>>) semaphore(%arg16 : memref<!tpu.dma_semaphore, #tpu.memory_space<semaphore_mem>>)
    %scan3A = arith.constant 0 : i32
    %scan3A_12 = arith.constant 0 : i32
    %scan3A_13 = arith.constant 40 : i32
    %scan3A_14 = arith.addi %scan3A_12, %scan3A_13 : i32
    %scan3A_15 = arith.constant 1 : i32
    scf.for %scan3A_32 = %scan3A_12 to %scan3A_14 step %scan3A_15  : i32 {
      %mul3A_33 = arith.constant 2 : i32
      %mul3A_34 = arith.muli %mul3A_33, %scan3A_32 : i32
      %add3A_35 = arith.constant 1 : i32
      %add3A_36 = arith.addi %mul3A_34, %add3A_35 : i32
      %mul3A_37 = arith.constant 128 : i32
      %mul3A_38 = arith.muli %add3A_36, %mul3A_37 : i32
      %multiple_of3A_39 = tpu.assume_multiple %mul3A_38, 128 : i32
      %dma_start3A_40 = tpu.memref_slice %arg9[%multiple_of3A_39] : memref<10240xi32, #tpu.memory_space<vmem>> -> memref<128xi32, #tpu.memory_space<vmem>>
      %dma_start3A_41 = arith.constant 0 : i32
      %dma_start3A_42 = arith.constant 0 : i32
      %dma_start3A_43 = tpu.memref_slice %arg14[%dma_start3A_41, %dma_start3A_42] : memref<10240x64xf32, #tpu.memory_space<vmem_shared>> -> memref<10240x64xf32, #tpu.memory_space<vmem_shared>>
      tpu.enqueue_indirect_dma source(%dma_start3A_43 : memref<10240x64xf32, #tpu.memory_space<vmem_shared>>) target(%arg13 : memref<128x64xf32, #tpu.memory_space<vmem>>) offsets(%dma_start3A_40 : memref<128xi32, #tpu.memory_space<vmem>>) semaphore(%arg17 : memref<!tpu.dma_semaphore, #tpu.memory_space<semaphore_mem>>)
      %mul3A_44 = arith.constant 128 : i32
      %mul3A_45 = arith.muli %mul3A_34, %mul3A_44 : i32
      %multiple_of3A_46 = tpu.assume_multiple %mul3A_45, 128 : i32
      %dma_wait3A = tpu.memref_slice %arg9[%multiple_of3A_46] : memref<10240xi32, #tpu.memory_space<vmem>> -> memref<128xi32, #tpu.memory_space<vmem>>
      %dma_wait3A_47 = arith.constant 0 : i32
      %dma_wait3A_48 = arith.constant 0 : i32
      %dma_wait3A_49 = tpu.memref_slice %arg14[%dma_wait3A_47, %dma_wait3A_48] : memref<10240x64xf32, #tpu.memory_space<vmem_shared>> -> memref<10240x64xf32, #tpu.memory_space<vmem_shared>>
      tpu.wait_indirect_dma semaphore(%arg16 : memref<!tpu.dma_semaphore, #tpu.memory_space<semaphore_mem>>) src(%dma_wait3A_49 : memref<10240x64xf32, #tpu.memory_space<vmem_shared>>) dst(%arg12 : memref<128x64xf32, #tpu.memory_space<vmem>>)
      %mul3A_50 = arith.constant 128 : i32
      %mul3A_51 = arith.muli %mul3A_34, %mul3A_50 : i32
      %add3A_52 = arith.constant 0 : i32
      %add3A_53 = arith.addi %mul3A_51, %add3A_52 : i32
      %get3A = arith.index_cast %add3A_53 : i32 to index
      %get3A_54 = tpu.vector_load %arg10[%get3A] {strides = array<i32>} : memref<10240xi32, #tpu.memory_space<vmem>>, vector<16xi32>,
      %swap3A = arith.constant 0 : index
      %swap3A_55 = tpu.vector_load %arg11[%swap3A] {strides = array<i32>} : memref<128xi32, #tpu.memory_space<vmem>>, vector<16xi32>,
      tpu.vector_store %arg11[%swap3A], %get3A_54 {strides = array<i32>} : memref<128xi32, #tpu.memory_space<vmem>>, vector<16xi32>,
      %mul3A_56 = arith.constant 128 : i32
      %mul3A_57 = arith.muli %mul3A_34, %mul3A_56 : i32
      %add3A_58 = arith.constant 16 : i32
      %add3A_59 = arith.addi %mul3A_57, %add3A_58 : i32
      %get3A_60 = arith.index_cast %add3A_59 : i32 to index
      %get3A_61 = tpu.vector_load %arg10[%get3A_60] {strides = array<i32>} : memref<10240xi32, #tpu.memory_space<vmem>>, vector<16xi32>,
      %swap3A_62 = arith.constant 16 : index
      %swap3A_63 = tpu.vector_load %arg11[%swap3A_62] {strides = array<i32>} : memref<128xi32, #tpu.memory_space<vmem>>, vector<16xi32>,
      tpu.vector_store %arg11[%swap3A_62], %get3A_61 {strides = array<i32>} : memref<128xi32, #tpu.memory_space<vmem>>, vector<16xi32>,
      %mul3A_64 = arith.constant 128 : i32
      %mul3A_65 = arith.muli %mul3A_34, %mul3A_64 : i32
      %add3A_66 = arith.constant 32 : i32
      %add3A_67 = arith.addi %mul3A_65, %add3A_66 : i32
      %get3A_68 = arith.index_cast %add3A_67 : i32 to index
      %get3A_69 = tpu.vector_load %arg10[%get3A_68] {strides = array<i32>} : memref<10240xi32, #tpu.memory_space<vmem>>, vector<16xi32>,
      %swap3A_70 = arith.constant 32 : index
      %swap3A_71 = tpu.vector_load %arg11[%swap3A_70] {strides = array<i32>} : memref<128xi32, #tpu.memory_space<vmem>>, vector<16xi32>,
      tpu.vector_store %arg11[%swap3A_70], %get3A_69 {strides = array<i32>} : memref<128xi32, #tpu.memory_space<vmem>>, vector<16xi32>,
      %mul3A_72 = arith.constant 128 : i32
      %mul3A_73 = arith.muli %mul3A_34, %mul3A_72 : i32
      %add3A_74 = arith.constant 48 : i32
      %add3A_75 = arith.addi %mul3A_73, %add3A_74 : i32
      %get3A_76 = arith.index_cast %add3A_75 : i32 to index
      %get3A_77 = tpu.vector_load %arg10[%get3A_76] {strides = array<i32>} : memref<10240xi32, #tpu.memory_space<vmem>>, vector<16xi32>,
      %swap3A_78 = arith.constant 48 : index
      %swap3A_79 = tpu.vector_load %arg11[%swap3A_78] {strides = array<i32>} : memref<128xi32, #tpu.memory_space<vmem>>, vector<16xi32>,
      tpu.vector_store %arg11[%swap3A_78], %get3A_77 {strides = array<i32>} : memref<128xi32, #tpu.memory_space<vmem>>, vector<16xi32>,
      %mul3A_80 = arith.constant 128 : i32
      %mul3A_81 = arith.muli %mul3A_34, %mul3A_80 : i32
      %add3A_82 = arith.constant 64 : i32
      %add3A_83 = arith.addi %mul3A_81, %add3A_82 : i32
      %get3A_84 = arith.index_cast %add3A_83 : i32 to index
      %get3A_85 = tpu.vector_load %arg10[%get3A_84] {strides = array<i32>} : memref<10240xi32, #tpu.memory_space<vmem>>, vector<16xi32>,
      %swap3A_86 = arith.constant 64 : index
      %swap3A_87 = tpu.vector_load %arg11[%swap3A_86] {strides = array<i32>} : memref<128xi32, #tpu.memory_space<vmem>>, vector<16xi32>,
      tpu.vector_store %arg11[%swap3A_86], %get3A_85 {strides = array<i32>} : memref<128xi32, #tpu.memory_space<vmem>>, vector<16xi32>,
      %mul3A_88 = arith.constant 128 : i32
      %mul3A_89 = arith.muli %mul3A_34, %mul3A_88 : i32
      %add3A_90 = arith.constant 80 : i32
      %add3A_91 = arith.addi %mul3A_89, %add3A_90 : i32
      %get3A_92 = arith.index_cast %add3A_91 : i32 to index
      %get3A_93 = tpu.vector_load %arg10[%get3A_92] {strides = array<i32>} : memref<10240xi32, #tpu.memory_space<vmem>>, vector<16xi32>,
      %swap3A_94 = arith.constant 80 : index
      %swap3A_95 = tpu.vector_load %arg11[%swap3A_94] {strides = array<i32>} : memref<128xi32, #tpu.memory_space<vmem>>, vector<16xi32>,
      tpu.vector_store %arg11[%swap3A_94], %get3A_93 {strides = array<i32>} : memref<128xi32, #tpu.memory_space<vmem>>, vector<16xi32>,
      %mul3A_96 = arith.constant 128 : i32
      %mul3A_97 = arith.muli %mul3A_34, %mul3A_96 : i32
      %add3A_98 = arith.constant 96 : i32
      %add3A_99 = arith.addi %mul3A_97, %add3A_98 : i32
      %get3A_100 = arith.index_cast %add3A_99 : i32 to index
      %get3A_101 = tpu.vector_load %arg10[%get3A_100] {strides = array<i32>} : memref<10240xi32, #tpu.memory_space<vmem>>, vector<16xi32>,
      %swap3A_102 = arith.constant 96 : index
      %swap3A_103 = tpu.vector_load %arg11[%swap3A_102] {strides = array<i32>} : memref<128xi32, #tpu.memory_space<vmem>>, vector<16xi32>,
      tpu.vector_store %arg11[%swap3A_102], %get3A_101 {strides = array<i32>} : memref<128xi32, #tpu.memory_space<vmem>>, vector<16xi32>,
      %mul3A_104 = arith.constant 128 : i32
      %mul3A_105 = arith.muli %mul3A_34, %mul3A_104 : i32
      %add3A_106 = arith.constant 112 : i32
      %add3A_107 = arith.addi %mul3A_105, %add3A_106 : i32
      %get3A_108 = arith.index_cast %add3A_107 : i32 to index
      %get3A_109 = tpu.vector_load %arg10[%get3A_108] {strides = array<i32>} : memref<10240xi32, #tpu.memory_space<vmem>>, vector<16xi32>,
      %swap3A_110 = arith.constant 112 : index
      %swap3A_111 = tpu.vector_load %arg11[%swap3A_110] {strides = array<i32>} : memref<128xi32, #tpu.memory_space<vmem>>, vector<16xi32>,
      tpu.vector_store %arg11[%swap3A_110], %get3A_109 {strides = array<i32>} : memref<128xi32, #tpu.memory_space<vmem>>, vector<16xi32>,
      "tpu.region"() ({
        %run_scoped3A = tpu.sem_alloc : memref<!tpu.dma_semaphore, #tpu.memory_space<semaphore_mem>>
        %dma_start3A_185 = arith.constant 0 : i32
        %dma_start3A_186 = arith.constant 0 : i32
        %dma_start3A_187 = tpu.memref_slice %arg15[%dma_start3A_185, %dma_start3A_186] : memref<10240x64xf32, #tpu.memory_space<vmem_shared>> -> memref<10240x64xf32, #tpu.memory_space<vmem_shared>>
        tpu.enqueue_indirect_dma source(%arg12 : memref<128x64xf32, #tpu.memory_space<vmem>>) target(%dma_start3A_187 : memref<10240x64xf32, #tpu.memory_space<vmem_shared>>) offsets(%arg11 : memref<128xi32, #tpu.memory_space<vmem>>) semaphore(%run_scoped3A : memref<!tpu.dma_semaphore, #tpu.memory_space<semaphore_mem>>) {add = true}
        %dma_wait3A_188 = arith.constant 0 : i32
        %dma_wait3A_189 = arith.constant 0 : i32
        %dma_wait3A_190 = tpu.memref_slice %arg15[%dma_wait3A_188, %dma_wait3A_189] : memref<10240x64xf32, #tpu.memory_space<vmem_shared>> -> memref<10240x64xf32, #tpu.memory_space<vmem_shared>>
        tpu.wait_indirect_dma semaphore(%run_scoped3A : memref<!tpu.dma_semaphore, #tpu.memory_space<semaphore_mem>>) src(%arg12 : memref<128x64xf32, #tpu.memory_space<vmem>>) dst(%dma_wait3A_190 : memref<10240x64xf32, #tpu.memory_space<vmem_shared>>)
        tpu.yield
      }) : () -> ()
      %lt3A = arith.constant 39 : i32
      %lt3A_112 = arith.cmpi slt, %scan3A_32, %lt3A : i32
      %convert_element_type3A = arith.extui %lt3A_112 : i1 to i32
      %cond3A = arith.constant 0 : i32
      %cond3A_113 = arith.cmpi ne, %convert_element_type3A, %cond3A : i32
      scf.if %cond3A_113 {
        %add3A_185 = arith.constant 2 : i32
        %add3A_186 = arith.addi %mul3A_34, %add3A_185 : i32
        %mul3A_187 = arith.constant 128 : i32
        %mul3A_188 = arith.muli %add3A_186, %mul3A_187 : i32
        %multiple_of3A_189 = tpu.assume_multiple %mul3A_188, 128 : i32
        %dma_start3A_190 = tpu.memref_slice %arg9[%multiple_of3A_189] : memref<10240xi32, #tpu.memory_space<vmem>> -> memref<128xi32, #tpu.memory_space<vmem>>
        %dma_start3A_191 = arith.constant 0 : i32
        %dma_start3A_192 = arith.constant 0 : i32
        %dma_start3A_193 = tpu.memref_slice %arg14[%dma_start3A_191, %dma_start3A_192] : memref<10240x64xf32, #tpu.memory_space<vmem_shared>> -> memref<10240x64xf32, #tpu.memory_space<vmem_shared>>
        tpu.enqueue_indirect_dma source(%dma_start3A_193 : memref<10240x64xf32, #tpu.memory_space<vmem_shared>>) target(%arg12 : memref<128x64xf32, #tpu.memory_space<vmem>>) offsets(%dma_start3A_190 : memref<128xi32, #tpu.memory_space<vmem>>) semaphore(%arg16 : memref<!tpu.dma_semaphore, #tpu.memory_space<semaphore_mem>>)
      } else {
      }
      %mul3A_114 = arith.constant 128 : i32
      %mul3A_115 = arith.muli %add3A_36, %mul3A_114 : i32
      %multiple_of3A_116 = tpu.assume_multiple %mul3A_115, 128 : i32
      %dma_wait3A_117 = tpu.memref_slice %arg9[%multiple_of3A_116] : memref<10240xi32, #tpu.memory_space<vmem>> -> memref<128xi32, #tpu.memory_space<vmem>>
      %dma_wait3A_118 = arith.constant 0 : i32
      %dma_wait3A_119 = arith.constant 0 : i32
      %dma_wait3A_120 = tpu.memref_slice %arg14[%dma_wait3A_118, %dma_wait3A_119] : memref<10240x64xf32, #tpu.memory_space<vmem_shared>> -> memref<10240x64xf32, #tpu.memory_space<vmem_shared>>
      tpu.wait_indirect_dma semaphore(%arg17 : memref<!tpu.dma_semaphore, #tpu.memory_space<semaphore_mem>>) src(%dma_wait3A_120 : memref<10240x64xf32, #tpu.memory_space<vmem_shared>>) dst(%arg13 : memref<128x64xf32, #tpu.memory_space<vmem>>)
      %mul3A_121 = arith.constant 128 : i32
      %mul3A_122 = arith.muli %add3A_36, %mul3A_121 : i32
      %add3A_123 = arith.constant 0 : i32
      %add3A_124 = arith.addi %mul3A_122, %add3A_123 : i32
      %get3A_125 = arith.index_cast %add3A_124 : i32 to index
      %get3A_126 = tpu.vector_load %arg10[%get3A_125] {strides = array<i32>} : memref<10240xi32, #tpu.memory_space<vmem>>, vector<16xi32>,
      %swap3A_127 = arith.constant 0 : index
      %swap3A_128 = tpu.vector_load %arg11[%swap3A_127] {strides = array<i32>} : memref<128xi32, #tpu.memory_space<vmem>>, vector<16xi32>,
      tpu.vector_store %arg11[%swap3A_127], %get3A_126 {strides = array<i32>} : memref<128xi32, #tpu.memory_space<vmem>>, vector<16xi32>,
      %mul3A_129 = arith.constant 128 : i32
      %mul3A_130 = arith.muli %add3A_36, %mul3A_129 : i32
      %add3A_131 = arith.constant 16 : i32
      %add3A_132 = arith.addi %mul3A_130, %add3A_131 : i32
      %get3A_133 = arith.index_cast %add3A_132 : i32 to index
      %get3A_134 = tpu.vector_load %arg10[%get3A_133] {strides = array<i32>} : memref<10240xi32, #tpu.memory_space<vmem>>, vector<16xi32>,
      %swap3A_135 = arith.constant 16 : index
      %swap3A_136 = tpu.vector_load %arg11[%swap3A_135] {strides = array<i32>} : memref<128xi32, #tpu.memory_space<vmem>>, vector<16xi32>,
      tpu.vector_store %arg11[%swap3A_135], %get3A_134 {strides = array<i32>} : memref<128xi32, #tpu.memory_space<vmem>>, vector<16xi32>,
      %mul3A_137 = arith.constant 128 : i32
      %mul3A_138 = arith.muli %add3A_36, %mul3A_137 : i32
      %add3A_139 = arith.constant 32 : i32
      %add3A_140 = arith.addi %mul3A_138, %add3A_139 : i32
      %get3A_141 = arith.index_cast %add3A_140 : i32 to index
      %get3A_142 = tpu.vector_load %arg10[%get3A_141] {strides = array<i32>} : memref<10240xi32, #tpu.memory_space<vmem>>, vector<16xi32>,
      %swap3A_143 = arith.constant 32 : index
      %swap3A_144 = tpu.vector_load %arg11[%swap3A_143] {strides = array<i32>} : memref<128xi32, #tpu.memory_space<vmem>>, vector<16xi32>,
      tpu.vector_store %arg11[%swap3A_143], %get3A_142 {strides = array<i32>} : memref<128xi32, #tpu.memory_space<vmem>>, vector<16xi32>,
      %mul3A_145 = arith.constant 128 : i32
      %mul3A_146 = arith.muli %add3A_36, %mul3A_145 : i32
      %add3A_147 = arith.constant 48 : i32
      %add3A_148 = arith.addi %mul3A_146, %add3A_147 : i32
      %get3A_149 = arith.index_cast %add3A_148 : i32 to index
      %get3A_150 = tpu.vector_load %arg10[%get3A_149] {strides = array<i32>} : memref<10240xi32, #tpu.memory_space<vmem>>, vector<16xi32>,
      %swap3A_151 = arith.constant 48 : index
      %swap3A_152 = tpu.vector_load %arg11[%swap3A_151] {strides = array<i32>} : memref<128xi32, #tpu.memory_space<vmem>>, vector<16xi32>,
      tpu.vector_store %arg11[%swap3A_151], %get3A_150 {strides = array<i32>} : memref<128xi32, #tpu.memory_space<vmem>>, vector<16xi32>,
      %mul3A_153 = arith.constant 128 : i32
      %mul3A_154 = arith.muli %add3A_36, %mul3A_153 : i32
      %add3A_155 = arith.constant 64 : i32
      %add3A_156 = arith.addi %mul3A_154, %add3A_155 : i32
      %get3A_157 = arith.index_cast %add3A_156 : i32 to index
      %get3A_158 = tpu.vector_load %arg10[%get3A_157] {strides = array<i32>} : memref<10240xi32, #tpu.memory_space<vmem>>, vector<16xi32>,
      %swap3A_159 = arith.constant 64 : index
      %swap3A_160 = tpu.vector_load %arg11[%swap3A_159] {strides = array<i32>} : memref<128xi32, #tpu.memory_space<vmem>>, vector<16xi32>,
      tpu.vector_store %arg11[%swap3A_159], %get3A_158 {strides = array<i32>} : memref<128xi32, #tpu.memory_space<vmem>>, vector<16xi32>,
      %mul3A_161 = arith.constant 128 : i32
      %mul3A_162 = arith.muli %add3A_36, %mul3A_161 : i32
      %add3A_163 = arith.constant 80 : i32
      %add3A_164 = arith.addi %mul3A_162, %add3A_163 : i32
      %get3A_165 = arith.index_cast %add3A_164 : i32 to index
      %get3A_166 = tpu.vector_load %arg10[%get3A_165] {strides = array<i32>} : memref<10240xi32, #tpu.memory_space<vmem>>, vector<16xi32>,
      %swap3A_167 = arith.constant 80 : index
      %swap3A_168 = tpu.vector_load %arg11[%swap3A_167] {strides = array<i32>} : memref<128xi32, #tpu.memory_space<vmem>>, vector<16xi32>,
      tpu.vector_store %arg11[%swap3A_167], %get3A_166 {strides = array<i32>} : memref<128xi32, #tpu.memory_space<vmem>>, vector<16xi32>,
      %mul3A_169 = arith.constant 128 : i32
      %mul3A_170 = arith.muli %add3A_36, %mul3A_169 : i32
      %add3A_171 = arith.constant 96 : i32
      %add3A_172 = arith.addi %mul3A_170, %add3A_171 : i32
      %get3A_173 = arith.index_cast %add3A_172 : i32 to index
      %get3A_174 = tpu.vector_load %arg10[%get3A_173] {strides = array<i32>} : memref<10240xi32, #tpu.memory_space<vmem>>, vector<16xi32>,
      %swap3A_175 = arith.constant 96 : index
      %swap3A_176 = tpu.vector_load %arg11[%swap3A_175] {strides = array<i32>} : memref<128xi32, #tpu.memory_space<vmem>>, vector<16xi32>,
      tpu.vector_store %arg11[%swap3A_175], %get3A_174 {strides = array<i32>} : memref<128xi32, #tpu.memory_space<vmem>>, vector<16xi32>,
      %mul3A_177 = arith.constant 128 : i32
      %mul3A_178 = arith.muli %add3A_36, %mul3A_177 : i32
      %add3A_179 = arith.constant 112 : i32
      %add3A_180 = arith.addi %mul3A_178, %add3A_179 : i32
      %get3A_181 = arith.index_cast %add3A_180 : i32 to index
      %get3A_182 = tpu.vector_load %arg10[%get3A_181] {strides = array<i32>} : memref<10240xi32, #tpu.memory_space<vmem>>, vector<16xi32>,
      %swap3A_183 = arith.constant 112 : index
      %swap3A_184 = tpu.vector_load %arg11[%swap3A_183] {strides = array<i32>} : memref<128xi32, #tpu.memory_space<vmem>>, vector<16xi32>,
      tpu.vector_store %arg11[%swap3A_183], %get3A_182 {strides = array<i32>} : memref<128xi32, #tpu.memory_space<vmem>>, vector<16xi32>,
      "tpu.region"() ({
        %run_scoped3A = tpu.sem_alloc : memref<!tpu.dma_semaphore, #tpu.memory_space<semaphore_mem>>
        %dma_start3A_185 = arith.constant 0 : i32
        %dma_start3A_186 = arith.constant 0 : i32
        %dma_start3A_187 = tpu.memref_slice %arg15[%dma_start3A_185, %dma_start3A_186] : memref<10240x64xf32, #tpu.memory_space<vmem_shared>> -> memref<10240x64xf32, #tpu.memory_space<vmem_shared>>
        tpu.enqueue_indirect_dma source(%arg13 : memref<128x64xf32, #tpu.memory_space<vmem>>) target(%dma_start3A_187 : memref<10240x64xf32, #tpu.memory_space<vmem_shared>>) offsets(%arg11 : memref<128xi32, #tpu.memory_space<vmem>>) semaphore(%run_scoped3A : memref<!tpu.dma_semaphore, #tpu.memory_space<semaphore_mem>>) {add = true}
        %dma_wait3A_188 = arith.constant 0 : i32
        %dma_wait3A_189 = arith.constant 0 : i32
        %dma_wait3A_190 = tpu.memref_slice %arg15[%dma_wait3A_188, %dma_wait3A_189] : memref<10240x64xf32, #tpu.memory_space<vmem_shared>> -> memref<10240x64xf32, #tpu.memory_space<vmem_shared>>
        tpu.wait_indirect_dma semaphore(%run_scoped3A : memref<!tpu.dma_semaphore, #tpu.memory_space<semaphore_mem>>) src(%arg13 : memref<128x64xf32, #tpu.memory_space<vmem>>) dst(%dma_wait3A_190 : memref<10240x64xf32, #tpu.memory_space<vmem_shared>>)
        tpu.yield
      }) : () -> ()
    }
    %scan3A_16 = arith.constant 40 : i32
    %barrier3A_17 = arith.constant 0 : index
    tpu.barrier barrier_id(%barrier3A_17)
    "tpu.region"() ({
      %run_scoped3A = tpu.sem_alloc : memref<!tpu.dma_semaphore, #tpu.memory_space<semaphore_mem>>
      %dma_start3A_32 = arith.constant 0 : i32
      %dma_start3A_33 = tpu.memref_slice %arg7[%arg0, %mul3A_2, %dma_start3A_32] : memref<2x10240x64xf32, #tpu.memory_space<hbm>> -> memref<1x640x64xf32, #tpu.memory_space<hbm>>
      %dma_start3A_34 = tpu.memref_squeeze %dma_start3A_33 : memref<1x640x64xf32, #tpu.memory_space<hbm>> -> memref<640x64xf32, #tpu.memory_space<hbm>>
      %dma_start3A_35 = arith.constant 0 : i32
      %dma_start3A_36 = tpu.memref_slice %arg15[%mul3A_2, %dma_start3A_35] : memref<10240x64xf32, #tpu.memory_space<vmem_shared>> -> memref<640x64xf32, #tpu.memory_space<vmem_shared>>
      tpu.enqueue_dma source(%dma_start3A_36 : memref<640x64xf32, #tpu.memory_space<vmem_shared>>) target(%dma_start3A_34 : memref<640x64xf32, #tpu.memory_space<hbm>>) target_semaphore(%run_scoped3A : memref<!tpu.dma_semaphore, #tpu.memory_space<semaphore_mem>>)
      %dma_wait3A = arith.constant 0 : i32
      %dma_wait3A_37 = tpu.memref_slice %arg7[%arg0, %mul3A_2, %dma_wait3A] : memref<2x10240x64xf32, #tpu.memory_space<hbm>> -> memref<1x640x64xf32, #tpu.memory_space<hbm>>
      %dma_wait3A_38 = tpu.memref_squeeze %dma_wait3A_37 : memref<1x640x64xf32, #tpu.memory_space<hbm>> -> memref<640x64xf32, #tpu.memory_space<hbm>>
      %dma_wait3A_39 = arith.constant 0 : i32
      %dma_wait3A_40 = tpu.memref_slice %arg15[%mul3A_2, %dma_wait3A_39] : memref<10240x64xf32, #tpu.memory_space<vmem_shared>> -> memref<640x64xf32, #tpu.memory_space<vmem_shared>>
      tpu.wait_dma2 semaphore(%run_scoped3A : memref<!tpu.dma_semaphore, #tpu.memory_space<semaphore_mem>>) src(%dma_wait3A_40 : memref<640x64xf32, #tpu.memory_space<vmem_shared>>) dst(%dma_wait3A_38 : memref<640x64xf32, #tpu.memory_space<hbm>>)
      tpu.yield
    }) : () -> ()
    "tpu.region"() ({
      %run_scoped3A = tpu.sem_alloc : memref<!tpu.dma_semaphore, #tpu.memory_space<semaphore_mem>>
      %dma_start3A_32 = arith.constant 0 : i32
      %dma_start3A_33 = tpu.memref_slice %arg14[%mul3A_2, %dma_start3A_32] : memref<10240x64xf32, #tpu.memory_space<vmem_shared>> -> memref<640x64xf32, #tpu.memory_space<vmem_shared>>
      %dma_start3A_34 = arith.constant 0 : i32
      %dma_start3A_35 = tpu.memref_slice %arg3[%mul3A_2, %dma_start3A_34] : memref<10240x64xf32, #tpu.memory_space<hbm>> -> memref<640x64xf32, #tpu.memory_space<hbm>>
      tpu.enqueue_dma source(%dma_start3A_35 : memref<640x64xf32, #tpu.memory_space<hbm>>) target(%dma_start3A_33 : memref<640x64xf32, #tpu.memory_space<vmem_shared>>) target_semaphore(%run_scoped3A : memref<!tpu.dma_semaphore, #tpu.memory_space<semaphore_mem>>)
      %dma_wait3A = arith.constant 0 : i32
      %dma_wait3A_36 = tpu.memref_slice %arg14[%mul3A_2, %dma_wait3A] : memref<10240x64xf32, #tpu.memory_space<vmem_shared>> -> memref<640x64xf32, #tpu.memory_space<vmem_shared>>
      %dma_wait3A_37 = arith.constant 0 : i32
      %dma_wait3A_38 = tpu.memref_slice %arg3[%mul3A_2, %dma_wait3A_37] : memref<10240x64xf32, #tpu.memory_space<hbm>> -> memref<640x64xf32, #tpu.memory_space<hbm>>
      tpu.wait_dma2 semaphore(%run_scoped3A : memref<!tpu.dma_semaphore, #tpu.memory_space<semaphore_mem>>) src(%dma_wait3A_38 : memref<640x64xf32, #tpu.memory_space<hbm>>) dst(%dma_wait3A_36 : memref<640x64xf32, #tpu.memory_space<vmem_shared>>)
      tpu.yield
    }) : () -> ()
    "tpu.region"() ({
      %run_scoped3A = tpu.sem_alloc : memref<!tpu.dma_semaphore, #tpu.memory_space<semaphore_mem>>
      %dma_start3A_32 = arith.constant 0 : i32
      %dma_start3A_33 = tpu.memref_slice %arg15[%mul3A_2, %dma_start3A_32] : memref<10240x64xf32, #tpu.memory_space<vmem_shared>> -> memref<640x64xf32, #tpu.memory_space<vmem_shared>>
      tpu.enqueue_dma source(%arg6 : memref<640x64xf32, #tpu.memory_space<hbm>>) target(%dma_start3A_33 : memref<640x64xf32, #tpu.memory_space<vmem_shared>>) target_semaphore(%run_scoped3A : memref<!tpu.dma_semaphore, #tpu.memory_space<semaphore_mem>>)
      %dma_wait3A = arith.constant 0 : i32
      %dma_wait3A_34 = tpu.memref_slice %arg15[%mul3A_2, %dma_wait3A] : memref<10240x64xf32, #tpu.memory_space<vmem_shared>> -> memref<640x64xf32, #tpu.memory_space<vmem_shared>>
      tpu.wait_dma2 semaphore(%run_scoped3A : memref<!tpu.dma_semaphore, #tpu.memory_space<semaphore_mem>>) src(%arg6 : memref<640x64xf32, #tpu.memory_space<hbm>>) dst(%dma_wait3A_34 : memref<640x64xf32, #tpu.memory_space<vmem_shared>>)
      tpu.yield
    }) : () -> ()
    %barrier3A_18 = arith.constant 0 : index
    tpu.barrier barrier_id(%barrier3A_18)
    %multiple_of3A_19 = arith.constant 0 : i32
    %multiple_of3A_20 = tpu.assume_multiple %multiple_of3A_19, 128 : i32
    %dma_start3A_21 = tpu.memref_slice %arg9[%multiple_of3A_20] : memref<10240xi32, #tpu.memory_space<vmem>> -> memref<128xi32, #tpu.memory_space<vmem>>
    %dma_start3A_22 = arith.constant 0 : i32
    %dma_start3A_23 = arith.constant 0 : i32
    %dma_start3A_24 = tpu.memref_slice %arg14[%dma_start3A_22, %dma_start3A_23] : memref<10240x64xf32, #tpu.memory_space<vmem_shared>> -> memref<10240x64xf32, #tpu.memory_space<vmem_shared>>
    tpu.enqueue_indirect_dma source(%dma_start3A_24 : memref<10240x64xf32, #tpu.memory_space<vmem_shared>>) target(%arg12 : memref<128x64xf32, #tpu.memory_space<vmem>>) offsets(%dma_start3A_21 : memref<128xi32, #tpu.memory_space<vmem>>) semaphore(%arg16 : memref<!tpu.dma_semaphore, #tpu.memory_space<semaphore_mem>>)
    %scan3A_25 = arith.constant 0 : i32
    %scan3A_26 = arith.constant 0 : i32
    %scan3A_27 = arith.constant 40 : i32
    %scan3A_28 = arith.addi %scan3A_26, %scan3A_27 : i32
    %scan3A_29 = arith.constant 1 : i32
    scf.for %scan3A_32 = %scan3A_26 to %scan3A_28 step %scan3A_29  : i32 {
      %mul3A_33 = arith.constant 2 : i32
      %mul3A_34 = arith.muli %mul3A_33, %scan3A_32 : i32
      %add3A_35 = arith.constant 1 : i32
      %add3A_36 = arith.addi %mul3A_34, %add3A_35 : i32
      %mul3A_37 = arith.constant 128 : i32
      %mul3A_38 = arith.muli %add3A_36, %mul3A_37 : i32
      %multiple_of3A_39 = tpu.assume_multiple %mul3A_38, 128 : i32
      %dma_start3A_40 = tpu.memref_slice %arg9[%multiple_of3A_39] : memref<10240xi32, #tpu.memory_space<vmem>> -> memref<128xi32, #tpu.memory_space<vmem>>
      %dma_start3A_41 = arith.constant 0 : i32
      %dma_start3A_42 = arith.constant 0 : i32
      %dma_start3A_43 = tpu.memref_slice %arg14[%dma_start3A_41, %dma_start3A_42] : memref<10240x64xf32, #tpu.memory_space<vmem_shared>> -> memref<10240x64xf32, #tpu.memory_space<vmem_shared>>
      tpu.enqueue_indirect_dma source(%dma_start3A_43 : memref<10240x64xf32, #tpu.memory_space<vmem_shared>>) target(%arg13 : memref<128x64xf32, #tpu.memory_space<vmem>>) offsets(%dma_start3A_40 : memref<128xi32, #tpu.memory_space<vmem>>) semaphore(%arg17 : memref<!tpu.dma_semaphore, #tpu.memory_space<semaphore_mem>>)
      %mul3A_44 = arith.constant 128 : i32
      %mul3A_45 = arith.muli %mul3A_34, %mul3A_44 : i32
      %multiple_of3A_46 = tpu.assume_multiple %mul3A_45, 128 : i32
      %dma_wait3A = tpu.memref_slice %arg9[%multiple_of3A_46] : memref<10240xi32, #tpu.memory_space<vmem>> -> memref<128xi32, #tpu.memory_space<vmem>>
      %dma_wait3A_47 = arith.constant 0 : i32
      %dma_wait3A_48 = arith.constant 0 : i32
      %dma_wait3A_49 = tpu.memref_slice %arg14[%dma_wait3A_47, %dma_wait3A_48] : memref<10240x64xf32, #tpu.memory_space<vmem_shared>> -> memref<10240x64xf32, #tpu.memory_space<vmem_shared>>
      tpu.wait_indirect_dma semaphore(%arg16 : memref<!tpu.dma_semaphore, #tpu.memory_space<semaphore_mem>>) src(%dma_wait3A_49 : memref<10240x64xf32, #tpu.memory_space<vmem_shared>>) dst(%arg12 : memref<128x64xf32, #tpu.memory_space<vmem>>)
      %mul3A_50 = arith.constant 128 : i32
      %mul3A_51 = arith.muli %mul3A_34, %mul3A_50 : i32
      %add3A_52 = arith.constant 0 : i32
      %add3A_53 = arith.addi %mul3A_51, %add3A_52 : i32
      %get3A = arith.index_cast %add3A_53 : i32 to index
      %get3A_54 = tpu.vector_load %arg10[%get3A] {strides = array<i32>} : memref<10240xi32, #tpu.memory_space<vmem>>, vector<16xi32>,
      %swap3A = arith.constant 0 : index
      %swap3A_55 = tpu.vector_load %arg11[%swap3A] {strides = array<i32>} : memref<128xi32, #tpu.memory_space<vmem>>, vector<16xi32>,
      tpu.vector_store %arg11[%swap3A], %get3A_54 {strides = array<i32>} : memref<128xi32, #tpu.memory_space<vmem>>, vector<16xi32>,
      %mul3A_56 = arith.constant 128 : i32
      %mul3A_57 = arith.muli %mul3A_34, %mul3A_56 : i32
      %add3A_58 = arith.constant 16 : i32
      %add3A_59 = arith.addi %mul3A_57, %add3A_58 : i32
      %get3A_60 = arith.index_cast %add3A_59 : i32 to index
      %get3A_61 = tpu.vector_load %arg10[%get3A_60] {strides = array<i32>} : memref<10240xi32, #tpu.memory_space<vmem>>, vector<16xi32>,
      %swap3A_62 = arith.constant 16 : index
      %swap3A_63 = tpu.vector_load %arg11[%swap3A_62] {strides = array<i32>} : memref<128xi32, #tpu.memory_space<vmem>>, vector<16xi32>,
      tpu.vector_store %arg11[%swap3A_62], %get3A_61 {strides = array<i32>} : memref<128xi32, #tpu.memory_space<vmem>>, vector<16xi32>,
      %mul3A_64 = arith.constant 128 : i32
      %mul3A_65 = arith.muli %mul3A_34, %mul3A_64 : i32
      %add3A_66 = arith.constant 32 : i32
      %add3A_67 = arith.addi %mul3A_65, %add3A_66 : i32
      %get3A_68 = arith.index_cast %add3A_67 : i32 to index
      %get3A_69 = tpu.vector_load %arg10[%get3A_68] {strides = array<i32>} : memref<10240xi32, #tpu.memory_space<vmem>>, vector<16xi32>,
      %swap3A_70 = arith.constant 32 : index
      %swap3A_71 = tpu.vector_load %arg11[%swap3A_70] {strides = array<i32>} : memref<128xi32, #tpu.memory_space<vmem>>, vector<16xi32>,
      tpu.vector_store %arg11[%swap3A_70], %get3A_69 {strides = array<i32>} : memref<128xi32, #tpu.memory_space<vmem>>, vector<16xi32>,
      %mul3A_72 = arith.constant 128 : i32
      %mul3A_73 = arith.muli %mul3A_34, %mul3A_72 : i32
      %add3A_74 = arith.constant 48 : i32
      %add3A_75 = arith.addi %mul3A_73, %add3A_74 : i32
      %get3A_76 = arith.index_cast %add3A_75 : i32 to index
      %get3A_77 = tpu.vector_load %arg10[%get3A_76] {strides = array<i32>} : memref<10240xi32, #tpu.memory_space<vmem>>, vector<16xi32>,
      %swap3A_78 = arith.constant 48 : index
      %swap3A_79 = tpu.vector_load %arg11[%swap3A_78] {strides = array<i32>} : memref<128xi32, #tpu.memory_space<vmem>>, vector<16xi32>,
      tpu.vector_store %arg11[%swap3A_78], %get3A_77 {strides = array<i32>} : memref<128xi32, #tpu.memory_space<vmem>>, vector<16xi32>,
      %mul3A_80 = arith.constant 128 : i32
      %mul3A_81 = arith.muli %mul3A_34, %mul3A_80 : i32
      %add3A_82 = arith.constant 64 : i32
      %add3A_83 = arith.addi %mul3A_81, %add3A_82 : i32
      %get3A_84 = arith.index_cast %add3A_83 : i32 to index
      %get3A_85 = tpu.vector_load %arg10[%get3A_84] {strides = array<i32>} : memref<10240xi32, #tpu.memory_space<vmem>>, vector<16xi32>,
      %swap3A_86 = arith.constant 64 : index
      %swap3A_87 = tpu.vector_load %arg11[%swap3A_86] {strides = array<i32>} : memref<128xi32, #tpu.memory_space<vmem>>, vector<16xi32>,
      tpu.vector_store %arg11[%swap3A_86], %get3A_85 {strides = array<i32>} : memref<128xi32, #tpu.memory_space<vmem>>, vector<16xi32>,
      %mul3A_88 = arith.constant 128 : i32
      %mul3A_89 = arith.muli %mul3A_34, %mul3A_88 : i32
      %add3A_90 = arith.constant 80 : i32
      %add3A_91 = arith.addi %mul3A_89, %add3A_90 : i32
      %get3A_92 = arith.index_cast %add3A_91 : i32 to index
      %get3A_93 = tpu.vector_load %arg10[%get3A_92] {strides = array<i32>} : memref<10240xi32, #tpu.memory_space<vmem>>, vector<16xi32>,
      %swap3A_94 = arith.constant 80 : index
      %swap3A_95 = tpu.vector_load %arg11[%swap3A_94] {strides = array<i32>} : memref<128xi32, #tpu.memory_space<vmem>>, vector<16xi32>,
      tpu.vector_store %arg11[%swap3A_94], %get3A_93 {strides = array<i32>} : memref<128xi32, #tpu.memory_space<vmem>>, vector<16xi32>,
      %mul3A_96 = arith.constant 128 : i32
      %mul3A_97 = arith.muli %mul3A_34, %mul3A_96 : i32
      %add3A_98 = arith.constant 96 : i32
      %add3A_99 = arith.addi %mul3A_97, %add3A_98 : i32
      %get3A_100 = arith.index_cast %add3A_99 : i32 to index
      %get3A_101 = tpu.vector_load %arg10[%get3A_100] {strides = array<i32>} : memref<10240xi32, #tpu.memory_space<vmem>>, vector<16xi32>,
      %swap3A_102 = arith.constant 96 : index
      %swap3A_103 = tpu.vector_load %arg11[%swap3A_102] {strides = array<i32>} : memref<128xi32, #tpu.memory_space<vmem>>, vector<16xi32>,
      tpu.vector_store %arg11[%swap3A_102], %get3A_101 {strides = array<i32>} : memref<128xi32, #tpu.memory_space<vmem>>, vector<16xi32>,
      %mul3A_104 = arith.constant 128 : i32
      %mul3A_105 = arith.muli %mul3A_34, %mul3A_104 : i32
      %add3A_106 = arith.constant 112 : i32
      %add3A_107 = arith.addi %mul3A_105, %add3A_106 : i32
      %get3A_108 = arith.index_cast %add3A_107 : i32 to index
      %get3A_109 = tpu.vector_load %arg10[%get3A_108] {strides = array<i32>} : memref<10240xi32, #tpu.memory_space<vmem>>, vector<16xi32>,
      %swap3A_110 = arith.constant 112 : index
      %swap3A_111 = tpu.vector_load %arg11[%swap3A_110] {strides = array<i32>} : memref<128xi32, #tpu.memory_space<vmem>>, vector<16xi32>,
      tpu.vector_store %arg11[%swap3A_110], %get3A_109 {strides = array<i32>} : memref<128xi32, #tpu.memory_space<vmem>>, vector<16xi32>,
      "tpu.region"() ({
        %run_scoped3A = tpu.sem_alloc : memref<!tpu.dma_semaphore, #tpu.memory_space<semaphore_mem>>
        %dma_start3A_185 = arith.constant 0 : i32
        %dma_start3A_186 = arith.constant 0 : i32
        %dma_start3A_187 = tpu.memref_slice %arg15[%dma_start3A_185, %dma_start3A_186] : memref<10240x64xf32, #tpu.memory_space<vmem_shared>> -> memref<10240x64xf32, #tpu.memory_space<vmem_shared>>
        tpu.enqueue_indirect_dma source(%arg12 : memref<128x64xf32, #tpu.memory_space<vmem>>) target(%dma_start3A_187 : memref<10240x64xf32, #tpu.memory_space<vmem_shared>>) offsets(%arg11 : memref<128xi32, #tpu.memory_space<vmem>>) semaphore(%run_scoped3A : memref<!tpu.dma_semaphore, #tpu.memory_space<semaphore_mem>>) {add = true}
        %dma_wait3A_188 = arith.constant 0 : i32
        %dma_wait3A_189 = arith.constant 0 : i32
        %dma_wait3A_190 = tpu.memref_slice %arg15[%dma_wait3A_188, %dma_wait3A_189] : memref<10240x64xf32, #tpu.memory_space<vmem_shared>> -> memref<10240x64xf32, #tpu.memory_space<vmem_shared>>
        tpu.wait_indirect_dma semaphore(%run_scoped3A : memref<!tpu.dma_semaphore, #tpu.memory_space<semaphore_mem>>) src(%arg12 : memref<128x64xf32, #tpu.memory_space<vmem>>) dst(%dma_wait3A_190 : memref<10240x64xf32, #tpu.memory_space<vmem_shared>>)
        tpu.yield
      }) : () -> ()
      %lt3A = arith.constant 39 : i32
      %lt3A_112 = arith.cmpi slt, %scan3A_32, %lt3A : i32
      %convert_element_type3A = arith.extui %lt3A_112 : i1 to i32
      %cond3A = arith.constant 0 : i32
      %cond3A_113 = arith.cmpi ne, %convert_element_type3A, %cond3A : i32
      scf.if %cond3A_113 {
        %add3A_185 = arith.constant 2 : i32
        %add3A_186 = arith.addi %mul3A_34, %add3A_185 : i32
        %mul3A_187 = arith.constant 128 : i32
        %mul3A_188 = arith.muli %add3A_186, %mul3A_187 : i32
        %multiple_of3A_189 = tpu.assume_multiple %mul3A_188, 128 : i32
        %dma_start3A_190 = tpu.memref_slice %arg9[%multiple_of3A_189] : memref<10240xi32, #tpu.memory_space<vmem>> -> memref<128xi32, #tpu.memory_space<vmem>>
        %dma_start3A_191 = arith.constant 0 : i32
        %dma_start3A_192 = arith.constant 0 : i32
        %dma_start3A_193 = tpu.memref_slice %arg14[%dma_start3A_191, %dma_start3A_192] : memref<10240x64xf32, #tpu.memory_space<vmem_shared>> -> memref<10240x64xf32, #tpu.memory_space<vmem_shared>>
        tpu.enqueue_indirect_dma source(%dma_start3A_193 : memref<10240x64xf32, #tpu.memory_space<vmem_shared>>) target(%arg12 : memref<128x64xf32, #tpu.memory_space<vmem>>) offsets(%dma_start3A_190 : memref<128xi32, #tpu.memory_space<vmem>>) semaphore(%arg16 : memref<!tpu.dma_semaphore, #tpu.memory_space<semaphore_mem>>)
      } else {
      }
      %mul3A_114 = arith.constant 128 : i32
      %mul3A_115 = arith.muli %add3A_36, %mul3A_114 : i32
      %multiple_of3A_116 = tpu.assume_multiple %mul3A_115, 128 : i32
      %dma_wait3A_117 = tpu.memref_slice %arg9[%multiple_of3A_116] : memref<10240xi32, #tpu.memory_space<vmem>> -> memref<128xi32, #tpu.memory_space<vmem>>
      %dma_wait3A_118 = arith.constant 0 : i32
      %dma_wait3A_119 = arith.constant 0 : i32
      %dma_wait3A_120 = tpu.memref_slice %arg14[%dma_wait3A_118, %dma_wait3A_119] : memref<10240x64xf32, #tpu.memory_space<vmem_shared>> -> memref<10240x64xf32, #tpu.memory_space<vmem_shared>>
      tpu.wait_indirect_dma semaphore(%arg17 : memref<!tpu.dma_semaphore, #tpu.memory_space<semaphore_mem>>) src(%dma_wait3A_120 : memref<10240x64xf32, #tpu.memory_space<vmem_shared>>) dst(%arg13 : memref<128x64xf32, #tpu.memory_space<vmem>>)
      %mul3A_121 = arith.constant 128 : i32
      %mul3A_122 = arith.muli %add3A_36, %mul3A_121 : i32
      %add3A_123 = arith.constant 0 : i32
      %add3A_124 = arith.addi %mul3A_122, %add3A_123 : i32
      %get3A_125 = arith.index_cast %add3A_124 : i32 to index
      %get3A_126 = tpu.vector_load %arg10[%get3A_125] {strides = array<i32>} : memref<10240xi32, #tpu.memory_space<vmem>>, vector<16xi32>,
      %swap3A_127 = arith.constant 0 : index
      %swap3A_128 = tpu.vector_load %arg11[%swap3A_127] {strides = array<i32>} : memref<128xi32, #tpu.memory_space<vmem>>, vector<16xi32>,
      tpu.vector_store %arg11[%swap3A_127], %get3A_126 {strides = array<i32>} : memref<128xi32, #tpu.memory_space<vmem>>, vector<16xi32>,
      %mul3A_129 = arith.constant 128 : i32
      %mul3A_130 = arith.muli %add3A_36, %mul3A_129 : i32
      %add3A_131 = arith.constant 16 : i32
      %add3A_132 = arith.addi %mul3A_130, %add3A_131 : i32
      %get3A_133 = arith.index_cast %add3A_132 : i32 to index
      %get3A_134 = tpu.vector_load %arg10[%get3A_133] {strides = array<i32>} : memref<10240xi32, #tpu.memory_space<vmem>>, vector<16xi32>,
      %swap3A_135 = arith.constant 16 : index
      %swap3A_136 = tpu.vector_load %arg11[%swap3A_135] {strides = array<i32>} : memref<128xi32, #tpu.memory_space<vmem>>, vector<16xi32>,
      tpu.vector_store %arg11[%swap3A_135], %get3A_134 {strides = array<i32>} : memref<128xi32, #tpu.memory_space<vmem>>, vector<16xi32>,
      %mul3A_137 = arith.constant 128 : i32
      %mul3A_138 = arith.muli %add3A_36, %mul3A_137 : i32
      %add3A_139 = arith.constant 32 : i32
      %add3A_140 = arith.addi %mul3A_138, %add3A_139 : i32
      %get3A_141 = arith.index_cast %add3A_140 : i32 to index
      %get3A_142 = tpu.vector_load %arg10[%get3A_141] {strides = array<i32>} : memref<10240xi32, #tpu.memory_space<vmem>>, vector<16xi32>,
      %swap3A_143 = arith.constant 32 : index
      %swap3A_144 = tpu.vector_load %arg11[%swap3A_143] {strides = array<i32>} : memref<128xi32, #tpu.memory_space<vmem>>, vector<16xi32>,
      tpu.vector_store %arg11[%swap3A_143], %get3A_142 {strides = array<i32>} : memref<128xi32, #tpu.memory_space<vmem>>, vector<16xi32>,
      %mul3A_145 = arith.constant 128 : i32
      %mul3A_146 = arith.muli %add3A_36, %mul3A_145 : i32
      %add3A_147 = arith.constant 48 : i32
      %add3A_148 = arith.addi %mul3A_146, %add3A_147 : i32
      %get3A_149 = arith.index_cast %add3A_148 : i32 to index
      %get3A_150 = tpu.vector_load %arg10[%get3A_149] {strides = array<i32>} : memref<10240xi32, #tpu.memory_space<vmem>>, vector<16xi32>,
      %swap3A_151 = arith.constant 48 : index
      %swap3A_152 = tpu.vector_load %arg11[%swap3A_151] {strides = array<i32>} : memref<128xi32, #tpu.memory_space<vmem>>, vector<16xi32>,
      tpu.vector_store %arg11[%swap3A_151], %get3A_150 {strides = array<i32>} : memref<128xi32, #tpu.memory_space<vmem>>, vector<16xi32>,
      %mul3A_153 = arith.constant 128 : i32
      %mul3A_154 = arith.muli %add3A_36, %mul3A_153 : i32
      %add3A_155 = arith.constant 64 : i32
      %add3A_156 = arith.addi %mul3A_154, %add3A_155 : i32
      %get3A_157 = arith.index_cast %add3A_156 : i32 to index
      %get3A_158 = tpu.vector_load %arg10[%get3A_157] {strides = array<i32>} : memref<10240xi32, #tpu.memory_space<vmem>>, vector<16xi32>,
      %swap3A_159 = arith.constant 64 : index
      %swap3A_160 = tpu.vector_load %arg11[%swap3A_159] {strides = array<i32>} : memref<128xi32, #tpu.memory_space<vmem>>, vector<16xi32>,
      tpu.vector_store %arg11[%swap3A_159], %get3A_158 {strides = array<i32>} : memref<128xi32, #tpu.memory_space<vmem>>, vector<16xi32>,
      %mul3A_161 = arith.constant 128 : i32
      %mul3A_162 = arith.muli %add3A_36, %mul3A_161 : i32
      %add3A_163 = arith.constant 80 : i32
      %add3A_164 = arith.addi %mul3A_162, %add3A_163 : i32
      %get3A_165 = arith.index_cast %add3A_164 : i32 to index
      %get3A_166 = tpu.vector_load %arg10[%get3A_165] {strides = array<i32>} : memref<10240xi32, #tpu.memory_space<vmem>>, vector<16xi32>,
      %swap3A_167 = arith.constant 80 : index
      %swap3A_168 = tpu.vector_load %arg11[%swap3A_167] {strides = array<i32>} : memref<128xi32, #tpu.memory_space<vmem>>, vector<16xi32>,
      tpu.vector_store %arg11[%swap3A_167], %get3A_166 {strides = array<i32>} : memref<128xi32, #tpu.memory_space<vmem>>, vector<16xi32>,
      %mul3A_169 = arith.constant 128 : i32
      %mul3A_170 = arith.muli %add3A_36, %mul3A_169 : i32
      %add3A_171 = arith.constant 96 : i32
      %add3A_172 = arith.addi %mul3A_170, %add3A_171 : i32
      %get3A_173 = arith.index_cast %add3A_172 : i32 to index
      %get3A_174 = tpu.vector_load %arg10[%get3A_173] {strides = array<i32>} : memref<10240xi32, #tpu.memory_space<vmem>>, vector<16xi32>,
      %swap3A_175 = arith.constant 96 : index
      %swap3A_176 = tpu.vector_load %arg11[%swap3A_175] {strides = array<i32>} : memref<128xi32, #tpu.memory_space<vmem>>, vector<16xi32>,
      tpu.vector_store %arg11[%swap3A_175], %get3A_174 {strides = array<i32>} : memref<128xi32, #tpu.memory_space<vmem>>, vector<16xi32>,
      %mul3A_177 = arith.constant 128 : i32
      %mul3A_178 = arith.muli %add3A_36, %mul3A_177 : i32
      %add3A_179 = arith.constant 112 : i32
      %add3A_180 = arith.addi %mul3A_178, %add3A_179 : i32
      %get3A_181 = arith.index_cast %add3A_180 : i32 to index
      %get3A_182 = tpu.vector_load %arg10[%get3A_181] {strides = array<i32>} : memref<10240xi32, #tpu.memory_space<vmem>>, vector<16xi32>,
      %swap3A_183 = arith.constant 112 : index
      %swap3A_184 = tpu.vector_load %arg11[%swap3A_183] {strides = array<i32>} : memref<128xi32, #tpu.memory_space<vmem>>, vector<16xi32>,
      tpu.vector_store %arg11[%swap3A_183], %get3A_182 {strides = array<i32>} : memref<128xi32, #tpu.memory_space<vmem>>, vector<16xi32>,
      "tpu.region"() ({
        %run_scoped3A = tpu.sem_alloc : memref<!tpu.dma_semaphore, #tpu.memory_space<semaphore_mem>>
        %dma_start3A_185 = arith.constant 0 : i32
        %dma_start3A_186 = arith.constant 0 : i32
        %dma_start3A_187 = tpu.memref_slice %arg15[%dma_start3A_185, %dma_start3A_186] : memref<10240x64xf32, #tpu.memory_space<vmem_shared>> -> memref<10240x64xf32, #tpu.memory_space<vmem_shared>>
        tpu.enqueue_indirect_dma source(%arg13 : memref<128x64xf32, #tpu.memory_space<vmem>>) target(%dma_start3A_187 : memref<10240x64xf32, #tpu.memory_space<vmem_shared>>) offsets(%arg11 : memref<128xi32, #tpu.memory_space<vmem>>) semaphore(%run_scoped3A : memref<!tpu.dma_semaphore, #tpu.memory_space<semaphore_mem>>) {add = true}
        %dma_wait3A_188 = arith.constant 0 : i32
        %dma_wait3A_189 = arith.constant 0 : i32
        %dma_wait3A_190 = tpu.memref_slice %arg15[%dma_wait3A_188, %dma_wait3A_189] : memref<10240x64xf32, #tpu.memory_space<vmem_shared>> -> memref<10240x64xf32, #tpu.memory_space<vmem_shared>>
        tpu.wait_indirect_dma semaphore(%run_scoped3A : memref<!tpu.dma_semaphore, #tpu.memory_space<semaphore_mem>>) src(%arg13 : memref<128x64xf32, #tpu.memory_space<vmem>>) dst(%dma_wait3A_190 : memref<10240x64xf32, #tpu.memory_space<vmem_shared>>)
        tpu.yield
      }) : () -> ()
    }
    %scan3A_30 = arith.constant 40 : i32
    %barrier3A_31 = arith.constant 0 : index
    tpu.barrier barrier_id(%barrier3A_31)
    "tpu.region"() ({
      %run_scoped3A = tpu.sem_alloc : memref<!tpu.dma_semaphore, #tpu.memory_space<semaphore_mem>>
      %dma_start3A_32 = arith.constant 0 : i32
      %dma_start3A_33 = tpu.memref_slice %arg8[%arg0, %mul3A_2, %dma_start3A_32] : memref<2x10240x64xf32, #tpu.memory_space<hbm>> -> memref<1x640x64xf32, #tpu.memory_space<hbm>>
      %dma_start3A_34 = tpu.memref_squeeze %dma_start3A_33 : memref<1x640x64xf32, #tpu.memory_space<hbm>> -> memref<640x64xf32, #tpu.memory_space<hbm>>
      %dma_start3A_35 = arith.constant 0 : i32
      %dma_start3A_36 = tpu.memref_slice %arg15[%mul3A_2, %dma_start3A_35] : memref<10240x64xf32, #tpu.memory_space<vmem_shared>> -> memref<640x64xf32, #tpu.memory_space<vmem_shared>>
      tpu.enqueue_dma source(%dma_start3A_36 : memref<640x64xf32, #tpu.memory_space<vmem_shared>>) target(%dma_start3A_34 : memref<640x64xf32, #tpu.memory_space<hbm>>) target_semaphore(%run_scoped3A : memref<!tpu.dma_semaphore, #tpu.memory_space<semaphore_mem>>)
      %dma_wait3A = arith.constant 0 : i32
      %dma_wait3A_37 = tpu.memref_slice %arg8[%arg0, %mul3A_2, %dma_wait3A] : memref<2x10240x64xf32, #tpu.memory_space<hbm>> -> memref<1x640x64xf32, #tpu.memory_space<hbm>>
      %dma_wait3A_38 = tpu.memref_squeeze %dma_wait3A_37 : memref<1x640x64xf32, #tpu.memory_space<hbm>> -> memref<640x64xf32, #tpu.memory_space<hbm>>
      %dma_wait3A_39 = arith.constant 0 : i32
      %dma_wait3A_40 = tpu.memref_slice %arg15[%mul3A_2, %dma_wait3A_39] : memref<10240x64xf32, #tpu.memory_space<vmem_shared>> -> memref<640x64xf32, #tpu.memory_space<vmem_shared>>
      tpu.wait_dma2 semaphore(%run_scoped3A : memref<!tpu.dma_semaphore, #tpu.memory_space<semaphore_mem>>) src(%dma_wait3A_40 : memref<640x64xf32, #tpu.memory_space<vmem_shared>>) dst(%dma_wait3A_38 : memref<640x64xf32, #tpu.memory_space<hbm>>)
      tpu.yield
    }) : () -> ()
    return
  }
}

module attributes {stable_mosaic.version = 14 : i64} {
  func.func @_deg_body(%arg0: i32, %arg1: memref<32x1024xf32, #tpu.memory_space<vmem>>, %arg2: memref<1x1024xf32, #tpu.memory_space<vmem>>) attributes {dimension_semantics = [#tpu.dimension_semantics<arbitrary>], iteration_bounds = array<i64: 10>, scalar_prefetch = 0 : i64, scratch_operands = 0 : i64, tpu.core_type = #tpu.core_type<tc>, window_params = [{transform_indices = @transform_0, window_bounds = array<i64: 32, 1024>}, {transform_indices = @transform_1, window_bounds = array<i64: 1, 1024>}]} {
    %get3A = arith.constant 0 : index
    %get3A_0 = arith.constant 0 : index
    %get3A_1 = vector.load %arg1[%get3A, %get3A_0] : memref<32x1024xf32, #tpu.memory_space<vmem>>, vector<32x1024xf32>
    %reduce_sum3A = arith.constant dense<0.000000e+00> : vector<1024xf32>
    %reduce_sum3A_2 = vector.multi_reduction <add>, %get3A_1, %reduce_sum3A [0] : vector<32x1024xf32> to vector<1024xf32>
    %broadcast_in_dim3A = vector.shape_cast %reduce_sum3A_2 : vector<1024xf32> to vector<1x1024xf32>
    %swap3A = arith.constant 0 : index
    %swap3A_3 = arith.constant 0 : index
    %swap3A_4 = vector.load %arg2[%swap3A, %swap3A_3] : memref<1x1024xf32, #tpu.memory_space<vmem>>, vector<1x1024xf32>
    tpu.vector_store %arg2[%swap3A, %swap3A_3], %broadcast_in_dim3A {strides = array<i32>} : memref<1x1024xf32, #tpu.memory_space<vmem>>, vector<1x1024xf32>,
    return
  }
  func.func @transform_0(%arg0: i32) -> (i32, i32) {
    %c0_i32 = arith.constant 0 : i32
    %c0_i32_0 = arith.constant 0 : i32
    return %c0_i32, %arg0 : i32, i32
  }
  func.func @transform_1(%arg0: i32) -> (i32, i32) {
    %c0_i32 = arith.constant 0 : i32
    %c0_i32_0 = arith.constant 0 : i32
    return %c0_i32, %arg0 : i32, i32
  }
}

module attributes {stable_mosaic.version = 14 : i64} {
  func.func @_tc0_body(%arg0: i32, %arg1: memref<1024x128xf32, #tpu.memory_space<vmem>>, %arg2: memref<2x1024x64xf32, #tpu.memory_space<vmem>>, %arg3: memref<2x1024x64xf32, #tpu.memory_space<vmem>>, %arg4: memref<1024x1xf32, #tpu.memory_space<vmem>>, %arg5: memref<128x128xf32, #tpu.memory_space<vmem>>, %arg6: memref<64x128xf32, #tpu.memory_space<vmem>>, %arg7: memref<64x128xf32, #tpu.memory_space<vmem>>, %arg8: memref<1x128xf32, #tpu.memory_space<vmem>>, %arg9: memref<1024x128xf32, #tpu.memory_space<vmem>>, %arg10: memref<1024x64xf32, #tpu.memory_space<vmem>>, %arg11: memref<1024x64xf32, #tpu.memory_space<vmem>>) attributes {dimension_semantics = [#tpu.dimension_semantics<arbitrary>], iteration_bounds = array<i64: 10>, scalar_prefetch = 0 : i64, scratch_operands = 0 : i64, tpu.core_type = #tpu.core_type<tc>, window_params = [{transform_indices = @transform_0, window_bounds = array<i64: 1024, 128>}, {transform_indices = @transform_1, window_bounds = array<i64: 2, 1024, 64>}, {transform_indices = @transform_2, window_bounds = array<i64: 2, 1024, 64>}, {transform_indices = @transform_3, window_bounds = array<i64: 1024, 1>}, {pipeline_mode = #tpu.pipeline_mode<synchronous>, transform_indices = @transform_4, window_bounds = array<i64: 128, 128>}, {pipeline_mode = #tpu.pipeline_mode<synchronous>, transform_indices = @transform_5, window_bounds = array<i64: 64, 128>}, {pipeline_mode = #tpu.pipeline_mode<synchronous>, transform_indices = @transform_6, window_bounds = array<i64: 64, 128>}, {pipeline_mode = #tpu.pipeline_mode<synchronous>, transform_indices = @transform_7, window_bounds = array<i64: 1, 128>}, {transform_indices = @transform_8, window_bounds = array<i64: 1024, 128>}, {transform_indices = @transform_9, window_bounds = array<i64: 1024, 64>}, {transform_indices = @transform_10, window_bounds = array<i64: 1024, 64>}]} {
    %get3A = arith.constant 0 : index
    %get3A_0 = arith.constant 0 : index
    %get3A_1 = vector.load %arg4[%get3A, %get3A_0] : memref<1024x1xf32, #tpu.memory_space<vmem>>, vector<1024x1xf32>
    %max3A = arith.constant 1.000000e+00 : f32
    %max3A_2 = vector.broadcast %max3A : f32 to vector<1024x1xf32>
    %max3A_3 = arith.maximumf %get3A_1, %max3A_2 : vector<1024x1xf32>
    %div3A = arith.constant 1.000000e+00 : f32
    %div3A_4 = vector.broadcast %div3A : f32 to vector<1024x1xf32>
    %div3A_5 = arith.divf %div3A_4, %max3A_3 : vector<1024x1xf32>
    %get3A_6 = arith.constant 0 : index
    %get3A_7 = arith.constant 0 : index
    %get3A_8 = arith.constant 0 : index
    %get3A_9 = vector.load %arg2[%get3A_6, %get3A_7, %get3A_8] : memref<2x1024x64xf32, #tpu.memory_space<vmem>>, vector<1x1024x64xf32>
    %get3A_10 = vector.shape_cast %get3A_9 : vector<1x1024x64xf32> to vector<1024x64xf32>
    %get3A_11 = arith.constant 1 : index
    %get3A_12 = arith.constant 0 : index
    %get3A_13 = arith.constant 0 : index
    %get3A_14 = vector.load %arg2[%get3A_11, %get3A_12, %get3A_13] : memref<2x1024x64xf32, #tpu.memory_space<vmem>>, vector<1x1024x64xf32>
    %get3A_15 = vector.shape_cast %get3A_14 : vector<1x1024x64xf32> to vector<1024x64xf32>
    %add3A = arith.addf %get3A_10, %get3A_15 : vector<1024x64xf32>
    %mul3A = vector.broadcast %div3A_5 : vector<1024x1xf32> to vector<1024x64xf32>
    %mul3A_16 = arith.mulf %add3A, %mul3A : vector<1024x64xf32>
    %get3A_17 = arith.constant 0 : index
    %get3A_18 = arith.constant 0 : index
    %get3A_19 = arith.constant 0 : index
    %get3A_20 = vector.load %arg3[%get3A_17, %get3A_18, %get3A_19] : memref<2x1024x64xf32, #tpu.memory_space<vmem>>, vector<1x1024x64xf32>
    %get3A_21 = vector.shape_cast %get3A_20 : vector<1x1024x64xf32> to vector<1024x64xf32>
    %get3A_22 = arith.constant 1 : index
    %get3A_23 = arith.constant 0 : index
    %get3A_24 = arith.constant 0 : index
    %get3A_25 = vector.load %arg3[%get3A_22, %get3A_23, %get3A_24] : memref<2x1024x64xf32, #tpu.memory_space<vmem>>, vector<1x1024x64xf32>
    %get3A_26 = vector.shape_cast %get3A_25 : vector<1x1024x64xf32> to vector<1024x64xf32>
    %add3A_27 = arith.addf %get3A_21, %get3A_26 : vector<1024x64xf32>
    %mul3A_28 = vector.broadcast %div3A_5 : vector<1024x1xf32> to vector<1024x64xf32>
    %mul3A_29 = arith.mulf %add3A_27, %mul3A_28 : vector<1024x64xf32>
    %get3A_30 = arith.constant 0 : index
    %get3A_31 = arith.constant 0 : index
    %get3A_32 = vector.load %arg1[%get3A_30, %get3A_31] : memref<1024x128xf32, #tpu.memory_space<vmem>>, vector<1024x128xf32>
    %get3A_33 = arith.constant 0 : index
    %get3A_34 = arith.constant 0 : index
    %get3A_35 = vector.load %arg5[%get3A_33, %get3A_34] : memref<128x128xf32, #tpu.memory_space<vmem>>, vector<128x128xf32>
    %dot_general3A = arith.constant dense<0.000000e+00> : vector<1024x128xf32>
    %dot_general3A_36 = tpu.matmul %get3A_32, %get3A_35, %dot_general3A {dimension_numbers = #tpu.dot_dimension_numbers<[1], [0], [0], [1], [0, 0, 1, 1], [], []>, transpose_lhs_hint = false} : vector<1024x128xf32>, vector<128x128xf32>, vector<1024x128xf32> -> vector<1024x128xf32>
    %get3A_37 = arith.constant 0 : index
    %get3A_38 = arith.constant 0 : index
    %get3A_39 = vector.load %arg6[%get3A_37, %get3A_38] : memref<64x128xf32, #tpu.memory_space<vmem>>, vector<64x128xf32>
    %dot_general3A_40 = arith.constant dense<0.000000e+00> : vector<1024x128xf32>
    %dot_general3A_41 = tpu.matmul %mul3A_16, %get3A_39, %dot_general3A_40 {dimension_numbers = #tpu.dot_dimension_numbers<[1], [0], [0], [1], [0, 0, 1, 1], [], []>, transpose_lhs_hint = false} : vector<1024x64xf32>, vector<64x128xf32>, vector<1024x128xf32> -> vector<1024x128xf32>
    %add3A_42 = arith.addf %dot_general3A_36, %dot_general3A_41 : vector<1024x128xf32>
    %get3A_43 = arith.constant 0 : index
    %get3A_44 = arith.constant 0 : index
    %get3A_45 = vector.load %arg7[%get3A_43, %get3A_44] : memref<64x128xf32, #tpu.memory_space<vmem>>, vector<64x128xf32>
    %dot_general3A_46 = arith.constant dense<0.000000e+00> : vector<1024x128xf32>
    %dot_general3A_47 = tpu.matmul %mul3A_29, %get3A_45, %dot_general3A_46 {dimension_numbers = #tpu.dot_dimension_numbers<[1], [0], [0], [1], [0, 0, 1, 1], [], []>, transpose_lhs_hint = false} : vector<1024x64xf32>, vector<64x128xf32>, vector<1024x128xf32> -> vector<1024x128xf32>
    %add3A_48 = arith.addf %add3A_42, %dot_general3A_47 : vector<1024x128xf32>
    %get3A_49 = arith.constant 0 : index
    %get3A_50 = arith.constant 0 : index
    %get3A_51 = vector.load %arg8[%get3A_49, %get3A_50] : memref<1x128xf32, #tpu.memory_space<vmem>>, vector<1x128xf32>
    %add3A_52 = vector.broadcast %get3A_51 : vector<1x128xf32> to vector<1024x128xf32>
    %add3A_53 = arith.addf %add3A_48, %add3A_52 : vector<1024x128xf32>
    %max3A_54 = arith.constant 0.000000e+00 : f32
    %max3A_55 = vector.broadcast %max3A_54 : f32 to vector<1024x128xf32>
    %max3A_56 = arith.maximumf %add3A_53, %max3A_55 : vector<1024x128xf32>
    %swap3A = arith.constant 0 : index
    %swap3A_57 = arith.constant 0 : index
    %swap3A_58 = vector.load %arg9[%swap3A, %swap3A_57] : memref<1024x128xf32, #tpu.memory_space<vmem>>, vector<1024x128xf32>
    tpu.vector_store %arg9[%swap3A, %swap3A_57], %max3A_56 {strides = array<i32>} : memref<1024x128xf32, #tpu.memory_space<vmem>>, vector<1024x128xf32>,
    %slice3A = vector.extract_strided_slice %max3A_56 {offsets = [0, 0], sizes = [1024, 64], strides = [1, 1]} : vector<1024x128xf32> to vector<1024x64xf32>
    %swap3A_59 = arith.constant 0 : index
    %swap3A_60 = arith.constant 0 : index
    %swap3A_61 = vector.load %arg10[%swap3A_59, %swap3A_60] : memref<1024x64xf32, #tpu.memory_space<vmem>>, vector<1024x64xf32>
    tpu.vector_store %arg10[%swap3A_59, %swap3A_60], %slice3A {strides = array<i32>} : memref<1024x64xf32, #tpu.memory_space<vmem>>, vector<1024x64xf32>,
    %slice3A_62 = vector.extract_strided_slice %max3A_56 {offsets = [0, 64], sizes = [1024, 64], strides = [1, 1]} : vector<1024x128xf32> to vector<1024x64xf32>
    %swap3A_63 = arith.constant 0 : index
    %swap3A_64 = arith.constant 0 : index
    %swap3A_65 = vector.load %arg11[%swap3A_63, %swap3A_64] : memref<1024x64xf32, #tpu.memory_space<vmem>>, vector<1024x64xf32>
    tpu.vector_store %arg11[%swap3A_63, %swap3A_64], %slice3A_62 {strides = array<i32>} : memref<1024x64xf32, #tpu.memory_space<vmem>>, vector<1024x64xf32>,
    return
  }
  func.func @transform_0(%arg0: i32) -> (i32, i32) {
    %c0_i32 = arith.constant 0 : i32
    %c0_i32_0 = arith.constant 0 : i32
    return %arg0, %c0_i32 : i32, i32
  }
  func.func @transform_1(%arg0: i32) -> (i32, i32, i32) {
    %c0_i32 = arith.constant 0 : i32
    %c0_i32_0 = arith.constant 0 : i32
    %c0_i32_1 = arith.constant 0 : i32
    return %c0_i32, %arg0, %c0_i32_0 : i32, i32, i32
  }
  func.func @transform_2(%arg0: i32) -> (i32, i32, i32) {
    %c0_i32 = arith.constant 0 : i32
    %c0_i32_0 = arith.constant 0 : i32
    %c0_i32_1 = arith.constant 0 : i32
    return %c0_i32, %arg0, %c0_i32_0 : i32, i32, i32
  }
  func.func @transform_3(%arg0: i32) -> (i32, i32) {
    %c0_i32 = arith.constant 0 : i32
    %c0_i32_0 = arith.constant 0 : i32
    return %arg0, %c0_i32 : i32, i32
  }
  func.func @transform_4(%arg0: i32) -> (i32, i32) {
    %c0_i32 = arith.constant 0 : i32
    %c0_i32_0 = arith.constant 0 : i32
    %c0_i32_1 = arith.constant 0 : i32
    return %c0_i32, %c0_i32_0 : i32, i32
  }
  func.func @transform_5(%arg0: i32) -> (i32, i32) {
    %c0_i32 = arith.constant 0 : i32
    %c0_i32_0 = arith.constant 0 : i32
    %c0_i32_1 = arith.constant 0 : i32
    return %c0_i32, %c0_i32_0 : i32, i32
  }
  func.func @transform_6(%arg0: i32) -> (i32, i32) {
    %c0_i32 = arith.constant 0 : i32
    %c0_i32_0 = arith.constant 0 : i32
    %c0_i32_1 = arith.constant 0 : i32
    return %c0_i32, %c0_i32_0 : i32, i32
  }
  func.func @transform_7(%arg0: i32) -> (i32, i32) {
    %c0_i32 = arith.constant 0 : i32
    %c0_i32_0 = arith.constant 0 : i32
    %c0_i32_1 = arith.constant 0 : i32
    return %c0_i32, %c0_i32_0 : i32, i32
  }
  func.func @transform_8(%arg0: i32) -> (i32, i32) {
    %c0_i32 = arith.constant 0 : i32
    %c0_i32_0 = arith.constant 0 : i32
    return %arg0, %c0_i32 : i32, i32
  }
  func.func @transform_9(%arg0: i32) -> (i32, i32) {
    %c0_i32 = arith.constant 0 : i32
    %c0_i32_0 = arith.constant 0 : i32
    return %arg0, %c0_i32 : i32, i32
  }
  func.func @transform_10(%arg0: i32) -> (i32, i32) {
    %c0_i32 = arith.constant 0 : i32
    %c0_i32_0 = arith.constant 0 : i32
    return %arg0, %c0_i32 : i32, i32
  }
}

module attributes {stable_mosaic.version = 14 : i64} {
  func.func @_tc2_body(%arg0: i32, %arg1: memref<1024x128xf32, #tpu.memory_space<vmem>>, %arg2: memref<2x1024x64xf32, #tpu.memory_space<vmem>>, %arg3: memref<1024x1xf32, #tpu.memory_space<vmem>>, %arg4: memref<128x64xf32, #tpu.memory_space<vmem>>, %arg5: memref<1x64xf32, #tpu.memory_space<vmem>>, %arg6: memref<1024x64xf32, #tpu.memory_space<vmem>>) attributes {dimension_semantics = [#tpu.dimension_semantics<arbitrary>], iteration_bounds = array<i64: 10>, scalar_prefetch = 0 : i64, scratch_operands = 0 : i64, tpu.core_type = #tpu.core_type<tc>, window_params = [{transform_indices = @transform_0, window_bounds = array<i64: 1024, 128>}, {transform_indices = @transform_1, window_bounds = array<i64: 2, 1024, 64>}, {transform_indices = @transform_2, window_bounds = array<i64: 1024, 1>}, {pipeline_mode = #tpu.pipeline_mode<synchronous>, transform_indices = @transform_3, window_bounds = array<i64: 128, 64>}, {pipeline_mode = #tpu.pipeline_mode<synchronous>, transform_indices = @transform_4, window_bounds = array<i64: 1, 64>}, {transform_indices = @transform_5, window_bounds = array<i64: 1024, 64>}]} {
    %get3A = arith.constant 0 : index
    %get3A_0 = arith.constant 0 : index
    %get3A_1 = vector.load %arg3[%get3A, %get3A_0] : memref<1024x1xf32, #tpu.memory_space<vmem>>, vector<1024x1xf32>
    %max3A = arith.constant 1.000000e+00 : f32
    %max3A_2 = vector.broadcast %max3A : f32 to vector<1024x1xf32>
    %max3A_3 = arith.maximumf %get3A_1, %max3A_2 : vector<1024x1xf32>
    %div3A = arith.constant 1.000000e+00 : f32
    %div3A_4 = vector.broadcast %div3A : f32 to vector<1024x1xf32>
    %div3A_5 = arith.divf %div3A_4, %max3A_3 : vector<1024x1xf32>
    %get3A_6 = arith.constant 0 : index
    %get3A_7 = arith.constant 0 : index
    %get3A_8 = vector.load %arg1[%get3A_6, %get3A_7] : memref<1024x128xf32, #tpu.memory_space<vmem>>, vector<1024x128xf32>
    %get3A_9 = arith.constant 0 : index
    %get3A_10 = arith.constant 0 : index
    %get3A_11 = vector.load %arg4[%get3A_9, %get3A_10] : memref<128x64xf32, #tpu.memory_space<vmem>>, vector<128x64xf32>
    %dot_general3A = arith.constant dense<0.000000e+00> : vector<1024x64xf32>
    %dot_general3A_12 = tpu.matmul %get3A_8, %get3A_11, %dot_general3A {dimension_numbers = #tpu.dot_dimension_numbers<[1], [0], [0], [1], [0, 0, 1, 1], [], []>, transpose_lhs_hint = false} : vector<1024x128xf32>, vector<128x64xf32>, vector<1024x64xf32> -> vector<1024x64xf32>
    %get3A_13 = arith.constant 0 : index
    %get3A_14 = arith.constant 0 : index
    %get3A_15 = arith.constant 0 : index
    %get3A_16 = vector.load %arg2[%get3A_13, %get3A_14, %get3A_15] : memref<2x1024x64xf32, #tpu.memory_space<vmem>>, vector<1x1024x64xf32>
    %get3A_17 = vector.shape_cast %get3A_16 : vector<1x1024x64xf32> to vector<1024x64xf32>
    %get3A_18 = arith.constant 1 : index
    %get3A_19 = arith.constant 0 : index
    %get3A_20 = arith.constant 0 : index
    %get3A_21 = vector.load %arg2[%get3A_18, %get3A_19, %get3A_20] : memref<2x1024x64xf32, #tpu.memory_space<vmem>>, vector<1x1024x64xf32>
    %get3A_22 = vector.shape_cast %get3A_21 : vector<1x1024x64xf32> to vector<1024x64xf32>
    %add3A = arith.addf %get3A_17, %get3A_22 : vector<1024x64xf32>
    %mul3A = vector.broadcast %div3A_5 : vector<1024x1xf32> to vector<1024x64xf32>
    %mul3A_23 = arith.mulf %add3A, %mul3A : vector<1024x64xf32>
    %add3A_24 = arith.addf %dot_general3A_12, %mul3A_23 : vector<1024x64xf32>
    %get3A_25 = arith.constant 0 : index
    %get3A_26 = arith.constant 0 : index
    %get3A_27 = vector.load %arg5[%get3A_25, %get3A_26] : memref<1x64xf32, #tpu.memory_space<vmem>>, vector<1x64xf32>
    %add3A_28 = vector.broadcast %get3A_27 : vector<1x64xf32> to vector<1024x64xf32>
    %add3A_29 = arith.addf %add3A_24, %add3A_28 : vector<1024x64xf32>
    %swap3A = arith.constant 0 : index
    %swap3A_30 = arith.constant 0 : index
    %swap3A_31 = vector.load %arg6[%swap3A, %swap3A_30] : memref<1024x64xf32, #tpu.memory_space<vmem>>, vector<1024x64xf32>
    tpu.vector_store %arg6[%swap3A, %swap3A_30], %add3A_29 {strides = array<i32>} : memref<1024x64xf32, #tpu.memory_space<vmem>>, vector<1024x64xf32>,
    return
  }
  func.func @transform_0(%arg0: i32) -> (i32, i32) {
    %c0_i32 = arith.constant 0 : i32
    %c0_i32_0 = arith.constant 0 : i32
    return %arg0, %c0_i32 : i32, i32
  }
  func.func @transform_1(%arg0: i32) -> (i32, i32, i32) {
    %c0_i32 = arith.constant 0 : i32
    %c0_i32_0 = arith.constant 0 : i32
    %c0_i32_1 = arith.constant 0 : i32
    return %c0_i32, %arg0, %c0_i32_0 : i32, i32, i32
  }
  func.func @transform_2(%arg0: i32) -> (i32, i32) {
    %c0_i32 = arith.constant 0 : i32
    %c0_i32_0 = arith.constant 0 : i32
    return %arg0, %c0_i32 : i32, i32
  }
  func.func @transform_3(%arg0: i32) -> (i32, i32) {
    %c0_i32 = arith.constant 0 : i32
    %c0_i32_0 = arith.constant 0 : i32
    %c0_i32_1 = arith.constant 0 : i32
    return %c0_i32, %c0_i32_0 : i32, i32
  }
  func.func @transform_4(%arg0: i32) -> (i32, i32) {
    %c0_i32 = arith.constant 0 : i32
    %c0_i32_0 = arith.constant 0 : i32
    %c0_i32_1 = arith.constant 0 : i32
    return %c0_i32, %c0_i32_0 : i32, i32
  }
  func.func @transform_5(%arg0: i32) -> (i32, i32) {
    %c0_i32 = arith.constant 0 : i32
    %c0_i32_0 = arith.constant 0 : i32
    return %arg0, %c0_i32 : i32, i32
  }
}

module attributes {stable_mosaic.version = 14 : i64} {
  func.func @_tc1_body(%arg0: i32, %arg1: memref<1024x128xf32, #tpu.memory_space<vmem>>, %arg2: memref<2x1024x64xf32, #tpu.memory_space<vmem>>, %arg3: memref<2x1024x64xf32, #tpu.memory_space<vmem>>, %arg4: memref<1024x1xf32, #tpu.memory_space<vmem>>, %arg5: memref<128x128xf32, #tpu.memory_space<vmem>>, %arg6: memref<64x128xf32, #tpu.memory_space<vmem>>, %arg7: memref<64x128xf32, #tpu.memory_space<vmem>>, %arg8: memref<1x128xf32, #tpu.memory_space<vmem>>, %arg9: memref<128x64xf32, #tpu.memory_space<vmem>>, %arg10: memref<1024x128xf32, #tpu.memory_space<vmem>>, %arg11: memref<1024x64xf32, #tpu.memory_space<vmem>>) attributes {dimension_semantics = [#tpu.dimension_semantics<arbitrary>], iteration_bounds = array<i64: 10>, scalar_prefetch = 0 : i64, scratch_operands = 0 : i64, tpu.core_type = #tpu.core_type<tc>, window_params = [{transform_indices = @transform_0, window_bounds = array<i64: 1024, 128>}, {transform_indices = @transform_1, window_bounds = array<i64: 2, 1024, 64>}, {transform_indices = @transform_2, window_bounds = array<i64: 2, 1024, 64>}, {transform_indices = @transform_3, window_bounds = array<i64: 1024, 1>}, {pipeline_mode = #tpu.pipeline_mode<synchronous>, transform_indices = @transform_4, window_bounds = array<i64: 128, 128>}, {pipeline_mode = #tpu.pipeline_mode<synchronous>, transform_indices = @transform_5, window_bounds = array<i64: 64, 128>}, {pipeline_mode = #tpu.pipeline_mode<synchronous>, transform_indices = @transform_6, window_bounds = array<i64: 64, 128>}, {pipeline_mode = #tpu.pipeline_mode<synchronous>, transform_indices = @transform_7, window_bounds = array<i64: 1, 128>}, {pipeline_mode = #tpu.pipeline_mode<synchronous>, transform_indices = @transform_8, window_bounds = array<i64: 128, 64>}, {transform_indices = @transform_9, window_bounds = array<i64: 1024, 128>}, {transform_indices = @transform_10, window_bounds = array<i64: 1024, 64>}]} {
    %get3A = arith.constant 0 : index
    %get3A_0 = arith.constant 0 : index
    %get3A_1 = vector.load %arg4[%get3A, %get3A_0] : memref<1024x1xf32, #tpu.memory_space<vmem>>, vector<1024x1xf32>
    %max3A = arith.constant 1.000000e+00 : f32
    %max3A_2 = vector.broadcast %max3A : f32 to vector<1024x1xf32>
    %max3A_3 = arith.maximumf %get3A_1, %max3A_2 : vector<1024x1xf32>
    %div3A = arith.constant 1.000000e+00 : f32
    %div3A_4 = vector.broadcast %div3A : f32 to vector<1024x1xf32>
    %div3A_5 = arith.divf %div3A_4, %max3A_3 : vector<1024x1xf32>
    %get3A_6 = arith.constant 0 : index
    %get3A_7 = arith.constant 0 : index
    %get3A_8 = arith.constant 0 : index
    %get3A_9 = vector.load %arg2[%get3A_6, %get3A_7, %get3A_8] : memref<2x1024x64xf32, #tpu.memory_space<vmem>>, vector<1x1024x64xf32>
    %get3A_10 = vector.shape_cast %get3A_9 : vector<1x1024x64xf32> to vector<1024x64xf32>
    %get3A_11 = arith.constant 1 : index
    %get3A_12 = arith.constant 0 : index
    %get3A_13 = arith.constant 0 : index
    %get3A_14 = vector.load %arg2[%get3A_11, %get3A_12, %get3A_13] : memref<2x1024x64xf32, #tpu.memory_space<vmem>>, vector<1x1024x64xf32>
    %get3A_15 = vector.shape_cast %get3A_14 : vector<1x1024x64xf32> to vector<1024x64xf32>
    %add3A = arith.addf %get3A_10, %get3A_15 : vector<1024x64xf32>
    %mul3A = vector.broadcast %div3A_5 : vector<1024x1xf32> to vector<1024x64xf32>
    %mul3A_16 = arith.mulf %add3A, %mul3A : vector<1024x64xf32>
    %get3A_17 = arith.constant 0 : index
    %get3A_18 = arith.constant 0 : index
    %get3A_19 = arith.constant 0 : index
    %get3A_20 = vector.load %arg3[%get3A_17, %get3A_18, %get3A_19] : memref<2x1024x64xf32, #tpu.memory_space<vmem>>, vector<1x1024x64xf32>
    %get3A_21 = vector.shape_cast %get3A_20 : vector<1x1024x64xf32> to vector<1024x64xf32>
    %get3A_22 = arith.constant 1 : index
    %get3A_23 = arith.constant 0 : index
    %get3A_24 = arith.constant 0 : index
    %get3A_25 = vector.load %arg3[%get3A_22, %get3A_23, %get3A_24] : memref<2x1024x64xf32, #tpu.memory_space<vmem>>, vector<1x1024x64xf32>
    %get3A_26 = vector.shape_cast %get3A_25 : vector<1x1024x64xf32> to vector<1024x64xf32>
    %add3A_27 = arith.addf %get3A_21, %get3A_26 : vector<1024x64xf32>
    %mul3A_28 = vector.broadcast %div3A_5 : vector<1024x1xf32> to vector<1024x64xf32>
    %mul3A_29 = arith.mulf %add3A_27, %mul3A_28 : vector<1024x64xf32>
    %get3A_30 = arith.constant 0 : index
    %get3A_31 = arith.constant 0 : index
    %get3A_32 = vector.load %arg1[%get3A_30, %get3A_31] : memref<1024x128xf32, #tpu.memory_space<vmem>>, vector<1024x128xf32>
    %get3A_33 = arith.constant 0 : index
    %get3A_34 = arith.constant 0 : index
    %get3A_35 = vector.load %arg5[%get3A_33, %get3A_34] : memref<128x128xf32, #tpu.memory_space<vmem>>, vector<128x128xf32>
    %dot_general3A = arith.constant dense<0.000000e+00> : vector<1024x128xf32>
    %dot_general3A_36 = tpu.matmul %get3A_32, %get3A_35, %dot_general3A {dimension_numbers = #tpu.dot_dimension_numbers<[1], [0], [0], [1], [0, 0, 1, 1], [], []>, transpose_lhs_hint = false} : vector<1024x128xf32>, vector<128x128xf32>, vector<1024x128xf32> -> vector<1024x128xf32>
    %get3A_37 = arith.constant 0 : index
    %get3A_38 = arith.constant 0 : index
    %get3A_39 = vector.load %arg6[%get3A_37, %get3A_38] : memref<64x128xf32, #tpu.memory_space<vmem>>, vector<64x128xf32>
    %dot_general3A_40 = arith.constant dense<0.000000e+00> : vector<1024x128xf32>
    %dot_general3A_41 = tpu.matmul %mul3A_16, %get3A_39, %dot_general3A_40 {dimension_numbers = #tpu.dot_dimension_numbers<[1], [0], [0], [1], [0, 0, 1, 1], [], []>, transpose_lhs_hint = false} : vector<1024x64xf32>, vector<64x128xf32>, vector<1024x128xf32> -> vector<1024x128xf32>
    %add3A_42 = arith.addf %dot_general3A_36, %dot_general3A_41 : vector<1024x128xf32>
    %get3A_43 = arith.constant 0 : index
    %get3A_44 = arith.constant 0 : index
    %get3A_45 = vector.load %arg7[%get3A_43, %get3A_44] : memref<64x128xf32, #tpu.memory_space<vmem>>, vector<64x128xf32>
    %dot_general3A_46 = arith.constant dense<0.000000e+00> : vector<1024x128xf32>
    %dot_general3A_47 = tpu.matmul %mul3A_29, %get3A_45, %dot_general3A_46 {dimension_numbers = #tpu.dot_dimension_numbers<[1], [0], [0], [1], [0, 0, 1, 1], [], []>, transpose_lhs_hint = false} : vector<1024x64xf32>, vector<64x128xf32>, vector<1024x128xf32> -> vector<1024x128xf32>
    %add3A_48 = arith.addf %add3A_42, %dot_general3A_47 : vector<1024x128xf32>
    %get3A_49 = arith.constant 0 : index
    %get3A_50 = arith.constant 0 : index
    %get3A_51 = vector.load %arg8[%get3A_49, %get3A_50] : memref<1x128xf32, #tpu.memory_space<vmem>>, vector<1x128xf32>
    %add3A_52 = vector.broadcast %get3A_51 : vector<1x128xf32> to vector<1024x128xf32>
    %add3A_53 = arith.addf %add3A_48, %add3A_52 : vector<1024x128xf32>
    %max3A_54 = arith.constant 0.000000e+00 : f32
    %max3A_55 = vector.broadcast %max3A_54 : f32 to vector<1024x128xf32>
    %max3A_56 = arith.maximumf %add3A_53, %max3A_55 : vector<1024x128xf32>
    %swap3A = arith.constant 0 : index
    %swap3A_57 = arith.constant 0 : index
    %swap3A_58 = vector.load %arg10[%swap3A, %swap3A_57] : memref<1024x128xf32, #tpu.memory_space<vmem>>, vector<1024x128xf32>
    tpu.vector_store %arg10[%swap3A, %swap3A_57], %max3A_56 {strides = array<i32>} : memref<1024x128xf32, #tpu.memory_space<vmem>>, vector<1024x128xf32>,
    %get3A_59 = arith.constant 0 : index
    %get3A_60 = arith.constant 0 : index
    %get3A_61 = vector.load %arg9[%get3A_59, %get3A_60] : memref<128x64xf32, #tpu.memory_space<vmem>>, vector<128x64xf32>
    %dot_general3A_62 = arith.constant dense<0.000000e+00> : vector<1024x64xf32>
    %dot_general3A_63 = tpu.matmul %max3A_56, %get3A_61, %dot_general3A_62 {dimension_numbers = #tpu.dot_dimension_numbers<[1], [0], [0], [1], [0, 0, 1, 1], [], []>, transpose_lhs_hint = false} : vector<1024x128xf32>, vector<128x64xf32>, vector<1024x64xf32> -> vector<1024x64xf32>
    %swap3A_64 = arith.constant 0 : index
    %swap3A_65 = arith.constant 0 : index
    %swap3A_66 = vector.load %arg11[%swap3A_64, %swap3A_65] : memref<1024x64xf32, #tpu.memory_space<vmem>>, vector<1024x64xf32>
    tpu.vector_store %arg11[%swap3A_64, %swap3A_65], %dot_general3A_63 {strides = array<i32>} : memref<1024x64xf32, #tpu.memory_space<vmem>>, vector<1024x64xf32>,
    return
  }
  func.func @transform_0(%arg0: i32) -> (i32, i32) {
    %c0_i32 = arith.constant 0 : i32
    %c0_i32_0 = arith.constant 0 : i32
    return %arg0, %c0_i32 : i32, i32
  }
  func.func @transform_1(%arg0: i32) -> (i32, i32, i32) {
    %c0_i32 = arith.constant 0 : i32
    %c0_i32_0 = arith.constant 0 : i32
    %c0_i32_1 = arith.constant 0 : i32
    return %c0_i32, %arg0, %c0_i32_0 : i32, i32, i32
  }
  func.func @transform_2(%arg0: i32) -> (i32, i32, i32) {
    %c0_i32 = arith.constant 0 : i32
    %c0_i32_0 = arith.constant 0 : i32
    %c0_i32_1 = arith.constant 0 : i32
    return %c0_i32, %arg0, %c0_i32_0 : i32, i32, i32
  }
  func.func @transform_3(%arg0: i32) -> (i32, i32) {
    %c0_i32 = arith.constant 0 : i32
    %c0_i32_0 = arith.constant 0 : i32
    return %arg0, %c0_i32 : i32, i32
  }
  func.func @transform_4(%arg0: i32) -> (i32, i32) {
    %c0_i32 = arith.constant 0 : i32
    %c0_i32_0 = arith.constant 0 : i32
    %c0_i32_1 = arith.constant 0 : i32
    return %c0_i32, %c0_i32_0 : i32, i32
  }
  func.func @transform_5(%arg0: i32) -> (i32, i32) {
    %c0_i32 = arith.constant 0 : i32
    %c0_i32_0 = arith.constant 0 : i32
    %c0_i32_1 = arith.constant 0 : i32
    return %c0_i32, %c0_i32_0 : i32, i32
  }
  func.func @transform_6(%arg0: i32) -> (i32, i32) {
    %c0_i32 = arith.constant 0 : i32
    %c0_i32_0 = arith.constant 0 : i32
    %c0_i32_1 = arith.constant 0 : i32
    return %c0_i32, %c0_i32_0 : i32, i32
  }
  func.func @transform_7(%arg0: i32) -> (i32, i32) {
    %c0_i32 = arith.constant 0 : i32
    %c0_i32_0 = arith.constant 0 : i32
    %c0_i32_1 = arith.constant 0 : i32
    return %c0_i32, %c0_i32_0 : i32, i32
  }
  func.func @transform_8(%arg0: i32) -> (i32, i32) {
    %c0_i32 = arith.constant 0 : i32
    %c0_i32_0 = arith.constant 0 : i32
    %c0_i32_1 = arith.constant 0 : i32
    return %c0_i32, %c0_i32_0 : i32, i32
  }
  func.func @transform_9(%arg0: i32) -> (i32, i32) {
    %c0_i32 = arith.constant 0 : i32
    %c0_i32_0 = arith.constant 0 : i32
    return %arg0, %c0_i32 : i32, i32
  }
  func.func @transform_10(%arg0: i32) -> (i32, i32) {
    %c0_i32 = arith.constant 0 : i32
    %c0_i32_0 = arith.constant 0 : i32
    return %arg0, %c0_i32 : i32, i32
  }
}

</mosaic_0001>

<sc_bundles>
// kernel: kernel.12.cloned.1.call-start
scs
__scs_entry_jumppad:
0x0: {  	(pc) =	sbr.rel $0x88, $3  }
0x1: {  	(tag) =	ssettag $0x0;
	lr =	simm.s32 $0x1  }
0x2: {  	[smem:$0x3F96] =	sst lr;
	_ =	strace $0xD0000000  }
0x3: {  	_ = 	snop  }
0x4: {  	_ = 	snop  }
0x5: {  	_ = 	snop  }
0x6: {  	_ = 	snop  }
0x7: {  	_ = 	snop  }
__scs_overlays_trampoline_lowered:
0x8: {  	[smem:$0x3FA5] =	sst s0  }
0x9: {  	[smem:$0x3FA6] =	sst s1  }
0xa: {  	[smem:$0x3FA7] =	sst s2  }
0xb: {  	[smem:$0x3FA8] =	sst s3  }
0xc: {  	[smem:$0x3FA9] =	sst s4  }
0xd: {  	[smem:$0x3FAA] =	sst s5  }
0xe: {  	[smem:$0x3FAB] =	sst s6  }
0xf: {  	[smem:$0x3FAC] =	sst s7  }
0x10: {  	[smem:$0x3FAD] =	sst s8  }
0x11: {  	[smem:$0x3FAE] =	sst s9;
	s0 =	simm.s32 @!p0 $0x0  }
0x12: {  	s1 =	sld [smem:$0x3F94];
	s0 =	simm.s32 @p0 $0x1  }
0x13: {  	[smem:$0x3FAF] =	sst s0;
	s0 =	simm.s32 @!p1 $0x0  }
0x14: {  	s2 =	sld [smem:$0x3F93];
	s0 =	simm.s32 @p1 $0x1  }
0x15: {  	[smem:$0x3FB0] =	sst s0;
	s0 =	simm.s32 @!p2 $0x0  }
0x16: {  	s3 =	sld [smem:$0x3FDB];
	s0 =	simm.s32 @p2 $0x1  }
0x17: {  	s4 =	simm.s32 $0x1BF5;
	[smem:$0x3FB2] =	sst s0  }
0x18: {  	s0 =	sld [smem:$0x3F95];
	_ =	swait.ge [sflag:s4], $0x0  }
0x19: {  	s7 =	sld [smem:$0x3F96]  }
0x1a: {  	s8 =	sadd.s32 $0xFFFFE003, lr  }
0x1b: {  	s9 =	sadd.s32 $0xFFFFFEF7, lr;
	s5 =	simm.s32 $0xFFFFFFFF;
	p2 =	slt.u32 s8, $0xFFFFF086  }
0x1c: {  	p1 =	slt.u32 s9, $0xF7A;
	s5 =	simm.s32 @!p2 $0x0  }
0x1d: {  	s5 =	simm.s32 @p1 $0x1;
	p0 =	seq.s32 s7, s2  }
0x1e: {  	s7 =	smul.u32 @!p0 $0xF7A, s2;
	p2 =	seq.s32 @!p0 s5, $0x0  }
0x1f: {  	s9 =	smul.u32 $0xF7A, s1;
	s8 =	simm.s32 @!p0 $0x1BF5;
	p2 =	por !p2, p0  }
0x20: {  	[sflag:s8] =	ssyncset.s32 @!p0 $0xFFFFF086;
	s6 =	sadd.s32 @!p0 s3, s7;
	s7 =	simm.s32 @!p0 $0x108  }
0x21: {  	s3 =	sadd.s32 s3, s9;
	s6 =	sadd.s32 @!p0 $0x88, s6;
	s7 =	simm.s32 @p2 $0x1082  }
0x22: {  	[simem:s7], [sflag:s8] =	dma.local @!p0 [hbm:s6], $0xF7A  }
0x23: {  	s9 =	sor.u32 $0xD0000000, s2;
	s6 =	simm.s32 $0x108;
	_ =	swait.ge @!p0 [sflag:s8], $0x0  }
0x24: {  	s3 =	sadd.s32 $0x88, s3;
	s6 =	simm.s32 @!p1 $0x1082;
	[sflag:s4] =	ssyncset.s32 $0xFFFFF086  }
0x25: {  	[simem:s6], [sflag:s4] =	dma.local [hbm:s3], $0xF7A  }
0x26: {  	[smem:$0x3F96] =	sst s1;
	(tag) =	ssettag s2;
	_ =	strace s9  }
0x27: {  	s1 =	sld [smem:$0x3FA6]  }
0x28: {  	s2 =	sld [smem:$0x3FA7]  }
0x29: {  	s4 =	sld [smem:$0x3FA9]  }
0x2a: {  	p0 =	seq.s32 s5, $0x0;
	s5 =	sld [smem:$0x3FAA]  }
0x2b: {  	s6 =	sld [smem:$0x3FAB]  }
0x2c: {  	s7 =	sld [smem:$0x3FAC]  }
0x2d: {  	s3 =	simm.s32 $0x108;
	s8 =	sld [smem:$0x3FAD]  }
0x2e: {  	s3 =	simm.s32 @!p0 $0x1082;
	s9 =	sld [smem:$0x3FAE]  }
0x2f: {  	lr =	sadd.s32 s0, s3;
	s0 =	sld [smem:$0x3FA5]  }
0x30: {  	s3 =	sld [smem:$0x3FA8]  }
0x31: {  	[smem:$0x3FB1] =	sst s10  }
0x32: {  	s10 =	sld [smem:$0x3FAF];
	_ =	sdelay $0x3  }
0x33: {  	p0 =	seq.s32 s10, $0x1;
	s10 =	sld [smem:$0x3FB1];
	_ =	sdelay $0x3  }
0x34: {  	[smem:$0x3FB1] =	sst s10  }
0x35: {  	s10 =	sld [smem:$0x3FB0];
	_ =	sdelay $0x3  }
0x36: {  	p1 =	seq.s32 s10, $0x1;
	s10 =	sld [smem:$0x3FB1];
	_ =	sdelay $0x3  }
0x37: {  	[smem:$0x3FB1] =	sst s10  }
0x38: {  	s10 =	sld [smem:$0x3FB2]  }
0x39: {  	_ = 	snop;
	(pc) =	sbr.ind lr, $3  }
0x3a: {  	_ = 	snop  }
0x3b: {  	_ = 	snop  }
0x3c: {  	p2 =	seq.s32 s10, $0x1;
	s10 =	sld [smem:$0x3FB1]  }
0x3d: {  	_ =	shalt  }
0x3e: {  	_ =	shalt  }
0x3f: {  	_ =	shalt  }
0x40: {  	_ =	shalt  }
0x41: {  	_ =	shalt  }
0x42: {  	_ =	shalt  }
0x43: {  	_ =	shalt  }
0x44: {  	_ =	shalt  }
0x45: {  	_ =	shalt  }
0x46: {  	_ =	shalt  }
0x47: {  	_ =	shalt  }
0x48: {  	_ =	shalt  }
0x49: {  	_ =	shalt  }
0x4a: {  	_ =	shalt  }
0x4b: {  	_ =	shalt  }
0x4c: {  	_ =	shalt  }
0x4d: {  	_ =	shalt  }
0x4e: {  	_ =	shalt  }
0x4f: {  	_ =	shalt  }
0x50: {  	_ =	shalt  }
0x51: {  	_ =	shalt  }
0x52: {  	_ =	shalt  }
0x53: {  	_ =	shalt  }
0x54: {  	_ =	shalt  }
0x55: {  	_ =	shalt  }
0x56: {  	_ =	shalt  }
0x57: {  	_ =	shalt  }
0x58: {  	_ =	shalt  }
0x59: {  	_ =	shalt  }
0x5a: {  	_ =	shalt  }
0x5b: {  	_ =	shalt  }
0x5c: {  	_ =	shalt  }
0x5d: {  	_ =	shalt  }
0x5e: {  	_ =	shalt  }
0x5f: {  	_ =	shalt  }
0x60: {  	_ =	shalt  }
0x61: {  	_ =	shalt  }
0x62: {  	_ =	shalt  }
0x63: {  	_ =	shalt  }
0x64: {  	_ =	shalt  }
0x65: {  	_ =	shalt  }
0x66: {  	_ =	shalt  }
0x67: {  	_ =	shalt  }
0x68: {  	_ =	shalt  }
0x69: {  	_ =	shalt  }
0x6a: {  	_ =	shalt  }
0x6b: {  	_ =	shalt  }
0x6c: {  	_ =	shalt  }
0x6d: {  	_ =	shalt  }
0x6e: {  	_ =	shalt  }
0x6f: {  	_ =	shalt  }
0x70: {  	_ =	shalt  }
0x71: {  	_ =	shalt  }
0x72: {  	_ =	shalt  }
0x73: {  	_ =	shalt  }
0x74: {  	_ =	shalt  }
0x75: {  	_ =	shalt  }
0x76: {  	_ =	shalt  }
0x77: {  	_ =	shalt  }
0x78: {  	_ =	shalt  }
0x79: {  	_ =	shalt  }
0x7a: {  	_ =	shalt  }
0x7b: {  	_ =	shalt  }
0x7c: {  	_ =	shalt  }
0x7d: {  	_ =	shalt  }
0x7e: {  	_ =	shalt  }
0x7f: {  	_ =	shalt  }
0x80: {  	_ =	shalt  }
0x81: {  	_ =	shalt  }
0x82: {  	_ =	shalt  }
0x83: {  	_ =	shalt  }
0x84: {  	_ =	shalt  }
0x85: {  	_ =	shalt  }
0x86: {  	_ =	shalt  }
0x87: {  	_ =	shalt  }
.Lfunc_end0:
.L_simem_size_0:
called_computation.1_lowered:
.L_overlay_start_0:
0x88: {  	s2 =	sld [smem:$0x3FD9]  }
0x89: {  	s3 =	sld [smem:$0x3FFE];
	_ =	sdelay $0x1  }
0x8a: {  	s1 =	srdreg.scid  }
0x8b: {  	s0 =	sand.u32 $0x1, s1  }
0x8c: {  	s17 =	sshll.u32 s0, $0xA;
	s2 =	sadd.s32 s3, s2  }
0x8d: {  	s2 =	sadd.s32 s2, s17  }
0x8e: {  	[smem:$0x3FBD] =	sst s2  }
0x8f: {  	_ = 	snop  }
0x90: {  	s2 =	sld [smem:$0x3FD0];
	(tm) =	ssettm $0x1  }
0x91: {  	s18 =	sld [smem:$0x3FFB];
	_ =	sdelay $0x3  }
0x92: {  	_ =	strace s18  }
0x93: {  	s3 =	sld [smem:$0x3FFC];
	_ =	sdelay $0x3  }
0x94: {  	_ =	strace s3  }
0x95: {  	s3 =	sld [smem:$0x3FFD];
	_ =	sdelay $0x3  }
0x96: {  	_ =	strace s3  }
0x97: {  	_ =	strace $0x8FFFFFFF  }
0x98: {  	s19 =	sld [smem:$0x3FDB];
	_ =	sdelay $0x1  }
0x99: {  	s4 =	simm.s32 $_scs_section_size  }
0x9a: {  	s5 =	simm.s32 $_size__tile_overlayer_lowered;
	s6 =	simm.s32 $_tile_overlayer_lowered  }
0x9b: {  	s22 =	simm.s32 $0x1BFF;
	s21 =	sshll.u32 s6, $0x1;
	s3 =	sadd.s32 s4, s19  }
0x9c: {  	s7 =	simm.s32 $0x0;
	s20 =	sshll.u32 s5, $0x1;
	s5 =	sadd.s32 s21, s3  }
0x9d: {  	[timem:s7], [sflag:s22] =	dma.local [hbm:s5], s20  }
0x9e: {  	_ =	swait.ge [sflag:s22], s20  }
0x9f: {  	s4 =	ssub.s32 $0x0, s20;
	[sflag:s22] =	ssyncset.done $0x0  }
0xa0: {  	[sflag:s22] =	ssyncadd.s32 s4;
	_ =	sdelay $0x1  }
0xa1: {  	s23 =	simm.s32 $0x1B8B  }
0xa2: {  	_ =	swait.ge [sflag:s23], $0x1  }
0xa3: {  	[sflag:s23] =	ssyncset.done $0x0  }
0xa4: {  	s25 =	simm.s32 $0x1B8E;
	s24 =	sld [smem:$0x3FFE];
	[sflag:s23] =	ssyncadd.s32 $0xFFFFFFFF  }
0xa5: {  	s26 =	simm.s32 $execute0_lowered;
	[smem:$0x3FD2] =	sst s25  }
0xa6: {  	s5 =	sshll.u32 s26, $0x1;
	_ =	strace $0x80000049;
	[dreg:$0x1] =	wrdreg $0xFFFFFFFF  }
0xa7: {  	s28 =	simm.s32 $_size_execute0_lowered;
	s3 =	sadd.s32 s3, s5;
	[dreg:$0x0] =	wrdreg $0x0  }
0xa8: {  	s5 =	sshll.u32 s28, $0x1;
	[dreg:$0x2] =	wrdreg s3  }
0xa9: {  	[dreg:$0x3] =	wrdreg s5  }
0xaa: {  	[dreg:$0x4] =	wrdreg $0xC0  }
0xab: {  	_ =	task [dreg:s7], $0x5FFFF  }
0xac: {  	[dreg:$0x1] =	wrdreg $0xFFFFFFFF  }
0xad: {  	[dreg:$0x0] =	wrdreg $0x60  }
0xae: {  	[dreg:$0x2] =	wrdreg s24  }
0xaf: {  	[dreg:$0x3] =	wrdreg s2  }
0xb0: {  	[dreg:$0x4] =	wrdreg $0x90800  }
0xb1: {  	[dreg:$0x5] =	wrdreg $0x130800  }
0xb2: {  	[dreg:$0x6] =	wrdreg $0x9  }
0xb3: {  	_ =	task.clear_ibuf [dreg:s7], $0x7FFFF;
	_ =	strace $0x90000049  }
0xb4: {  	s29 =	simm.s32 $0x9;
	_ =	strace $0x8000004B  }
0xb5: {  	_ =	swait.ge [sflag:s29], $0x1  }
0xb6: {  	[sflag:s29] =	ssyncadd.s32 $0xFFFFFFFF  }
0xb7: {  	_ =	strace $0x9000004B  }
0xb8: {  	_ =	sfence  }
0xb9: {  	s30 =	sld [smem:$0x0];
	_ =	sdelay $0x2  }
0xba: {  	s31 =	sshll.u32 s1, $0xD;
	s1 =	sshrl.u32 s1, $0x2  }
0xbb: {  	s3 =	sand.u32 $0x4000, s31;
	s1 =	sadd.s32 s1, s30  }
0xbc: {  	s0 =	sor.u32 s3, s0;
	s1 =	sshll.u32 s1, $0x11  }
0xbd: {  	s0 =	sor.u32 s1, s0  }
0xbe: {  	s0 =	sadd.s32 $0x8F2B, s0  }
0xbf: {  	[sflag:s0] =	ssyncadd.remote.s32 $0x1  }
0xc0: {  	_ =	sfence.sel $0xFFFF  }
0xc1: {  	[dreg:$0x0] =	wrdreg $0xFFFFFFFF;
	(pc) =	sbr.abs _section_cstart, $3  }
0xc2: {  	[dreg:$0x1] =	wrdreg $0xFFFFFFFF  }
0xc3: {  	_ =	task.clear_ibuf [dreg:s7], $0x2FFFF;
	_ =	strace $0x9FFFFFFF  }
0xc4: {  	(tm) =	ssettm $0x7FFFFFFF  }
0xc5: {  	_ =	shalt  }
tec
execute0_lowered:
.L_overlay_start_1:
0x0: {  	(tag) =	ssettag $0x1  }
0x1: {  	s6 =	rddreg [dreg:$0x0]  }
0x2: {  	s8 =	rddreg [dreg:$0x1]  }
0x3: {  	s2 =	rddreg [dreg:$0x2]  }
0x4: {  	s3 =	rddreg [dreg:$0x3]  }
0x5: {  	s0 =	rddreg [dreg:$0x4]  }
0x6: {  	s1 =	stileid.u32;
	s4 =	srdreg.scid  }
0x7: {  	s17 =	simm.s32 $0x2800;
	s18 =	simm.s32 $0x80;
	s19 =	simm.s32 $0x5080  }
0x8: {  	s20 =	simm.s32 $0x7080;
	s21 =	simm.s32 $0x1;
	s22 =	simm.s32 $0x5000  }
0x9: {  	s23 =	simm.s32 $0x2;
	s24 =	simm.s32 $0x2780;
	s25 =	simm.s32 $0x0  }
0xa: {  	s9 =	smul.u32 $0xA000, s1;
	s5 =	sand.u32 $0x1, s4;
	s7 =	sshll.u32 s1, $0x1  }
0xb: {  	s4 =	simm.s32 $0x0;
	s31 =	sshll.u32 s1, $0x6;
	s7 =	sor.u32 s5, s7  }
0xc: {  	s10 =	smul.u32 $0xA0000, s5;
	[smem:$0x7FF] =	sst s4;
	s13 =	ssub.s32 $0x2, s5  }
0xd: {  	s5 =	sadd.s32 $0x35800, s6;
	s11 =	sshrl.u32 s9, $0x3;
	s12 =	smul.u32 $0x500, s7  }
0xe: {  	_ =	strace $0x8000004A;
	s30 =	sshrl.u32 s13, $0x1;
	s15 =	sadd.s32 s9, s2  }
0xf: {  	s16 =	sadd.s32 s9, s3;
	s11 =	sadd.s32 s11, s6;
	s28 =	sadd.s32 s9, s10  }
0x10: {  	s13 =	ssub.s32 s13, s30;
	s16 =	sshrl.u32 s16, $0x3;
	s29 =	sadd.s32 s12, s6  }
0x11: {  	s7 =	sshrl.u32 s28, $0x3;
	s8 =	sadd.s32 s8, s12;
	s13 =	smax.u32 s13, $0x1  }
0x12: {  	s14 =	sadd.s32 s7, s6;
	s6 =	sadd.s32 $0x4AC00, s11;
	s7 =	sor.u32 $0x1C03, s31  }
0x13: {  	s9 =	sadd.s32 $0x2B800, s29;
	s11 =	sadd.s32 $0x36C00, s11;
	s10 =	sadd.s32 $0x86C00, s14  }
0x14: {  	s12 =	sadd.s32 $0x5EC00, s14;
	s14 =	sshrl.u32 s15, $0x3;
	s15 =	simm.s32 $0x3  }
.LBB2_1:
0x15: {  	[spmem:s14], [sflag:s7] =	dma.local [hbm:s6], $0x1400  }
0x16: {  	_ =	swait.ge [sflag:s15], $0x1400  }
0x17: {  	[sflag:s15] =	ssyncset.done $0x0  }
0x18: {  	[sflag:s15] =	ssyncadd.s32 $0xFFFFEC00  }
0x19: {  	[spmem:s16], [sflag:s7] =	dma.local [hbm:s5], $0x1400  }
0x1a: {  	_ =	swait.ge [sflag:s15], $0x1400  }
0x1b: {  	[sflag:s15] =	ssyncset.done $0x0  }
0x1c: {  	[sflag:s15] =	ssyncadd.s32 $0xFFFFEC00  }
0x1d: {  	[tilespmem:s4], [sflag:$0x3] =	stream.linear.gather [hbm4b:s8+s4], $0x2800, $0x38;
	[tilespmem:$0x1D080] =	vst v63  }
0x1e: {  	_ =	swait.ge [sflag:s15], $0x2800  }
0x1f: {  	[sflag:s15] =	ssyncset.done $0x0  }
0x20: {  	[sflag:s15] =	ssyncadd.s32 $0xFFFFD800  }
0x21: {  	[tilespmem:s17], [sflag:$0x3] =	stream.linear.gather [hbm4b:s9+s4], $0x2800, $0x38;
	[tilespmem:$0x1D080] =	vst v63  }
0x22: {  	_ =	swait.ge [sflag:s15], $0x2800  }
0x23: {  	[sflag:s15] =	ssyncset.done $0x0  }
0x24: {  	[sflag:s15] =	ssyncadd.s32 $0xFFFFD800  }
0x25: {  	[bflag:$0x0] =	sbarrier.arrive $0xFFFF  }
0x26: {  	[tilespmem:s19], [sflag:$0x1] =	stream.indirect.gather [spmem:s2], $0x40, s4, s18, $0xb8;
	[tilespmem:$0x1D080] =	vst v63  }
0x27: {  	s26 =	simm.s32 $0x80  }
0x28: {  	[tilespmem:s20], [sflag:$0x2] =	stream.indirect.gather [spmem:s2], $0x40, s26, s18, $0xb8;
	[tilespmem:$0x1D080] =	vst v63  }
0x29: {  	_ =	swait.ge [sflag:s21], $0x2000  }
0x2a: {  	[sflag:s21] =	ssyncset.done $0x0  }
0x2b: {  	s31 =	simm.s32 $0x0;
	[sflag:s21] =	ssyncadd.s32 $0xFFFFE000  }
0x2c: {  	v0 =	vld [tilespmem:s31+$0x2800];
	_ =	sdelay $0x4  }
0x2d: {  	[tilespmem:$0x5000] =	vst v0  }
0x2e: {  	v0 =	vld [tilespmem:s31+$0x2810];
	_ =	sdelay $0x4  }
0x2f: {  	[tilespmem:$0x5010] =	vst v0  }
0x30: {  	v0 =	vld [tilespmem:s31+$0x2820];
	_ =	sdelay $0x4  }
0x31: {  	[tilespmem:$0x5020] =	vst v0  }
0x32: {  	v0 =	vld [tilespmem:s31+$0x2830];
	_ =	sdelay $0x4  }
0x33: {  	[tilespmem:$0x5030] =	vst v0  }
0x34: {  	v0 =	vld [tilespmem:s31+$0x2840];
	_ =	sdelay $0x4  }
0x35: {  	[tilespmem:$0x5040] =	vst v0  }
0x36: {  	v0 =	vld [tilespmem:s31+$0x2850];
	_ =	sdelay $0x4  }
0x37: {  	[tilespmem:$0x5050] =	vst v0  }
0x38: {  	v0 =	vld [tilespmem:s31+$0x2860];
	_ =	sdelay $0x4  }
0x39: {  	[tilespmem:$0x5060] =	vst v0  }
0x3a: {  	v0 =	vld [tilespmem:s31+$0x2870];
	_ =	sdelay $0x4  }
0x3b: {  	[tilespmem:$0x5070] =	vst v0  }
0x3c: {  	[spmem:s3] =	stream.indirect.scatter.add.f32 [tilespmem:s19], [sflag:$0x3], $0x40, s22, s18, $0xb8;
	[tilespmem:$0x1D080] =	vst v63  }
0x3d: {  	_ =	swait.ge [sflag:s15], $0x2000  }
0x3e: {  	[sflag:s15] =	ssyncset.done $0x0  }
0x3f: {  	s28 =	simm.s32 $0x100;
	[sflag:s15] =	ssyncadd.s32 $0xFFFFE000  }
0x40: {  	[tilespmem:s19], [sflag:$0x1] =	stream.indirect.gather [spmem:s2], $0x40, s28, s18, $0xb8;
	[tilespmem:$0x1D080] =	vst v63  }
0x41: {  	_ =	swait.ge [sflag:s23], $0x2000  }
0x42: {  	[sflag:s23] =	ssyncset.done $0x0  }
0x43: {  	[sflag:s23] =	ssyncadd.s32 $0xFFFFE000  }
0x44: {  	v63 =	vld [tilespmem:s31+$0x2880];
	_ =	sdelay $0x4  }
0x45: {  	[tilespmem:$0x5000] =	vst v63  }
0x46: {  	v0 =	vld [tilespmem:s31+$0x2890];
	_ =	sdelay $0x4  }
0x47: {  	[tilespmem:$0x5010] =	vst v0  }
0x48: {  	v0 =	vld [tilespmem:s31+$0x28A0];
	_ =	sdelay $0x4  }
0x49: {  	[tilespmem:$0x5020] =	vst v0  }
0x4a: {  	v0 =	vld [tilespmem:s31+$0x28B0];
	_ =	sdelay $0x4  }
0x4b: {  	[tilespmem:$0x5030] =	vst v0  }
0x4c: {  	v0 =	vld [tilespmem:s31+$0x28C0];
	_ =	sdelay $0x4  }
0x4d: {  	[tilespmem:$0x5040] =	vst v0  }
0x4e: {  	v0 =	vld [tilespmem:s31+$0x28D0];
	_ =	sdelay $0x4  }
0x4f: {  	[tilespmem:$0x5050] =	vst v0  }
0x50: {  	v0 =	vld [tilespmem:s31+$0x28E0];
	_ =	sdelay $0x4  }
0x51: {  	[tilespmem:$0x5060] =	vst v0  }
0x52: {  	v0 =	vld [tilespmem:s31+$0x28F0];
	_ =	sdelay $0x4  }
0x53: {  	[tilespmem:$0x5070] =	vst v0  }
0x54: {  	[spmem:s3] =	stream.indirect.scatter.add.f32 [tilespmem:s20], [sflag:$0x3], $0x40, s22, s18, $0xb8;
	[tilespmem:$0x1D080] =	vst v63  }
0x55: {  	_ =	swait.ge [sflag:s15], $0x2000  }
0x56: {  	s30 =	simm.s32 $0x800;
	s26 =	simm.s32 $0x100;
	[sflag:s15] =	ssyncset.done $0x0  }
.LBB2_2:
0x57: {  	s31 =	sadd.s32 $0x80, s26  }
0x58: {  	[sflag:s15] =	ssyncadd.s32 $0xFFFFE000;
	s29 =	smov.u32 s30;
	s28 =	sadd.s32 $0x400, s30  }
0x59: {  	[tilespmem:s20], [sflag:$0x2] =	stream.indirect.gather [spmem:s2], $0x40, s31, s18, $0xb8;
	[tilespmem:$0x1D080] =	vst v63  }
0x5a: {  	p0 =	sne.s32 s30, $0x9800;
	_ =	swait.ge [sflag:s21], $0x2000  }
0x5b: {  	[sflag:s21] =	ssyncset.done $0x0  }
0x5c: {  	[sflag:s21] =	ssyncadd.s32 $0xFFFFE000  }
0x5d: {  	v0 =	vld [tilespmem:s26+$0x2800];
	_ =	sdelay $0x4  }
0x5e: {  	[tilespmem:$0x5000] =	vst v0  }
0x5f: {  	v0 =	vld [tilespmem:s26+$0x2810];
	_ =	sdelay $0x4  }
0x60: {  	[tilespmem:$0x5010] =	vst v0  }
0x61: {  	v0 =	vld [tilespmem:s26+$0x2820];
	_ =	sdelay $0x4  }
0x62: {  	[tilespmem:$0x5020] =	vst v0  }
0x63: {  	v0 =	vld [tilespmem:s26+$0x2830];
	_ =	sdelay $0x4  }
0x64: {  	[tilespmem:$0x5030] =	vst v0  }
0x65: {  	v0 =	vld [tilespmem:s26+$0x2840];
	_ =	sdelay $0x4  }
0x66: {  	[tilespmem:$0x5040] =	vst v0  }
0x67: {  	v0 =	vld [tilespmem:s26+$0x2850];
	_ =	sdelay $0x4  }
0x68: {  	[tilespmem:$0x5050] =	vst v0  }
0x69: {  	v0 =	vld [tilespmem:s26+$0x2860];
	_ =	sdelay $0x4  }
0x6a: {  	[tilespmem:$0x5060] =	vst v0  }
0x6b: {  	v0 =	vld [tilespmem:s26+$0x2870];
	_ =	sdelay $0x4  }
0x6c: {  	[tilespmem:$0x5070] =	vst v0  }
0x6d: {  	[spmem:s3] =	stream.indirect.scatter.add.f32 [tilespmem:s19], [sflag:$0x3], $0x40, s22, s18, $0xb8;
	[tilespmem:$0x1D080] =	vst v63  }
0x6e: {  	_ =	swait.ge [sflag:s15], $0x2000  }
0x6f: {  	[sflag:s15] =	ssyncset.done $0x0  }
0x70: {  	s30 =	sadd.s32 $0x100, s26;
	[sflag:s15] =	ssyncadd.s32 $0xFFFFE000  }
0x71: {  	[tilespmem:s19], [sflag:$0x1] =	stream.indirect.gather [spmem:s2], $0x40, s30, s18, $0xb8;
	[tilespmem:$0x1D080] =	vst v63  }
0x72: {  	_ =	swait.ge [sflag:s23], $0x2000  }
0x73: {  	[sflag:s23] =	ssyncset.done $0x0  }
0x74: {  	[sflag:s23] =	ssyncadd.s32 $0xFFFFE000  }
0x75: {  	v0 =	vld [tilespmem:s26+$0x2880];
	_ =	sdelay $0x4  }
0x76: {  	[tilespmem:$0x5000] =	vst v0  }
0x77: {  	v0 =	vld [tilespmem:s26+$0x2890];
	_ =	sdelay $0x4  }
0x78: {  	[tilespmem:$0x5010] =	vst v0  }
0x79: {  	v0 =	vld [tilespmem:s26+$0x28A0];
	_ =	sdelay $0x4  }
0x7a: {  	[tilespmem:$0x5020] =	vst v0  }
0x7b: {  	v0 =	vld [tilespmem:s26+$0x28B0];
	_ =	sdelay $0x4  }
0x7c: {  	[tilespmem:$0x5030] =	vst v0  }
0x7d: {  	v0 =	vld [tilespmem:s26+$0x28C0];
	_ =	sdelay $0x4  }
0x7e: {  	[tilespmem:$0x5040] =	vst v0  }
0x7f: {  	v0 =	vld [tilespmem:s26+$0x28D0];
	_ =	sdelay $0x4  }
0x80: {  	[tilespmem:$0x5050] =	vst v0  }
0x81: {  	v0 =	vld [tilespmem:s26+$0x28E0];
	_ =	sdelay $0x4  }
0x82: {  	[tilespmem:$0x5060] =	vst v0  }
0x83: {  	v0 =	vld [tilespmem:s26+$0x28F0];
	_ =	sdelay $0x3  }
.Ltmp0:
0x84: {  	(pc) =	sbr.rel @p0 .LBB2_2-.Ltmp0, $4  }
0x85: {  	[tilespmem:$0x5070] =	vst v0  }
0x86: {  	[spmem:s3] =	stream.indirect.scatter.add.f32 [tilespmem:s20], [sflag:$0x3], $0x40, s22, s18, $0xb8;
	[tilespmem:$0x1D080] =	vst v63  }
0x87: {  	_ =	swait.ge [sflag:s15], $0x2000  }
0x88: {  	s30 =	smov.u32 s28;
	s26 =	sshra.s32 s29, $0x2;
	[sflag:s15] =	ssyncset.done $0x0  }
0x89: {  	s28 =	sadd.s32 $0x80, s26;
	[sflag:s15] =	ssyncadd.s32 $0xFFFFE000  }
0x8a: {  	[tilespmem:s20], [sflag:$0x2] =	stream.indirect.gather [spmem:s2], $0x40, s28, s18, $0xb8;
	[tilespmem:$0x1D080] =	vst v63  }
0x8b: {  	_ =	swait.ge [sflag:s21], $0x2000  }
0x8c: {  	[sflag:s21] =	ssyncset.done $0x0  }
0x8d: {  	[sflag:s21] =	ssyncadd.s32 $0xFFFFE000  }
0x8e: {  	v0 =	vld [tilespmem:s26+$0x2800];
	_ =	sdelay $0x4  }
0x8f: {  	[tilespmem:$0x5000] =	vst v0  }
0x90: {  	v0 =	vld [tilespmem:s26+$0x2810];
	_ =	sdelay $0x4  }
0x91: {  	[tilespmem:$0x5010] =	vst v0  }
0x92: {  	v0 =	vld [tilespmem:s26+$0x2820];
	_ =	sdelay $0x4  }
0x93: {  	[tilespmem:$0x5020] =	vst v0  }
0x94: {  	v0 =	vld [tilespmem:s26+$0x2830];
	_ =	sdelay $0x4  }
0x95: {  	[tilespmem:$0x5030] =	vst v0  }
0x96: {  	v0 =	vld [tilespmem:s26+$0x2840];
	_ =	sdelay $0x4  }
0x97: {  	[tilespmem:$0x5040] =	vst v0  }
0x98: {  	v0 =	vld [tilespmem:s26+$0x2850];
	_ =	sdelay $0x4  }
0x99: {  	[tilespmem:$0x5050] =	vst v0  }
0x9a: {  	v0 =	vld [tilespmem:s26+$0x2860];
	_ =	sdelay $0x4  }
0x9b: {  	[tilespmem:$0x5060] =	vst v0  }
0x9c: {  	v0 =	vld [tilespmem:s26+$0x2870];
	_ =	sdelay $0x4  }
0x9d: {  	[tilespmem:$0x5070] =	vst v0  }
0x9e: {  	[spmem:s3] =	stream.indirect.scatter.add.f32 [tilespmem:s19], [sflag:$0x3], $0x40, s22, s18, $0xb8;
	[tilespmem:$0x1D080] =	vst v63  }
0x9f: {  	_ =	swait.ge [sflag:s15], $0x2000  }
0xa0: {  	[sflag:s15] =	ssyncset.done $0x0  }
0xa1: {  	s29 =	sadd.s32 $0x100, s26;
	[sflag:s15] =	ssyncadd.s32 $0xFFFFE000  }
0xa2: {  	[tilespmem:s19], [sflag:$0x1] =	stream.indirect.gather [spmem:s2], $0x40, s29, s18, $0xb8;
	[tilespmem:$0x1D080] =	vst v63  }
0xa3: {  	_ =	swait.ge [sflag:s23], $0x2000  }
0xa4: {  	[sflag:s23] =	ssyncset.done $0x0  }
0xa5: {  	[sflag:s23] =	ssyncadd.s32 $0xFFFFE000  }
0xa6: {  	v49 =	vld [tilespmem:s26+$0x2880];
	_ =	sdelay $0x4  }
0xa7: {  	[tilespmem:$0x5000] =	vst v49  }
0xa8: {  	v0 =	vld [tilespmem:s26+$0x2890];
	_ =	sdelay $0x4  }
0xa9: {  	[tilespmem:$0x5010] =	vst v0  }
0xaa: {  	v0 =	vld [tilespmem:s26+$0x28A0];
	_ =	sdelay $0x4  }
0xab: {  	[tilespmem:$0x5020] =	vst v0  }
0xac: {  	v0 =	vld [tilespmem:s26+$0x28B0];
	_ =	sdelay $0x4  }
0xad: {  	[tilespmem:$0x5030] =	vst v0  }
0xae: {  	v0 =	vld [tilespmem:s26+$0x28C0];
	_ =	sdelay $0x4  }
0xaf: {  	[tilespmem:$0x5040] =	vst v0  }
0xb0: {  	v0 =	vld [tilespmem:s26+$0x28D0];
	_ =	sdelay $0x4  }
0xb1: {  	[tilespmem:$0x5050] =	vst v0  }
0xb2: {  	v0 =	vld [tilespmem:s26+$0x28E0];
	_ =	sdelay $0x4  }
0xb3: {  	[tilespmem:$0x5060] =	vst v0  }
0xb4: {  	v0 =	vld [tilespmem:s26+$0x28F0];
	_ =	sdelay $0x4  }
0xb5: {  	[tilespmem:$0x5070] =	vst v0  }
0xb6: {  	[spmem:s3] =	stream.indirect.scatter.add.f32 [tilespmem:s20], [sflag:$0x3], $0x40, s22, s18, $0xb8;
	[tilespmem:$0x1D080] =	vst v63  }
0xb7: {  	_ =	swait.ge [sflag:s15], $0x2000  }
0xb8: {  	[sflag:s15] =	ssyncset.done $0x0  }
0xb9: {  	[sflag:s15] =	ssyncadd.s32 $0xFFFFE000  }
0xba: {  	[tilespmem:s20], [sflag:$0x2] =	stream.indirect.gather [spmem:s2], $0x40, s24, s18, $0xb8;
	[tilespmem:$0x1D080] =	vst v63  }
0xbb: {  	_ =	swait.ge [sflag:s21], $0x2000  }
0xbc: {  	[sflag:s21] =	ssyncset.done $0x0  }
0xbd: {  	[sflag:s21] =	ssyncadd.s32 $0xFFFFE000  }
0xbe: {  	v50 =	vld [tilespmem:$0x4F00]  }
0xbf: {  	v1 =	vld [tilespmem:$0x4F10]  }
0xc0: {  	v2 =	vld [tilespmem:$0x4F20]  }
0xc1: {  	v3 =	vld [tilespmem:$0x4F30]  }
0xc2: {  	v4 =	vld [tilespmem:$0x4F40]  }
0xc3: {  	v51 =	vld [tilespmem:$0x4F50];
	[tilespmem:$0x5000] =	vst v50  }
0xc4: {  	v52 =	vld [tilespmem:$0x4F60];
	[tilespmem:$0x5010] =	vst v1  }
0xc5: {  	v53 =	vld [tilespmem:$0x4F70];
	[tilespmem:$0x5020] =	vst v2  }
0xc6: {  	[tilespmem:$0x5030] =	vst v3  }
0xc7: {  	[tilespmem:$0x5040] =	vst v4  }
0xc8: {  	[tilespmem:$0x5050] =	vst v51  }
0xc9: {  	[tilespmem:$0x5060] =	vst v52  }
0xca: {  	[tilespmem:$0x5070] =	vst v53  }
0xcb: {  	[spmem:s3] =	stream.indirect.scatter.add.f32 [tilespmem:s19], [sflag:$0x3], $0x40, s22, s18, $0xb8;
	[tilespmem:$0x1D080] =	vst v63  }
0xcc: {  	_ =	swait.ge [sflag:s15], $0x2000  }
0xcd: {  	[sflag:s15] =	ssyncset.done $0x0  }
0xce: {  	[sflag:s15] =	ssyncadd.s32 $0xFFFFE000  }
0xcf: {  	_ =	swait.ge [sflag:s23], $0x2000  }
0xd0: {  	[sflag:s23] =	ssyncset.done $0x0  }
0xd1: {  	[sflag:s23] =	ssyncadd.s32 $0xFFFFE000  }
0xd2: {  	v54 =	vld [tilespmem:$0x4F80]  }
0xd3: {  	v55 =	vld [tilespmem:$0x4F90]  }
0xd4: {  	v56 =	vld [tilespmem:$0x4FA0]  }
0xd5: {  	v57 =	vld [tilespmem:$0x4FB0]  }
0xd6: {  	v58 =	vld [tilespmem:$0x4FC0]  }
0xd7: {  	v59 =	vld [tilespmem:$0x4FD0];
	[tilespmem:$0x5000] =	vst v54  }
0xd8: {  	v60 =	vld [tilespmem:$0x4FE0];
	[tilespmem:$0x5010] =	vst v55  }
0xd9: {  	v61 =	vld [tilespmem:$0x4FF0];
	[tilespmem:$0x5020] =	vst v56  }
0xda: {  	[tilespmem:$0x5030] =	vst v57  }
0xdb: {  	[tilespmem:$0x5040] =	vst v58  }
0xdc: {  	[tilespmem:$0x5050] =	vst v59  }
0xdd: {  	[tilespmem:$0x5060] =	vst v60  }
0xde: {  	[tilespmem:$0x5070] =	vst v61  }
0xdf: {  	[spmem:s3] =	stream.indirect.scatter.add.f32 [tilespmem:s20], [sflag:$0x3], $0x40, s22, s18, $0xb8;
	[tilespmem:$0x1D080] =	vst v63  }
0xe0: {  	_ =	swait.ge [sflag:s15], $0x2000  }
0xe1: {  	[sflag:s15] =	ssyncset.done $0x0  }
0xe2: {  	[sflag:s15] =	ssyncadd.s32 $0xFFFFE000  }
0xe3: {  	[bflag:$0x0] =	sbarrier.arrive $0xFFFF  }
0xe4: {  	[hbm:s10], [sflag:s7] =	dma.local [spmem:s16], $0x1400  }
0xe5: {  	_ =	swait.ge [sflag:s15], $0x1400  }
0xe6: {  	[sflag:s15] =	ssyncset.done $0x0  }
0xe7: {  	[sflag:s15] =	ssyncadd.s32 $0xFFFFEC00  }
0xe8: {  	[spmem:s14], [sflag:s7] =	dma.local [hbm:s11], $0x1400  }
0xe9: {  	_ =	swait.ge [sflag:s15], $0x1400  }
0xea: {  	[sflag:s15] =	ssyncset.done $0x0  }
0xeb: {  	[sflag:s15] =	ssyncadd.s32 $0xFFFFEC00  }
0xec: {  	[spmem:s16], [sflag:s7] =	dma.local [hbm:s5], $0x1400  }
0xed: {  	_ =	swait.ge [sflag:s15], $0x1400  }
0xee: {  	[sflag:s15] =	ssyncset.done $0x0  }
0xef: {  	[sflag:s15] =	ssyncadd.s32 $0xFFFFEC00  }
0xf0: {  	s31 =	simm.s32 $0x0;
	[bflag:$0x0] =	sbarrier.arrive $0xFFFF  }
0xf1: {  	[tilespmem:s19], [sflag:$0x1] =	stream.indirect.gather [spmem:s2], $0x40, s31, s18, $0xb8;
	[tilespmem:$0x1D080] =	vst v63  }
0xf2: {  	s28 =	simm.s32 $0x80  }
0xf3: {  	[tilespmem:s20], [sflag:$0x2] =	stream.indirect.gather [spmem:s2], $0x40, s28, s18, $0xb8;
	[tilespmem:$0x1D080] =	vst v63  }
0xf4: {  	_ =	swait.ge [sflag:s21], $0x2000  }
0xf5: {  	[sflag:s21] =	ssyncset.done $0x0  }
0xf6: {  	s29 =	simm.s32 $0x0;
	[sflag:s21] =	ssyncadd.s32 $0xFFFFE000  }
0xf7: {  	v62 =	vld [tilespmem:s29+$0x2800];
	_ =	sdelay $0x4  }
0xf8: {  	[tilespmem:$0x5000] =	vst v62  }
0xf9: {  	v0 =	vld [tilespmem:s29+$0x2810];
	_ =	sdelay $0x4  }
0xfa: {  	[tilespmem:$0x5010] =	vst v0  }
0xfb: {  	v0 =	vld [tilespmem:s29+$0x2820];
	_ =	sdelay $0x4  }
0xfc: {  	[tilespmem:$0x5020] =	vst v0  }
0xfd: {  	v0 =	vld [tilespmem:s29+$0x2830];
	_ =	sdelay $0x4  }
0xfe: {  	[tilespmem:$0x5030] =	vst v0  }
0xff: {  	v0 =	vld [tilespmem:s29+$0x2840];
	_ =	sdelay $0x4  }
0x100: {  	[tilespmem:$0x5040] =	vst v0  }
0x101: {  	v0 =	vld [tilespmem:s29+$0x2850];
	_ =	sdelay $0x4  }
0x102: {  	[tilespmem:$0x5050] =	vst v0  }
0x103: {  	v0 =	vld [tilespmem:s29+$0x2860];
	_ =	sdelay $0x4  }
0x104: {  	[tilespmem:$0x5060] =	vst v0  }
0x105: {  	v0 =	vld [tilespmem:s29+$0x2870];
	_ =	sdelay $0x4  }
0x106: {  	[tilespmem:$0x5070] =	vst v0  }
0x107: {  	[spmem:s3] =	stream.indirect.scatter.add.f32 [tilespmem:s19], [sflag:$0x3], $0x40, s22, s18, $0xb8;
	[tilespmem:$0x1D080] =	vst v63  }
0x108: {  	_ =	swait.ge [sflag:s15], $0x2000  }
0x109: {  	[sflag:s15] =	ssyncset.done $0x0  }
0x10a: {  	s31 =	simm.s32 $0x100;
	[sflag:s15] =	ssyncadd.s32 $0xFFFFE000  }
0x10b: {  	[tilespmem:s19], [sflag:$0x1] =	stream.indirect.gather [spmem:s2], $0x40, s31, s18, $0xb8;
	[tilespmem:$0x1D080] =	vst v63  }
0x10c: {  	_ =	swait.ge [sflag:s23], $0x2000  }
0x10d: {  	[sflag:s23] =	ssyncset.done $0x0  }
0x10e: {  	[sflag:s23] =	ssyncadd.s32 $0xFFFFE000  }
0x10f: {  	v63 =	vld [tilespmem:s29+$0x2880];
	_ =	sdelay $0x4  }
0x110: {  	[tilespmem:$0x5000] =	vst v63  }
0x111: {  	v0 =	vld [tilespmem:s29+$0x2890];
	_ =	sdelay $0x4  }
0x112: {  	[tilespmem:$0x5010] =	vst v0  }
0x113: {  	v0 =	vld [tilespmem:s29+$0x28A0];
	_ =	sdelay $0x4  }
0x114: {  	[tilespmem:$0x5020] =	vst v0  }
0x115: {  	v0 =	vld [tilespmem:s29+$0x28B0];
	_ =	sdelay $0x4  }
0x116: {  	[tilespmem:$0x5030] =	vst v0  }
0x117: {  	v0 =	vld [tilespmem:s29+$0x28C0];
	_ =	sdelay $0x4  }
0x118: {  	[tilespmem:$0x5040] =	vst v0  }
0x119: {  	v0 =	vld [tilespmem:s29+$0x28D0];
	_ =	sdelay $0x4  }
0x11a: {  	[tilespmem:$0x5050] =	vst v0  }
0x11b: {  	v0 =	vld [tilespmem:s29+$0x28E0];
	_ =	sdelay $0x4  }
0x11c: {  	[tilespmem:$0x5060] =	vst v0  }
0x11d: {  	v0 =	vld [tilespmem:s29+$0x28F0];
	_ =	sdelay $0x4  }
0x11e: {  	[tilespmem:$0x5070] =	vst v0  }
0x11f: {  	[spmem:s3] =	stream.indirect.scatter.add.f32 [tilespmem:s20], [sflag:$0x3], $0x40, s22, s18, $0xb8;
	[tilespmem:$0x1D080] =	vst v63  }
0x120: {  	_ =	swait.ge [sflag:s15], $0x2000  }
0x121: {  	s30 =	simm.s32 $0x800;
	s26 =	simm.s32 $0x100;
	[sflag:s15] =	ssyncset.done $0x0  }
.LBB2_4:
0x122: {  	s31 =	sadd.s32 $0x80, s26  }
0x123: {  	[sflag:s15] =	ssyncadd.s32 $0xFFFFE000;
	s29 =	smov.u32 s30;
	s28 =	sadd.s32 $0x400, s30  }
0x124: {  	[tilespmem:s20], [sflag:$0x2] =	stream.indirect.gather [spmem:s2], $0x40, s31, s18, $0xb8;
	[tilespmem:$0x1D080] =	vst v63  }
0x125: {  	p0 =	sne.s32 s30, $0x9800;
	_ =	swait.ge [sflag:s21], $0x2000  }
0x126: {  	[sflag:s21] =	ssyncset.done $0x0  }
0x127: {  	[sflag:s21] =	ssyncadd.s32 $0xFFFFE000  }
0x128: {  	v0 =	vld [tilespmem:s26+$0x2800];
	_ =	sdelay $0x4  }
0x129: {  	[tilespmem:$0x5000] =	vst v0  }
0x12a: {  	v0 =	vld [tilespmem:s26+$0x2810];
	_ =	sdelay $0x4  }
0x12b: {  	[tilespmem:$0x5010] =	vst v0  }
0x12c: {  	v0 =	vld [tilespmem:s26+$0x2820];
	_ =	sdelay $0x4  }
0x12d: {  	[tilespmem:$0x5020] =	vst v0  }
0x12e: {  	v0 =	vld [tilespmem:s26+$0x2830];
	_ =	sdelay $0x4  }
0x12f: {  	[tilespmem:$0x5030] =	vst v0  }
0x130: {  	v0 =	vld [tilespmem:s26+$0x2840];
	_ =	sdelay $0x4  }
0x131: {  	[tilespmem:$0x5040] =	vst v0  }
0x132: {  	v0 =	vld [tilespmem:s26+$0x2850];
	_ =	sdelay $0x4  }
0x133: {  	[tilespmem:$0x5050] =	vst v0  }
0x134: {  	v0 =	vld [tilespmem:s26+$0x2860];
	_ =	sdelay $0x4  }
0x135: {  	[tilespmem:$0x5060] =	vst v0  }
0x136: {  	v0 =	vld [tilespmem:s26+$0x2870];
	_ =	sdelay $0x4  }
0x137: {  	[tilespmem:$0x5070] =	vst v0  }
0x138: {  	[spmem:s3] =	stream.indirect.scatter.add.f32 [tilespmem:s19], [sflag:$0x3], $0x40, s22, s18, $0xb8;
	[tilespmem:$0x1D080] =	vst v63  }
0x139: {  	_ =	swait.ge [sflag:s15], $0x2000  }
0x13a: {  	[sflag:s15] =	ssyncset.done $0x0  }
0x13b: {  	s30 =	sadd.s32 $0x100, s26;
	[sflag:s15] =	ssyncadd.s32 $0xFFFFE000  }
0x13c: {  	[tilespmem:s19], [sflag:$0x1] =	stream.indirect.gather [spmem:s2], $0x40, s30, s18, $0xb8;
	[tilespmem:$0x1D080] =	vst v63  }
0x13d: {  	_ =	swait.ge [sflag:s23], $0x2000  }
0x13e: {  	[sflag:s23] =	ssyncset.done $0x0  }
0x13f: {  	[sflag:s23] =	ssyncadd.s32 $0xFFFFE000  }
0x140: {  	v0 =	vld [tilespmem:s26+$0x2880];
	_ =	sdelay $0x4  }
0x141: {  	[tilespmem:$0x5000] =	vst v0  }
0x142: {  	v0 =	vld [tilespmem:s26+$0x2890];
	_ =	sdelay $0x4  }
0x143: {  	[tilespmem:$0x5010] =	vst v0  }
0x144: {  	v0 =	vld [tilespmem:s26+$0x28A0];
	_ =	sdelay $0x4  }
0x145: {  	[tilespmem:$0x5020] =	vst v0  }
0x146: {  	v0 =	vld [tilespmem:s26+$0x28B0];
	_ =	sdelay $0x4  }
0x147: {  	[tilespmem:$0x5030] =	vst v0  }
0x148: {  	v0 =	vld [tilespmem:s26+$0x28C0];
	_ =	sdelay $0x4  }
0x149: {  	[tilespmem:$0x5040] =	vst v0  }
0x14a: {  	v0 =	vld [tilespmem:s26+$0x28D0];
	_ =	sdelay $0x4  }
0x14b: {  	[tilespmem:$0x5050] =	vst v0  }
0x14c: {  	v0 =	vld [tilespmem:s26+$0x28E0];
	_ =	sdelay $0x4  }
0x14d: {  	[tilespmem:$0x5060] =	vst v0  }
0x14e: {  	v0 =	vld [tilespmem:s26+$0x28F0];
	_ =	sdelay $0x3  }
.Ltmp1:
0x14f: {  	(pc) =	sbr.rel @p0 .LBB2_4-.Ltmp1, $4  }
0x150: {  	[tilespmem:$0x5070] =	vst v0  }
0x151: {  	[spmem:s3] =	stream.indirect.scatter.add.f32 [tilespmem:s20], [sflag:$0x3], $0x40, s22, s18, $0xb8;
	[tilespmem:$0x1D080] =	vst v63  }
0x152: {  	_ =	swait.ge [sflag:s15], $0x2000  }
0x153: {  	s30 =	smov.u32 s28;
	s26 =	sshra.s32 s29, $0x2;
	[sflag:s15] =	ssyncset.done $0x0  }
0x154: {  	s28 =	sadd.s32 $0x80, s26;
	[sflag:s15] =	ssyncadd.s32 $0xFFFFE000  }
0x155: {  	[tilespmem:s20], [sflag:$0x2] =	stream.indirect.gather [spmem:s2], $0x40, s28, s18, $0xb8;
	[tilespmem:$0x1D080] =	vst v63  }
0x156: {  	_ =	swait.ge [sflag:s21], $0x2000  }
0x157: {  	[sflag:s21] =	ssyncset.done $0x0  }
0x158: {  	[sflag:s21] =	ssyncadd.s32 $0xFFFFE000  }
0x159: {  	v0 =	vld [tilespmem:s26+$0x2800];
	_ =	sdelay $0x4  }
0x15a: {  	[tilespmem:$0x5000] =	vst v0  }
0x15b: {  	v0 =	vld [tilespmem:s26+$0x2810];
	_ =	sdelay $0x4  }
0x15c: {  	[tilespmem:$0x5010] =	vst v0  }
0x15d: {  	v0 =	vld [tilespmem:s26+$0x2820];
	_ =	sdelay $0x4  }
0x15e: {  	[tilespmem:$0x5020] =	vst v0  }
0x15f: {  	v0 =	vld [tilespmem:s26+$0x2830];
	_ =	sdelay $0x4  }
0x160: {  	[tilespmem:$0x5030] =	vst v0  }
0x161: {  	v0 =	vld [tilespmem:s26+$0x2840];
	_ =	sdelay $0x4  }
0x162: {  	[tilespmem:$0x5040] =	vst v0  }
0x163: {  	v0 =	vld [tilespmem:s26+$0x2850];
	_ =	sdelay $0x4  }
0x164: {  	[tilespmem:$0x5050] =	vst v0  }
0x165: {  	v0 =	vld [tilespmem:s26+$0x2860];
	_ =	sdelay $0x4  }
0x166: {  	[tilespmem:$0x5060] =	vst v0  }
0x167: {  	v0 =	vld [tilespmem:s26+$0x2870];
	_ =	sdelay $0x4  }
0x168: {  	[tilespmem:$0x5070] =	vst v0  }
0x169: {  	[spmem:s3] =	stream.indirect.scatter.add.f32 [tilespmem:s19], [sflag:$0x3], $0x40, s22, s18, $0xb8;
	[tilespmem:$0x1D080] =	vst v63  }
0x16a: {  	_ =	swait.ge [sflag:s15], $0x2000  }
0x16b: {  	[sflag:s15] =	ssyncset.done $0x0  }
0x16c: {  	s31 =	sadd.s32 $0x100, s26;
	[sflag:s15] =	ssyncadd.s32 $0xFFFFE000  }
0x16d: {  	[tilespmem:s19], [sflag:$0x1] =	stream.indirect.gather [spmem:s2], $0x40, s31, s18, $0xb8;
	[tilespmem:$0x1D080] =	vst v63  }
0x16e: {  	_ =	swait.ge [sflag:s23], $0x2000  }
0x16f: {  	[sflag:s23] =	ssyncset.done $0x0  }
0x170: {  	[sflag:s23] =	ssyncadd.s32 $0xFFFFE000  }
0x171: {  	v51 =	vld [tilespmem:s26+$0x2880];
	_ =	sdelay $0x4  }
0x172: {  	[tilespmem:$0x5000] =	vst v51  }
0x173: {  	v0 =	vld [tilespmem:s26+$0x2890];
	_ =	sdelay $0x4  }
0x174: {  	[tilespmem:$0x5010] =	vst v0  }
0x175: {  	v0 =	vld [tilespmem:s26+$0x28A0];
	_ =	sdelay $0x4  }
0x176: {  	[tilespmem:$0x5020] =	vst v0  }
0x177: {  	v0 =	vld [tilespmem:s26+$0x28B0];
	_ =	sdelay $0x4  }
0x178: {  	[tilespmem:$0x5030] =	vst v0  }
0x179: {  	v0 =	vld [tilespmem:s26+$0x28C0];
	_ =	sdelay $0x4  }
0x17a: {  	[tilespmem:$0x5040] =	vst v0  }
0x17b: {  	v0 =	vld [tilespmem:s26+$0x28D0];
	_ =	sdelay $0x4  }
0x17c: {  	[tilespmem:$0x5050] =	vst v0  }
0x17d: {  	v0 =	vld [tilespmem:s26+$0x28E0];
	_ =	sdelay $0x4  }
0x17e: {  	[tilespmem:$0x5060] =	vst v0  }
0x17f: {  	v0 =	vld [tilespmem:s26+$0x28F0];
	_ =	sdelay $0x4  }
0x180: {  	[tilespmem:$0x5070] =	vst v0  }
0x181: {  	[spmem:s3] =	stream.indirect.scatter.add.f32 [tilespmem:s20], [sflag:$0x3], $0x40, s22, s18, $0xb8;
	[tilespmem:$0x1D080] =	vst v63  }
0x182: {  	_ =	swait.ge [sflag:s15], $0x2000  }
0x183: {  	[sflag:s15] =	ssyncset.done $0x0  }
0x184: {  	[sflag:s15] =	ssyncadd.s32 $0xFFFFE000  }
0x185: {  	[tilespmem:s20], [sflag:$0x2] =	stream.indirect.gather [spmem:s2], $0x40, s24, s18, $0xb8;
	[tilespmem:$0x1D080] =	vst v63  }
0x186: {  	_ =	swait.ge [sflag:s21], $0x2000  }
0x187: {  	[sflag:s21] =	ssyncset.done $0x0  }
0x188: {  	[sflag:s21] =	ssyncadd.s32 $0xFFFFE000  }
0x189: {  	v52 =	vld [tilespmem:$0x4F00]  }
0x18a: {  	v1 =	vld [tilespmem:$0x4F10]  }
0x18b: {  	v2 =	vld [tilespmem:$0x4F20]  }
0x18c: {  	v3 =	vld [tilespmem:$0x4F30]  }
0x18d: {  	v4 =	vld [tilespmem:$0x4F40]  }
0x18e: {  	v53 =	vld [tilespmem:$0x4F50];
	[tilespmem:$0x5000] =	vst v52  }
0x18f: {  	v54 =	vld [tilespmem:$0x4F60];
	[tilespmem:$0x5010] =	vst v1  }
0x190: {  	v55 =	vld [tilespmem:$0x4F70];
	[tilespmem:$0x5020] =	vst v2  }
0x191: {  	[tilespmem:$0x5030] =	vst v3  }
0x192: {  	[tilespmem:$0x5040] =	vst v4  }
0x193: {  	[tilespmem:$0x5050] =	vst v53  }
0x194: {  	[tilespmem:$0x5060] =	vst v54  }
0x195: {  	[tilespmem:$0x5070] =	vst v55  }
0x196: {  	[spmem:s3] =	stream.indirect.scatter.add.f32 [tilespmem:s19], [sflag:$0x3], $0x40, s22, s18, $0xb8;
	[tilespmem:$0x1D080] =	vst v63  }
0x197: {  	_ =	swait.ge [sflag:s15], $0x2000  }
0x198: {  	[sflag:s15] =	ssyncset.done $0x0  }
0x199: {  	[sflag:s15] =	ssyncadd.s32 $0xFFFFE000  }
0x19a: {  	_ =	swait.ge [sflag:s23], $0x2000  }
0x19b: {  	[sflag:s23] =	ssyncset.done $0x0  }
0x19c: {  	[sflag:s23] =	ssyncadd.s32 $0xFFFFE000  }
0x19d: {  	v56 =	vld [tilespmem:$0x4F80]  }
0x19e: {  	v57 =	vld [tilespmem:$0x4F90]  }
0x19f: {  	v58 =	vld [tilespmem:$0x4FA0]  }
0x1a0: {  	v59 =	vld [tilespmem:$0x4FB0]  }
0x1a1: {  	v60 =	vld [tilespmem:$0x4FC0]  }
0x1a2: {  	v61 =	vld [tilespmem:$0x4FD0];
	[tilespmem:$0x5000] =	vst v56  }
0x1a3: {  	v62 =	vld [tilespmem:$0x4FE0];
	[tilespmem:$0x5010] =	vst v57  }
0x1a4: {  	v63 =	vld [tilespmem:$0x4FF0];
	[tilespmem:$0x5020] =	vst v58  }
0x1a5: {  	[tilespmem:$0x5030] =	vst v59  }
0x1a6: {  	[tilespmem:$0x5040] =	vst v60  }
0x1a7: {  	[tilespmem:$0x5050] =	vst v61  }
0x1a8: {  	[tilespmem:$0x5060] =	vst v62  }
0x1a9: {  	[tilespmem:$0x5070] =	vst v63  }
0x1aa: {  	[spmem:s3] =	stream.indirect.scatter.add.f32 [tilespmem:s20], [sflag:$0x3], $0x40, s22, s18, $0xb8;
	[tilespmem:$0x1D080] =	vst v63  }
0x1ab: {  	_ =	swait.ge [sflag:s15], $0x2000  }
0x1ac: {  	s25 =	sadd.s32 $0x1, s25;
	[sflag:s15] =	ssyncset.done $0x0  }
0x1ad: {  	p0 =	sne.s32 s25, s13;
	[sflag:s15] =	ssyncadd.s32 $0xFFFFE000  }
.Ltmp2:
0x1ae: {  	[bflag:$0x0] =	sbarrier.arrive $0xFFFF;
	(pc) =	sbr.rel @p0 .LBB2_1-.Ltmp2, $4  }
0x1af: {  	[hbm:s12], [sflag:s7] =	dma.local [spmem:s16], $0x1400  }
0x1b0: {  	_ =	swait.ge [sflag:s15], $0x1400  }
0x1b1: {  	[sflag:s15] =	ssyncset.done $0x0  }
0x1b2: {  	[sflag:s15] =	ssyncadd.s32 $0xFFFFEC00  }
0x1b3: {  	_ =	sfence.sel $0x180000  }
0x1b4: {  	[bflag:$0x0] =	sbarrier.arrive $0xFFFF  }
0x1b5: {  	p0 =	sne.s32 s1, $0x0;
	_ =	strace $0x9000004A  }
0x1b6: {  	s0 =	sadd.s32 @!p0 $0x100000, s0;
	[bflag:$0x2] =	sbarrier.arrive $0xFFFF  }
0x1b7: {  	[sflag:s0] =	ssyncadd.tile.s32 @!p0 $0x1;
	_ =	shalt  }
.Lfunc_end2:
_tile_overlayer_lowered:
.L_overlay_start_2:
0x1b8: {  	(tag) =	ssettag $0x2  }
0x1b9: {  	s0 =	rddreg [dreg:$0x0];
	s2 =	stileid.u32  }
0x1ba: {  	s1 =	rddreg [dreg:$0x1];
	p0 =	sne.s32 s2, $0x0  }
0x1bb: {  	s3 =	rddreg [dreg:$0x2];
	[bflag:$0x3] =	sbarrier.arrive $0xFFFF;
	s2 =	simm.s32 @!p0 $0x1C03  }
0x1bc: {  	[timem:s3], [sflag:s2] =	dma.local @!p0 [hbm:s0], s1  }
0x1bd: {  	s0 =	simm.s32 @!p0 $0x3  }
0x1be: {  	_ =	swait.ge @!p0 [sflag:s0], s1  }
0x1bf: {  	s1 =	ssub.s32 @!p0 $0x0, s1;
	[sflag:s0] =	ssyncset.done @!p0 $0x0  }
0x1c0: {  	[sflag:s0] =	ssyncadd.s32 @!p0 s1  }
0x1c1: {  	[bflag:$0x3] =	sbarrier.arrive $0xFFFF  }
0x1c2: {  	_ =	shalt  }

// kernel: kernel.15.cloned.1.call-start
scs
__scs_entry_jumppad:
0x0: {  	(pc) =	sbr.rel $0x88, $3  }
0x1: {  	(tag) =	ssettag $0x0;
	lr =	simm.s32 $0x1  }
0x2: {  	[smem:$0x3F96] =	sst lr;
	_ =	strace $0xD0000000  }
0x3: {  	_ = 	snop  }
0x4: {  	_ = 	snop  }
0x5: {  	_ = 	snop  }
0x6: {  	_ = 	snop  }
0x7: {  	_ = 	snop  }
__scs_overlays_trampoline_lowered:
0x8: {  	[smem:$0x3FA5] =	sst s0  }
0x9: {  	[smem:$0x3FA6] =	sst s1  }
0xa: {  	[smem:$0x3FA7] =	sst s2  }
0xb: {  	[smem:$0x3FA8] =	sst s3  }
0xc: {  	[smem:$0x3FA9] =	sst s4  }
0xd: {  	[smem:$0x3FAA] =	sst s5  }
0xe: {  	[smem:$0x3FAB] =	sst s6  }
0xf: {  	[smem:$0x3FAC] =	sst s7  }
0x10: {  	[smem:$0x3FAD] =	sst s8  }
0x11: {  	[smem:$0x3FAE] =	sst s9;
	s0 =	simm.s32 @!p0 $0x0  }
0x12: {  	s1 =	sld [smem:$0x3F94];
	s0 =	simm.s32 @p0 $0x1  }
0x13: {  	[smem:$0x3FAF] =	sst s0;
	s0 =	simm.s32 @!p1 $0x0  }
0x14: {  	s2 =	sld [smem:$0x3F93];
	s0 =	simm.s32 @p1 $0x1  }
0x15: {  	[smem:$0x3FB0] =	sst s0;
	s0 =	simm.s32 @!p2 $0x0  }
0x16: {  	s3 =	sld [smem:$0x3FDB];
	s0 =	simm.s32 @p2 $0x1  }
0x17: {  	s4 =	simm.s32 $0x1BF5;
	[smem:$0x3FB2] =	sst s0  }
0x18: {  	s0 =	sld [smem:$0x3F95];
	_ =	swait.ge [sflag:s4], $0x0  }
0x19: {  	s7 =	sld [smem:$0x3F96]  }
0x1a: {  	s8 =	sadd.s32 $0xFFFFE003, lr  }
0x1b: {  	s9 =	sadd.s32 $0xFFFFFEF7, lr;
	s5 =	simm.s32 $0xFFFFFFFF;
	p2 =	slt.u32 s8, $0xFFFFF086  }
0x1c: {  	p1 =	slt.u32 s9, $0xF7A;
	s5 =	simm.s32 @!p2 $0x0  }
0x1d: {  	s5 =	simm.s32 @p1 $0x1;
	p0 =	seq.s32 s7, s2  }
0x1e: {  	s7 =	smul.u32 @!p0 $0xF7A, s2;
	p2 =	seq.s32 @!p0 s5, $0x0  }
0x1f: {  	s9 =	smul.u32 $0xF7A, s1;
	s8 =	simm.s32 @!p0 $0x1BF5;
	p2 =	por !p2, p0  }
0x20: {  	[sflag:s8] =	ssyncset.s32 @!p0 $0xFFFFF086;
	s6 =	sadd.s32 @!p0 s3, s7;
	s7 =	simm.s32 @!p0 $0x108  }
0x21: {  	s3 =	sadd.s32 s3, s9;
	s6 =	sadd.s32 @!p0 $0x88, s6;
	s7 =	simm.s32 @p2 $0x1082  }
0x22: {  	[simem:s7], [sflag:s8] =	dma.local @!p0 [hbm:s6], $0xF7A  }
0x23: {  	s9 =	sor.u32 $0xD0000000, s2;
	s6 =	simm.s32 $0x108;
	_ =	swait.ge @!p0 [sflag:s8], $0x0  }
0x24: {  	s3 =	sadd.s32 $0x88, s3;
	s6 =	simm.s32 @!p1 $0x1082;
	[sflag:s4] =	ssyncset.s32 $0xFFFFF086  }
0x25: {  	[simem:s6], [sflag:s4] =	dma.local [hbm:s3], $0xF7A  }
0x26: {  	[smem:$0x3F96] =	sst s1;
	(tag) =	ssettag s2;
	_ =	strace s9  }
0x27: {  	s1 =	sld [smem:$0x3FA6]  }
0x28: {  	s2 =	sld [smem:$0x3FA7]  }
0x29: {  	s4 =	sld [smem:$0x3FA9]  }
0x2a: {  	p0 =	seq.s32 s5, $0x0;
	s5 =	sld [smem:$0x3FAA]  }
0x2b: {  	s6 =	sld [smem:$0x3FAB]  }
0x2c: {  	s7 =	sld [smem:$0x3FAC]  }
0x2d: {  	s3 =	simm.s32 $0x108;
	s8 =	sld [smem:$0x3FAD]  }
0x2e: {  	s3 =	simm.s32 @!p0 $0x1082;
	s9 =	sld [smem:$0x3FAE]  }
0x2f: {  	lr =	sadd.s32 s0, s3;
	s0 =	sld [smem:$0x3FA5]  }
0x30: {  	s3 =	sld [smem:$0x3FA8]  }
0x31: {  	[smem:$0x3FB1] =	sst s10  }
0x32: {  	s10 =	sld [smem:$0x3FAF];
	_ =	sdelay $0x3  }
0x33: {  	p0 =	seq.s32 s10, $0x1;
	s10 =	sld [smem:$0x3FB1];
	_ =	sdelay $0x3  }
0x34: {  	[smem:$0x3FB1] =	sst s10  }
0x35: {  	s10 =	sld [smem:$0x3FB0];
	_ =	sdelay $0x3  }
0x36: {  	p1 =	seq.s32 s10, $0x1;
	s10 =	sld [smem:$0x3FB1];
	_ =	sdelay $0x3  }
0x37: {  	[smem:$0x3FB1] =	sst s10  }
0x38: {  	s10 =	sld [smem:$0x3FB2]  }
0x39: {  	_ = 	snop;
	(pc) =	sbr.ind lr, $3  }
0x3a: {  	_ = 	snop  }
0x3b: {  	_ = 	snop  }
0x3c: {  	p2 =	seq.s32 s10, $0x1;
	s10 =	sld [smem:$0x3FB1]  }
0x3d: {  	_ =	shalt  }
0x3e: {  	_ =	shalt  }
0x3f: {  	_ =	shalt  }
0x40: {  	_ =	shalt  }
0x41: {  	_ =	shalt  }
0x42: {  	_ =	shalt  }
0x43: {  	_ =	shalt  }
0x44: {  	_ =	shalt  }
0x45: {  	_ =	shalt  }
0x46: {  	_ =	shalt  }
0x47: {  	_ =	shalt  }
0x48: {  	_ =	shalt  }
0x49: {  	_ =	shalt  }
0x4a: {  	_ =	shalt  }
0x4b: {  	_ =	shalt  }
0x4c: {  	_ =	shalt  }
0x4d: {  	_ =	shalt  }
0x4e: {  	_ =	shalt  }
0x4f: {  	_ =	shalt  }
0x50: {  	_ =	shalt  }
0x51: {  	_ =	shalt  }
0x52: {  	_ =	shalt  }
0x53: {  	_ =	shalt  }
0x54: {  	_ =	shalt  }
0x55: {  	_ =	shalt  }
0x56: {  	_ =	shalt  }
0x57: {  	_ =	shalt  }
0x58: {  	_ =	shalt  }
0x59: {  	_ =	shalt  }
0x5a: {  	_ =	shalt  }
0x5b: {  	_ =	shalt  }
0x5c: {  	_ =	shalt  }
0x5d: {  	_ =	shalt  }
0x5e: {  	_ =	shalt  }
0x5f: {  	_ =	shalt  }
0x60: {  	_ =	shalt  }
0x61: {  	_ =	shalt  }
0x62: {  	_ =	shalt  }
0x63: {  	_ =	shalt  }
0x64: {  	_ =	shalt  }
0x65: {  	_ =	shalt  }
0x66: {  	_ =	shalt  }
0x67: {  	_ =	shalt  }
0x68: {  	_ =	shalt  }
0x69: {  	_ =	shalt  }
0x6a: {  	_ =	shalt  }
0x6b: {  	_ =	shalt  }
0x6c: {  	_ =	shalt  }
0x6d: {  	_ =	shalt  }
0x6e: {  	_ =	shalt  }
0x6f: {  	_ =	shalt  }
0x70: {  	_ =	shalt  }
0x71: {  	_ =	shalt  }
0x72: {  	_ =	shalt  }
0x73: {  	_ =	shalt  }
0x74: {  	_ =	shalt  }
0x75: {  	_ =	shalt  }
0x76: {  	_ =	shalt  }
0x77: {  	_ =	shalt  }
0x78: {  	_ =	shalt  }
0x79: {  	_ =	shalt  }
0x7a: {  	_ =	shalt  }
0x7b: {  	_ =	shalt  }
0x7c: {  	_ =	shalt  }
0x7d: {  	_ =	shalt  }
0x7e: {  	_ =	shalt  }
0x7f: {  	_ =	shalt  }
0x80: {  	_ =	shalt  }
0x81: {  	_ =	shalt  }
0x82: {  	_ =	shalt  }
0x83: {  	_ =	shalt  }
0x84: {  	_ =	shalt  }
0x85: {  	_ =	shalt  }
0x86: {  	_ =	shalt  }
0x87: {  	_ =	shalt  }
.Lfunc_end0:
.L_simem_size_0:
called_computation.2_lowered:
.L_overlay_start_0:
0x88: {  	s2 =	sld [smem:$0x3FD9]  }
0x89: {  	s3 =	sld [smem:$0x3FFE];
	_ =	sdelay $0x1  }
0x8a: {  	s1 =	srdreg.scid  }
0x8b: {  	s0 =	sand.u32 $0x1, s1  }
0x8c: {  	s17 =	sshll.u32 s0, $0xA;
	s2 =	sadd.s32 s3, s2  }
0x8d: {  	s2 =	sadd.s32 s2, s17  }
0x8e: {  	[smem:$0x3FBD] =	sst s2  }
0x8f: {  	_ = 	snop  }
0x90: {  	s2 =	sld [smem:$0x3FD0];
	(tm) =	ssettm $0x1  }
0x91: {  	s18 =	sld [smem:$0x3FFB];
	_ =	sdelay $0x3  }
0x92: {  	_ =	strace s18  }
0x93: {  	s3 =	sld [smem:$0x3FFC];
	_ =	sdelay $0x3  }
0x94: {  	_ =	strace s3  }
0x95: {  	s3 =	sld [smem:$0x3FFD];
	_ =	sdelay $0x3  }
0x96: {  	_ =	strace s3  }
0x97: {  	_ =	strace $0x8FFFFFFF  }
0x98: {  	s19 =	sld [smem:$0x3FDB];
	_ =	sdelay $0x1  }
0x99: {  	s4 =	simm.s32 $_scs_section_size  }
0x9a: {  	s5 =	simm.s32 $_size__tile_overlayer_lowered;
	s6 =	simm.s32 $_tile_overlayer_lowered  }
0x9b: {  	s22 =	simm.s32 $0x1BFF;
	s21 =	sshll.u32 s6, $0x1;
	s3 =	sadd.s32 s4, s19  }
0x9c: {  	s7 =	simm.s32 $0x0;
	s20 =	sshll.u32 s5, $0x1;
	s5 =	sadd.s32 s21, s3  }
0x9d: {  	[timem:s7], [sflag:s22] =	dma.local [hbm:s5], s20  }
0x9e: {  	_ =	swait.ge [sflag:s22], s20  }
0x9f: {  	s4 =	ssub.s32 $0x0, s20;
	[sflag:s22] =	ssyncset.done $0x0  }
0xa0: {  	[sflag:s22] =	ssyncadd.s32 s4;
	_ =	sdelay $0x1  }
0xa1: {  	s23 =	simm.s32 $0x1B8B  }
0xa2: {  	_ =	swait.ge [sflag:s23], $0x1  }
0xa3: {  	[sflag:s23] =	ssyncset.done $0x0  }
0xa4: {  	s25 =	simm.s32 $0x1B8E;
	s24 =	sld [smem:$0x3FFE];
	[sflag:s23] =	ssyncadd.s32 $0xFFFFFFFF  }
0xa5: {  	s26 =	simm.s32 $execute0_lowered;
	[smem:$0x3FD2] =	sst s25  }
0xa6: {  	s5 =	sshll.u32 s26, $0x1;
	_ =	strace $0x8000004C;
	[dreg:$0x1] =	wrdreg $0xFFFFFFFF  }
0xa7: {  	s28 =	simm.s32 $_size_execute0_lowered;
	s3 =	sadd.s32 s3, s5;
	[dreg:$0x0] =	wrdreg $0x0  }
0xa8: {  	s5 =	sshll.u32 s28, $0x1;
	[dreg:$0x2] =	wrdreg s3  }
0xa9: {  	[dreg:$0x3] =	wrdreg s5  }
0xaa: {  	[dreg:$0x4] =	wrdreg $0xC0  }
0xab: {  	_ =	task [dreg:s7], $0x5FFFF  }
0xac: {  	[dreg:$0x1] =	wrdreg $0xFFFFFFFF  }
0xad: {  	[dreg:$0x0] =	wrdreg $0x60  }
0xae: {  	[dreg:$0x2] =	wrdreg s24  }
0xaf: {  	[dreg:$0x3] =	wrdreg s2  }
0xb0: {  	[dreg:$0x4] =	wrdreg $0x90800  }
0xb1: {  	[dreg:$0x5] =	wrdreg $0x130800  }
0xb2: {  	[dreg:$0x6] =	wrdreg $0x9  }
0xb3: {  	_ =	task.clear_ibuf [dreg:s7], $0x7FFFF;
	_ =	strace $0x9000004C  }
0xb4: {  	s29 =	simm.s32 $0x9;
	_ =	strace $0x8000004E  }
0xb5: {  	_ =	swait.ge [sflag:s29], $0x1  }
0xb6: {  	[sflag:s29] =	ssyncadd.s32 $0xFFFFFFFF  }
0xb7: {  	_ =	strace $0x9000004E  }
0xb8: {  	_ =	sfence  }
0xb9: {  	s30 =	sld [smem:$0x0];
	_ =	sdelay $0x2  }
0xba: {  	s31 =	sshll.u32 s1, $0xD;
	s1 =	sshrl.u32 s1, $0x2  }
0xbb: {  	s3 =	sand.u32 $0x4000, s31;
	s1 =	sadd.s32 s1, s30  }
0xbc: {  	s0 =	sor.u32 s3, s0;
	s1 =	sshll.u32 s1, $0x11  }
0xbd: {  	s0 =	sor.u32 s1, s0  }
0xbe: {  	s0 =	sadd.s32 $0x8F2B, s0  }
0xbf: {  	[sflag:s0] =	ssyncadd.remote.s32 $0x1  }
0xc0: {  	_ =	sfence.sel $0xFFFF  }
0xc1: {  	[dreg:$0x0] =	wrdreg $0xFFFFFFFF;
	(pc) =	sbr.abs _section_cstart, $3  }
0xc2: {  	[dreg:$0x1] =	wrdreg $0xFFFFFFFF  }
0xc3: {  	_ =	task.clear_ibuf [dreg:s7], $0x2FFFF;
	_ =	strace $0x9FFFFFFF  }
0xc4: {  	(tm) =	ssettm $0x7FFFFFFF  }
0xc5: {  	_ =	shalt  }
tec
execute0_lowered:
.L_overlay_start_1:
0x0: {  	(tag) =	ssettag $0x1  }
0x1: {  	s6 =	rddreg [dreg:$0x0]  }
0x2: {  	s8 =	rddreg [dreg:$0x1]  }
0x3: {  	s2 =	rddreg [dreg:$0x2]  }
0x4: {  	s3 =	rddreg [dreg:$0x3]  }
0x5: {  	s0 =	rddreg [dreg:$0x4]  }
0x6: {  	s4 =	simm.s32 $0x0;
	s1 =	stileid.u32;
	s5 =	srdreg.scid  }
0x7: {  	s16 =	simm.s32 $0x80;
	s17 =	simm.s32 $0x5080;
	s18 =	simm.s32 $0x7080  }
0x8: {  	s19 =	simm.s32 $0x1;
	s20 =	simm.s32 $0x5000;
	s21 =	simm.s32 $0x2  }
0x9: {  	s22 =	simm.s32 $0x2780;
	s23 =	simm.s32 $0x0;
	s9 =	smul.u32 $0xA000, s1  }
0xa: {  	s5 =	sand.u32 $0x1, s5;
	s7 =	sshll.u32 s1, $0x1;
	[smem:$0x7FF] =	sst s4  }
0xb: {  	s31 =	sshll.u32 s1, $0x6;
	s7 =	sor.u32 s5, s7;
	s10 =	smul.u32 $0xA0000, s5  }
0xc: {  	_ =	strace $0x8000004D;
	s29 =	ssub.s32 $0x2, s5;
	s5 =	sadd.s32 $0x35800, s6  }
0xd: {  	s11 =	sshrl.u32 s9, $0x3;
	s12 =	smul.u32 $0x500, s7;
	s14 =	sshrl.u32 s29, $0x1  }
0xe: {  	s30 =	sadd.s32 s9, s2;
	s7 =	sor.u32 $0x1C03, s31;
	s15 =	sadd.s32 s9, s3  }
0xf: {  	s28 =	sadd.s32 s11, s6;
	s10 =	sadd.s32 s9, s10;
	s11 =	ssub.s32 s29, s14  }
0x10: {  	s14 =	sshrl.u32 s15, $0x3;
	s15 =	simm.s32 $0x2800;
	s13 =	sadd.s32 s12, s6  }
0x11: {  	s10 =	sshrl.u32 s10, $0x3;
	s8 =	sadd.s32 s8, s12;
	s11 =	smax.u32 s11, $0x1  }
0x12: {  	s12 =	sshrl.u32 s30, $0x3;
	s10 =	sadd.s32 s10, s6;
	s6 =	sadd.s32 $0x3800, s28  }
0x13: {  	s9 =	sadd.s32 $0x2B800, s13;
	s13 =	simm.s32 $0x3;
	s10 =	sadd.s32 $0x36C00, s10  }
.LBB2_1:
0x14: {  	[spmem:s12], [sflag:s7] =	dma.local [hbm:s6], $0x1400  }
0x15: {  	_ =	swait.ge [sflag:s13], $0x1400  }
0x16: {  	[sflag:s13] =	ssyncset.done $0x0  }
0x17: {  	[sflag:s13] =	ssyncadd.s32 $0xFFFFEC00  }
0x18: {  	[spmem:s14], [sflag:s7] =	dma.local [hbm:s5], $0x1400  }
0x19: {  	_ =	swait.ge [sflag:s13], $0x1400  }
0x1a: {  	[sflag:s13] =	ssyncset.done $0x0  }
0x1b: {  	[sflag:s13] =	ssyncadd.s32 $0xFFFFEC00  }
0x1c: {  	[tilespmem:s4], [sflag:$0x3] =	stream.linear.gather [hbm4b:s8+s4], $0x2800, $0x38;
	[tilespmem:$0x1D080] =	vst v63  }
0x1d: {  	_ =	swait.ge [sflag:s13], $0x2800  }
0x1e: {  	[sflag:s13] =	ssyncset.done $0x0  }
0x1f: {  	[sflag:s13] =	ssyncadd.s32 $0xFFFFD800  }
0x20: {  	[tilespmem:s15], [sflag:$0x3] =	stream.linear.gather [hbm4b:s9+s4], $0x2800, $0x38;
	[tilespmem:$0x1D080] =	vst v63  }
0x21: {  	_ =	swait.ge [sflag:s13], $0x2800  }
0x22: {  	[sflag:s13] =	ssyncset.done $0x0  }
0x23: {  	[sflag:s13] =	ssyncadd.s32 $0xFFFFD800  }
0x24: {  	[bflag:$0x0] =	sbarrier.arrive $0xFFFF  }
0x25: {  	[tilespmem:s17], [sflag:$0x1] =	stream.indirect.gather [spmem:s2], $0x40, s4, s16, $0xb8;
	[tilespmem:$0x1D080] =	vst v63  }
0x26: {  	s24 =	simm.s32 $0x80  }
0x27: {  	[tilespmem:s18], [sflag:$0x2] =	stream.indirect.gather [spmem:s2], $0x40, s24, s16, $0xb8;
	[tilespmem:$0x1D080] =	vst v63  }
0x28: {  	_ =	swait.ge [sflag:s19], $0x2000  }
0x29: {  	[sflag:s19] =	ssyncset.done $0x0  }
0x2a: {  	s31 =	simm.s32 $0x0;
	[sflag:s19] =	ssyncadd.s32 $0xFFFFE000  }
0x2b: {  	v0 =	vld [tilespmem:s31+$0x2800];
	_ =	sdelay $0x4  }
0x2c: {  	[tilespmem:$0x5000] =	vst v0  }
0x2d: {  	v0 =	vld [tilespmem:s31+$0x2810];
	_ =	sdelay $0x4  }
0x2e: {  	[tilespmem:$0x5010] =	vst v0  }
0x2f: {  	v0 =	vld [tilespmem:s31+$0x2820];
	_ =	sdelay $0x4  }
0x30: {  	[tilespmem:$0x5020] =	vst v0  }
0x31: {  	v0 =	vld [tilespmem:s31+$0x2830];
	_ =	sdelay $0x4  }
0x32: {  	[tilespmem:$0x5030] =	vst v0  }
0x33: {  	v0 =	vld [tilespmem:s31+$0x2840];
	_ =	sdelay $0x4  }
0x34: {  	[tilespmem:$0x5040] =	vst v0  }
0x35: {  	v0 =	vld [tilespmem:s31+$0x2850];
	_ =	sdelay $0x4  }
0x36: {  	[tilespmem:$0x5050] =	vst v0  }
0x37: {  	v0 =	vld [tilespmem:s31+$0x2860];
	_ =	sdelay $0x4  }
0x38: {  	[tilespmem:$0x5060] =	vst v0  }
0x39: {  	v0 =	vld [tilespmem:s31+$0x2870];
	_ =	sdelay $0x4  }
0x3a: {  	[tilespmem:$0x5070] =	vst v0  }
0x3b: {  	[spmem:s3] =	stream.indirect.scatter.add.f32 [tilespmem:s17], [sflag:$0x3], $0x40, s20, s16, $0xb8;
	[tilespmem:$0x1D080] =	vst v63  }
0x3c: {  	_ =	swait.ge [sflag:s13], $0x2000  }
0x3d: {  	[sflag:s13] =	ssyncset.done $0x0  }
0x3e: {  	s25 =	simm.s32 $0x100;
	[sflag:s13] =	ssyncadd.s32 $0xFFFFE000  }
0x3f: {  	[tilespmem:s17], [sflag:$0x1] =	stream.indirect.gather [spmem:s2], $0x40, s25, s16, $0xb8;
	[tilespmem:$0x1D080] =	vst v63  }
0x40: {  	_ =	swait.ge [sflag:s21], $0x2000  }
0x41: {  	[sflag:s21] =	ssyncset.done $0x0  }
0x42: {  	[sflag:s21] =	ssyncadd.s32 $0xFFFFE000  }
0x43: {  	v63 =	vld [tilespmem:s31+$0x2880];
	_ =	sdelay $0x4  }
0x44: {  	[tilespmem:$0x5000] =	vst v63  }
0x45: {  	v0 =	vld [tilespmem:s31+$0x2890];
	_ =	sdelay $0x4  }
0x46: {  	[tilespmem:$0x5010] =	vst v0  }
0x47: {  	v0 =	vld [tilespmem:s31+$0x28A0];
	_ =	sdelay $0x4  }
0x48: {  	[tilespmem:$0x5020] =	vst v0  }
0x49: {  	v0 =	vld [tilespmem:s31+$0x28B0];
	_ =	sdelay $0x4  }
0x4a: {  	[tilespmem:$0x5030] =	vst v0  }
0x4b: {  	v0 =	vld [tilespmem:s31+$0x28C0];
	_ =	sdelay $0x4  }
0x4c: {  	[tilespmem:$0x5040] =	vst v0  }
0x4d: {  	v0 =	vld [tilespmem:s31+$0x28D0];
	_ =	sdelay $0x4  }
0x4e: {  	[tilespmem:$0x5050] =	vst v0  }
0x4f: {  	v0 =	vld [tilespmem:s31+$0x28E0];
	_ =	sdelay $0x4  }
0x50: {  	[tilespmem:$0x5060] =	vst v0  }
0x51: {  	v0 =	vld [tilespmem:s31+$0x28F0];
	_ =	sdelay $0x4  }
0x52: {  	[tilespmem:$0x5070] =	vst v0  }
0x53: {  	[spmem:s3] =	stream.indirect.scatter.add.f32 [tilespmem:s18], [sflag:$0x3], $0x40, s20, s16, $0xb8;
	[tilespmem:$0x1D080] =	vst v63  }
0x54: {  	_ =	swait.ge [sflag:s13], $0x2000  }
0x55: {  	s28 =	simm.s32 $0x800;
	s24 =	simm.s32 $0x100;
	[sflag:s13] =	ssyncset.done $0x0  }
.LBB2_2:
0x56: {  	s29 =	sadd.s32 $0x80, s24  }
0x57: {  	[sflag:s13] =	ssyncadd.s32 $0xFFFFE000;
	s26 =	smov.u32 s28;
	s25 =	sadd.s32 $0x400, s28  }
0x58: {  	[tilespmem:s18], [sflag:$0x2] =	stream.indirect.gather [spmem:s2], $0x40, s29, s16, $0xb8;
	[tilespmem:$0x1D080] =	vst v63  }
0x59: {  	p0 =	sne.s32 s28, $0x9800;
	_ =	swait.ge [sflag:s19], $0x2000  }
0x5a: {  	[sflag:s19] =	ssyncset.done $0x0  }
0x5b: {  	[sflag:s19] =	ssyncadd.s32 $0xFFFFE000  }
0x5c: {  	v0 =	vld [tilespmem:s24+$0x2800];
	_ =	sdelay $0x4  }
0x5d: {  	[tilespmem:$0x5000] =	vst v0  }
0x5e: {  	v0 =	vld [tilespmem:s24+$0x2810];
	_ =	sdelay $0x4  }
0x5f: {  	[tilespmem:$0x5010] =	vst v0  }
0x60: {  	v0 =	vld [tilespmem:s24+$0x2820];
	_ =	sdelay $0x4  }
0x61: {  	[tilespmem:$0x5020] =	vst v0  }
0x62: {  	v0 =	vld [tilespmem:s24+$0x2830];
	_ =	sdelay $0x4  }
0x63: {  	[tilespmem:$0x5030] =	vst v0  }
0x64: {  	v0 =	vld [tilespmem:s24+$0x2840];
	_ =	sdelay $0x4  }
0x65: {  	[tilespmem:$0x5040] =	vst v0  }
0x66: {  	v0 =	vld [tilespmem:s24+$0x2850];
	_ =	sdelay $0x4  }
0x67: {  	[tilespmem:$0x5050] =	vst v0  }
0x68: {  	v0 =	vld [tilespmem:s24+$0x2860];
	_ =	sdelay $0x4  }
0x69: {  	[tilespmem:$0x5060] =	vst v0  }
0x6a: {  	v0 =	vld [tilespmem:s24+$0x2870];
	_ =	sdelay $0x4  }
0x6b: {  	[tilespmem:$0x5070] =	vst v0  }
0x6c: {  	[spmem:s3] =	stream.indirect.scatter.add.f32 [tilespmem:s17], [sflag:$0x3], $0x40, s20, s16, $0xb8;
	[tilespmem:$0x1D080] =	vst v63  }
0x6d: {  	_ =	swait.ge [sflag:s13], $0x2000  }
0x6e: {  	[sflag:s13] =	ssyncset.done $0x0  }
0x6f: {  	s28 =	sadd.s32 $0x100, s24;
	[sflag:s13] =	ssyncadd.s32 $0xFFFFE000  }
0x70: {  	[tilespmem:s17], [sflag:$0x1] =	stream.indirect.gather [spmem:s2], $0x40, s28, s16, $0xb8;
	[tilespmem:$0x1D080] =	vst v63  }
0x71: {  	_ =	swait.ge [sflag:s21], $0x2000  }
0x72: {  	[sflag:s21] =	ssyncset.done $0x0  }
0x73: {  	[sflag:s21] =	ssyncadd.s32 $0xFFFFE000  }
0x74: {  	v0 =	vld [tilespmem:s24+$0x2880];
	_ =	sdelay $0x4  }
0x75: {  	[tilespmem:$0x5000] =	vst v0  }
0x76: {  	v0 =	vld [tilespmem:s24+$0x2890];
	_ =	sdelay $0x4  }
0x77: {  	[tilespmem:$0x5010] =	vst v0  }
0x78: {  	v0 =	vld [tilespmem:s24+$0x28A0];
	_ =	sdelay $0x4  }
0x79: {  	[tilespmem:$0x5020] =	vst v0  }
0x7a: {  	v0 =	vld [tilespmem:s24+$0x28B0];
	_ =	sdelay $0x4  }
0x7b: {  	[tilespmem:$0x5030] =	vst v0  }
0x7c: {  	v0 =	vld [tilespmem:s24+$0x28C0];
	_ =	sdelay $0x4  }
0x7d: {  	[tilespmem:$0x5040] =	vst v0  }
0x7e: {  	v0 =	vld [tilespmem:s24+$0x28D0];
	_ =	sdelay $0x4  }
0x7f: {  	[tilespmem:$0x5050] =	vst v0  }
0x80: {  	v0 =	vld [tilespmem:s24+$0x28E0];
	_ =	sdelay $0x4  }
0x81: {  	[tilespmem:$0x5060] =	vst v0  }
0x82: {  	v0 =	vld [tilespmem:s24+$0x28F0];
	_ =	sdelay $0x3  }
.Ltmp0:
0x83: {  	(pc) =	sbr.rel @p0 .LBB2_2-.Ltmp0, $4  }
0x84: {  	[tilespmem:$0x5070] =	vst v0  }
0x85: {  	[spmem:s3] =	stream.indirect.scatter.add.f32 [tilespmem:s18], [sflag:$0x3], $0x40, s20, s16, $0xb8;
	[tilespmem:$0x1D080] =	vst v63  }
0x86: {  	_ =	swait.ge [sflag:s13], $0x2000  }
0x87: {  	s28 =	smov.u32 s25;
	s24 =	sshra.s32 s26, $0x2;
	[sflag:s13] =	ssyncset.done $0x0  }
0x88: {  	s25 =	sadd.s32 $0x80, s24;
	[sflag:s13] =	ssyncadd.s32 $0xFFFFE000  }
0x89: {  	[tilespmem:s18], [sflag:$0x2] =	stream.indirect.gather [spmem:s2], $0x40, s25, s16, $0xb8;
	[tilespmem:$0x1D080] =	vst v63  }
0x8a: {  	_ =	swait.ge [sflag:s19], $0x2000  }
0x8b: {  	[sflag:s19] =	ssyncset.done $0x0  }
0x8c: {  	[sflag:s19] =	ssyncadd.s32 $0xFFFFE000  }
0x8d: {  	v0 =	vld [tilespmem:s24+$0x2800];
	_ =	sdelay $0x4  }
0x8e: {  	[tilespmem:$0x5000] =	vst v0  }
0x8f: {  	v0 =	vld [tilespmem:s24+$0x2810];
	_ =	sdelay $0x4  }
0x90: {  	[tilespmem:$0x5010] =	vst v0  }
0x91: {  	v0 =	vld [tilespmem:s24+$0x2820];
	_ =	sdelay $0x4  }
0x92: {  	[tilespmem:$0x5020] =	vst v0  }
0x93: {  	v0 =	vld [tilespmem:s24+$0x2830];
	_ =	sdelay $0x4  }
0x94: {  	[tilespmem:$0x5030] =	vst v0  }
0x95: {  	v0 =	vld [tilespmem:s24+$0x2840];
	_ =	sdelay $0x4  }
0x96: {  	[tilespmem:$0x5040] =	vst v0  }
0x97: {  	v0 =	vld [tilespmem:s24+$0x2850];
	_ =	sdelay $0x4  }
0x98: {  	[tilespmem:$0x5050] =	vst v0  }
0x99: {  	v0 =	vld [tilespmem:s24+$0x2860];
	_ =	sdelay $0x4  }
0x9a: {  	[tilespmem:$0x5060] =	vst v0  }
0x9b: {  	v0 =	vld [tilespmem:s24+$0x2870];
	_ =	sdelay $0x4  }
0x9c: {  	[tilespmem:$0x5070] =	vst v0  }
0x9d: {  	[spmem:s3] =	stream.indirect.scatter.add.f32 [tilespmem:s17], [sflag:$0x3], $0x40, s20, s16, $0xb8;
	[tilespmem:$0x1D080] =	vst v63  }
0x9e: {  	_ =	swait.ge [sflag:s13], $0x2000  }
0x9f: {  	[sflag:s13] =	ssyncset.done $0x0  }
0xa0: {  	s31 =	sadd.s32 $0x100, s24;
	[sflag:s13] =	ssyncadd.s32 $0xFFFFE000  }
0xa1: {  	[tilespmem:s17], [sflag:$0x1] =	stream.indirect.gather [spmem:s2], $0x40, s31, s16, $0xb8;
	[tilespmem:$0x1D080] =	vst v63  }
0xa2: {  	_ =	swait.ge [sflag:s21], $0x2000  }
0xa3: {  	[sflag:s21] =	ssyncset.done $0x0  }
0xa4: {  	[sflag:s21] =	ssyncadd.s32 $0xFFFFE000  }
0xa5: {  	v51 =	vld [tilespmem:s24+$0x2880];
	_ =	sdelay $0x4  }
0xa6: {  	[tilespmem:$0x5000] =	vst v51  }
0xa7: {  	v0 =	vld [tilespmem:s24+$0x2890];
	_ =	sdelay $0x4  }
0xa8: {  	[tilespmem:$0x5010] =	vst v0  }
0xa9: {  	v0 =	vld [tilespmem:s24+$0x28A0];
	_ =	sdelay $0x4  }
0xaa: {  	[tilespmem:$0x5020] =	vst v0  }
0xab: {  	v0 =	vld [tilespmem:s24+$0x28B0];
	_ =	sdelay $0x4  }
0xac: {  	[tilespmem:$0x5030] =	vst v0  }
0xad: {  	v0 =	vld [tilespmem:s24+$0x28C0];
	_ =	sdelay $0x4  }
0xae: {  	[tilespmem:$0x5040] =	vst v0  }
0xaf: {  	v0 =	vld [tilespmem:s24+$0x28D0];
	_ =	sdelay $0x4  }
0xb0: {  	[tilespmem:$0x5050] =	vst v0  }
0xb1: {  	v0 =	vld [tilespmem:s24+$0x28E0];
	_ =	sdelay $0x4  }
0xb2: {  	[tilespmem:$0x5060] =	vst v0  }
0xb3: {  	v0 =	vld [tilespmem:s24+$0x28F0];
	_ =	sdelay $0x4  }
0xb4: {  	[tilespmem:$0x5070] =	vst v0  }
0xb5: {  	[spmem:s3] =	stream.indirect.scatter.add.f32 [tilespmem:s18], [sflag:$0x3], $0x40, s20, s16, $0xb8;
	[tilespmem:$0x1D080] =	vst v63  }
0xb6: {  	_ =	swait.ge [sflag:s13], $0x2000  }
0xb7: {  	[sflag:s13] =	ssyncset.done $0x0  }
0xb8: {  	[sflag:s13] =	ssyncadd.s32 $0xFFFFE000  }
0xb9: {  	[tilespmem:s18], [sflag:$0x2] =	stream.indirect.gather [spmem:s2], $0x40, s22, s16, $0xb8;
	[tilespmem:$0x1D080] =	vst v63  }
0xba: {  	_ =	swait.ge [sflag:s19], $0x2000  }
0xbb: {  	[sflag:s19] =	ssyncset.done $0x0  }
0xbc: {  	[sflag:s19] =	ssyncadd.s32 $0xFFFFE000  }
0xbd: {  	v52 =	vld [tilespmem:$0x4F00]  }
0xbe: {  	v1 =	vld [tilespmem:$0x4F10]  }
0xbf: {  	v2 =	vld [tilespmem:$0x4F20]  }
0xc0: {  	v3 =	vld [tilespmem:$0x4F30]  }
0xc1: {  	v4 =	vld [tilespmem:$0x4F40]  }
0xc2: {  	v53 =	vld [tilespmem:$0x4F50];
	[tilespmem:$0x5000] =	vst v52  }
0xc3: {  	v54 =	vld [tilespmem:$0x4F60];
	[tilespmem:$0x5010] =	vst v1  }
0xc4: {  	v55 =	vld [tilespmem:$0x4F70];
	[tilespmem:$0x5020] =	vst v2  }
0xc5: {  	[tilespmem:$0x5030] =	vst v3  }
0xc6: {  	[tilespmem:$0x5040] =	vst v4  }
0xc7: {  	[tilespmem:$0x5050] =	vst v53  }
0xc8: {  	[tilespmem:$0x5060] =	vst v54  }
0xc9: {  	[tilespmem:$0x5070] =	vst v55  }
0xca: {  	[spmem:s3] =	stream.indirect.scatter.add.f32 [tilespmem:s17], [sflag:$0x3], $0x40, s20, s16, $0xb8;
	[tilespmem:$0x1D080] =	vst v63  }
0xcb: {  	_ =	swait.ge [sflag:s13], $0x2000  }
0xcc: {  	[sflag:s13] =	ssyncset.done $0x0  }
0xcd: {  	[sflag:s13] =	ssyncadd.s32 $0xFFFFE000  }
0xce: {  	_ =	swait.ge [sflag:s21], $0x2000  }
0xcf: {  	[sflag:s21] =	ssyncset.done $0x0  }
0xd0: {  	[sflag:s21] =	ssyncadd.s32 $0xFFFFE000  }
0xd1: {  	v56 =	vld [tilespmem:$0x4F80]  }
0xd2: {  	v57 =	vld [tilespmem:$0x4F90]  }
0xd3: {  	v58 =	vld [tilespmem:$0x4FA0]  }
0xd4: {  	v59 =	vld [tilespmem:$0x4FB0]  }
0xd5: {  	v60 =	vld [tilespmem:$0x4FC0]  }
0xd6: {  	v61 =	vld [tilespmem:$0x4FD0];
	[tilespmem:$0x5000] =	vst v56  }
0xd7: {  	v62 =	vld [tilespmem:$0x4FE0];
	[tilespmem:$0x5010] =	vst v57  }
0xd8: {  	v63 =	vld [tilespmem:$0x4FF0];
	[tilespmem:$0x5020] =	vst v58  }
0xd9: {  	[tilespmem:$0x5030] =	vst v59  }
0xda: {  	[tilespmem:$0x5040] =	vst v60  }
0xdb: {  	[tilespmem:$0x5050] =	vst v61  }
0xdc: {  	[tilespmem:$0x5060] =	vst v62  }
0xdd: {  	[tilespmem:$0x5070] =	vst v63  }
0xde: {  	[spmem:s3] =	stream.indirect.scatter.add.f32 [tilespmem:s18], [sflag:$0x3], $0x40, s20, s16, $0xb8;
	[tilespmem:$0x1D080] =	vst v63  }
0xdf: {  	_ =	swait.ge [sflag:s13], $0x2000  }
0xe0: {  	s23 =	sadd.s32 $0x1, s23;
	[sflag:s13] =	ssyncset.done $0x0  }
0xe1: {  	p0 =	sne.s32 s23, s11;
	[sflag:s13] =	ssyncadd.s32 $0xFFFFE000  }
.Ltmp1:
0xe2: {  	[bflag:$0x0] =	sbarrier.arrive $0xFFFF;
	(pc) =	sbr.rel @p0 .LBB2_1-.Ltmp1, $4  }
0xe3: {  	[hbm:s10], [sflag:s7] =	dma.local [spmem:s14], $0x1400  }
0xe4: {  	_ =	swait.ge [sflag:s13], $0x1400  }
0xe5: {  	[sflag:s13] =	ssyncset.done $0x0  }
0xe6: {  	[sflag:s13] =	ssyncadd.s32 $0xFFFFEC00  }
0xe7: {  	_ =	sfence.sel $0x180000  }
0xe8: {  	[bflag:$0x0] =	sbarrier.arrive $0xFFFF  }
0xe9: {  	p0 =	sne.s32 s1, $0x0;
	_ =	strace $0x9000004D  }
0xea: {  	s0 =	sadd.s32 @!p0 $0x100000, s0;
	[bflag:$0x2] =	sbarrier.arrive $0xFFFF  }
0xeb: {  	[sflag:s0] =	ssyncadd.tile.s32 @!p0 $0x1;
	_ =	shalt  }
.Lfunc_end2:
_tile_overlayer_lowered:
.L_overlay_start_2:
0xec: {  	(tag) =	ssettag $0x2  }
0xed: {  	s0 =	rddreg [dreg:$0x0];
	s2 =	stileid.u32  }
0xee: {  	s1 =	rddreg [dreg:$0x1];
	p0 =	sne.s32 s2, $0x0  }
0xef: {  	s3 =	rddreg [dreg:$0x2];
	[bflag:$0x3] =	sbarrier.arrive $0xFFFF;
	s2 =	simm.s32 @!p0 $0x1C03  }
0xf0: {  	[timem:s3], [sflag:s2] =	dma.local @!p0 [hbm:s0], s1  }
0xf1: {  	s0 =	simm.s32 @!p0 $0x3  }
0xf2: {  	_ =	swait.ge @!p0 [sflag:s0], s1  }
0xf3: {  	s1 =	ssub.s32 @!p0 $0x0, s1;
	[sflag:s0] =	ssyncset.done @!p0 $0x0  }
0xf4: {  	[sflag:s0] =	ssyncadd.s32 @!p0 s1  }
0xf5: {  	[bflag:$0x3] =	sbarrier.arrive $0xFFFF  }
0xf6: {  	_ =	shalt  }

// kernel: kernel.9.cloned.1.call-start
scs
__scs_entry_jumppad:
0x0: {  	(pc) =	sbr.rel $0x88, $3  }
0x1: {  	(tag) =	ssettag $0x0;
	lr =	simm.s32 $0x1  }
0x2: {  	[smem:$0x3F96] =	sst lr;
	_ =	strace $0xD0000000  }
0x3: {  	_ = 	snop  }
0x4: {  	_ = 	snop  }
0x5: {  	_ = 	snop  }
0x6: {  	_ = 	snop  }
0x7: {  	_ = 	snop  }
__scs_overlays_trampoline_lowered:
0x8: {  	[smem:$0x3FA5] =	sst s0  }
0x9: {  	[smem:$0x3FA6] =	sst s1  }
0xa: {  	[smem:$0x3FA7] =	sst s2  }
0xb: {  	[smem:$0x3FA8] =	sst s3  }
0xc: {  	[smem:$0x3FA9] =	sst s4  }
0xd: {  	[smem:$0x3FAA] =	sst s5  }
0xe: {  	[smem:$0x3FAB] =	sst s6  }
0xf: {  	[smem:$0x3FAC] =	sst s7  }
0x10: {  	[smem:$0x3FAD] =	sst s8  }
0x11: {  	[smem:$0x3FAE] =	sst s9;
	s0 =	simm.s32 @!p0 $0x0  }
0x12: {  	s1 =	sld [smem:$0x3F94];
	s0 =	simm.s32 @p0 $0x1  }
0x13: {  	[smem:$0x3FAF] =	sst s0;
	s0 =	simm.s32 @!p1 $0x0  }
0x14: {  	s2 =	sld [smem:$0x3F93];
	s0 =	simm.s32 @p1 $0x1  }
0x15: {  	[smem:$0x3FB0] =	sst s0;
	s0 =	simm.s32 @!p2 $0x0  }
0x16: {  	s3 =	sld [smem:$0x3FDB];
	s0 =	simm.s32 @p2 $0x1  }
0x17: {  	s4 =	simm.s32 $0x1BF5;
	[smem:$0x3FB2] =	sst s0  }
0x18: {  	s0 =	sld [smem:$0x3F95];
	_ =	swait.ge [sflag:s4], $0x0  }
0x19: {  	s7 =	sld [smem:$0x3F96]  }
0x1a: {  	s8 =	sadd.s32 $0xFFFFE003, lr  }
0x1b: {  	s9 =	sadd.s32 $0xFFFFFEF7, lr;
	s5 =	simm.s32 $0xFFFFFFFF;
	p2 =	slt.u32 s8, $0xFFFFF086  }
0x1c: {  	p1 =	slt.u32 s9, $0xF7A;
	s5 =	simm.s32 @!p2 $0x0  }
0x1d: {  	s5 =	simm.s32 @p1 $0x1;
	p0 =	seq.s32 s7, s2  }
0x1e: {  	s7 =	smul.u32 @!p0 $0xF7A, s2;
	p2 =	seq.s32 @!p0 s5, $0x0  }
0x1f: {  	s9 =	smul.u32 $0xF7A, s1;
	s8 =	simm.s32 @!p0 $0x1BF5;
	p2 =	por !p2, p0  }
0x20: {  	[sflag:s8] =	ssyncset.s32 @!p0 $0xFFFFF086;
	s6 =	sadd.s32 @!p0 s3, s7;
	s7 =	simm.s32 @!p0 $0x108  }
0x21: {  	s3 =	sadd.s32 s3, s9;
	s6 =	sadd.s32 @!p0 $0x88, s6;
	s7 =	simm.s32 @p2 $0x1082  }
0x22: {  	[simem:s7], [sflag:s8] =	dma.local @!p0 [hbm:s6], $0xF7A  }
0x23: {  	s9 =	sor.u32 $0xD0000000, s2;
	s6 =	simm.s32 $0x108;
	_ =	swait.ge @!p0 [sflag:s8], $0x0  }
0x24: {  	s3 =	sadd.s32 $0x88, s3;
	s6 =	simm.s32 @!p1 $0x1082;
	[sflag:s4] =	ssyncset.s32 $0xFFFFF086  }
0x25: {  	[simem:s6], [sflag:s4] =	dma.local [hbm:s3], $0xF7A  }
0x26: {  	[smem:$0x3F96] =	sst s1;
	(tag) =	ssettag s2;
	_ =	strace s9  }
0x27: {  	s1 =	sld [smem:$0x3FA6]  }
0x28: {  	s2 =	sld [smem:$0x3FA7]  }
0x29: {  	s4 =	sld [smem:$0x3FA9]  }
0x2a: {  	p0 =	seq.s32 s5, $0x0;
	s5 =	sld [smem:$0x3FAA]  }
0x2b: {  	s6 =	sld [smem:$0x3FAB]  }
0x2c: {  	s7 =	sld [smem:$0x3FAC]  }
0x2d: {  	s3 =	simm.s32 $0x108;
	s8 =	sld [smem:$0x3FAD]  }
0x2e: {  	s3 =	simm.s32 @!p0 $0x1082;
	s9 =	sld [smem:$0x3FAE]  }
0x2f: {  	lr =	sadd.s32 s0, s3;
	s0 =	sld [smem:$0x3FA5]  }
0x30: {  	s3 =	sld [smem:$0x3FA8]  }
0x31: {  	[smem:$0x3FB1] =	sst s10  }
0x32: {  	s10 =	sld [smem:$0x3FAF];
	_ =	sdelay $0x3  }
0x33: {  	p0 =	seq.s32 s10, $0x1;
	s10 =	sld [smem:$0x3FB1];
	_ =	sdelay $0x3  }
0x34: {  	[smem:$0x3FB1] =	sst s10  }
0x35: {  	s10 =	sld [smem:$0x3FB0];
	_ =	sdelay $0x3  }
0x36: {  	p1 =	seq.s32 s10, $0x1;
	s10 =	sld [smem:$0x3FB1];
	_ =	sdelay $0x3  }
0x37: {  	[smem:$0x3FB1] =	sst s10  }
0x38: {  	s10 =	sld [smem:$0x3FB2]  }
0x39: {  	_ = 	snop;
	(pc) =	sbr.ind lr, $3  }
0x3a: {  	_ = 	snop  }
0x3b: {  	_ = 	snop  }
0x3c: {  	p2 =	seq.s32 s10, $0x1;
	s10 =	sld [smem:$0x3FB1]  }
0x3d: {  	_ =	shalt  }
0x3e: {  	_ =	shalt  }
0x3f: {  	_ =	shalt  }
0x40: {  	_ =	shalt  }
0x41: {  	_ =	shalt  }
0x42: {  	_ =	shalt  }
0x43: {  	_ =	shalt  }
0x44: {  	_ =	shalt  }
0x45: {  	_ =	shalt  }
0x46: {  	_ =	shalt  }
0x47: {  	_ =	shalt  }
0x48: {  	_ =	shalt  }
0x49: {  	_ =	shalt  }
0x4a: {  	_ =	shalt  }
0x4b: {  	_ =	shalt  }
0x4c: {  	_ =	shalt  }
0x4d: {  	_ =	shalt  }
0x4e: {  	_ =	shalt  }
0x4f: {  	_ =	shalt  }
0x50: {  	_ =	shalt  }
0x51: {  	_ =	shalt  }
0x52: {  	_ =	shalt  }
0x53: {  	_ =	shalt  }
0x54: {  	_ =	shalt  }
0x55: {  	_ =	shalt  }
0x56: {  	_ =	shalt  }
0x57: {  	_ =	shalt  }
0x58: {  	_ =	shalt  }
0x59: {  	_ =	shalt  }
0x5a: {  	_ =	shalt  }
0x5b: {  	_ =	shalt  }
0x5c: {  	_ =	shalt  }
0x5d: {  	_ =	shalt  }
0x5e: {  	_ =	shalt  }
0x5f: {  	_ =	shalt  }
0x60: {  	_ =	shalt  }
0x61: {  	_ =	shalt  }
0x62: {  	_ =	shalt  }
0x63: {  	_ =	shalt  }
0x64: {  	_ =	shalt  }
0x65: {  	_ =	shalt  }
0x66: {  	_ =	shalt  }
0x67: {  	_ =	shalt  }
0x68: {  	_ =	shalt  }
0x69: {  	_ =	shalt  }
0x6a: {  	_ =	shalt  }
0x6b: {  	_ =	shalt  }
0x6c: {  	_ =	shalt  }
0x6d: {  	_ =	shalt  }
0x6e: {  	_ =	shalt  }
0x6f: {  	_ =	shalt  }
0x70: {  	_ =	shalt  }
0x71: {  	_ =	shalt  }
0x72: {  	_ =	shalt  }
0x73: {  	_ =	shalt  }
0x74: {  	_ =	shalt  }
0x75: {  	_ =	shalt  }
0x76: {  	_ =	shalt  }
0x77: {  	_ =	shalt  }
0x78: {  	_ =	shalt  }
0x79: {  	_ =	shalt  }
0x7a: {  	_ =	shalt  }
0x7b: {  	_ =	shalt  }
0x7c: {  	_ =	shalt  }
0x7d: {  	_ =	shalt  }
0x7e: {  	_ =	shalt  }
0x7f: {  	_ =	shalt  }
0x80: {  	_ =	shalt  }
0x81: {  	_ =	shalt  }
0x82: {  	_ =	shalt  }
0x83: {  	_ =	shalt  }
0x84: {  	_ =	shalt  }
0x85: {  	_ =	shalt  }
0x86: {  	_ =	shalt  }
0x87: {  	_ =	shalt  }
.Lfunc_end0:
.L_simem_size_0:
called_computation_lowered:
.L_overlay_start_0:
0x88: {  	s2 =	sld [smem:$0x3FD9]  }
0x89: {  	s3 =	sld [smem:$0x3FFE];
	_ =	sdelay $0x1  }
0x8a: {  	s1 =	srdreg.scid  }
0x8b: {  	s0 =	sand.u32 $0x1, s1  }
0x8c: {  	s17 =	sshll.u32 s0, $0xA;
	s2 =	sadd.s32 s3, s2  }
0x8d: {  	s2 =	sadd.s32 s2, s17  }
0x8e: {  	[smem:$0x3FBD] =	sst s2  }
0x8f: {  	_ = 	snop  }
0x90: {  	s2 =	sld [smem:$0x3FD0];
	(tm) =	ssettm $0x1  }
0x91: {  	s18 =	sld [smem:$0x3FFB];
	_ =	sdelay $0x3  }
0x92: {  	_ =	strace s18  }
0x93: {  	s3 =	sld [smem:$0x3FFC];
	_ =	sdelay $0x3  }
0x94: {  	_ =	strace s3  }
0x95: {  	s3 =	sld [smem:$0x3FFD];
	_ =	sdelay $0x3  }
0x96: {  	_ =	strace s3  }
0x97: {  	_ =	strace $0x8FFFFFFF  }
0x98: {  	s19 =	sld [smem:$0x3FDB];
	_ =	sdelay $0x1  }
0x99: {  	s4 =	simm.s32 $_scs_section_size  }
0x9a: {  	s5 =	simm.s32 $_size__tile_overlayer_lowered;
	s6 =	simm.s32 $_tile_overlayer_lowered  }
0x9b: {  	s22 =	simm.s32 $0x1BFF;
	s21 =	sshll.u32 s6, $0x1;
	s3 =	sadd.s32 s4, s19  }
0x9c: {  	s7 =	simm.s32 $0x0;
	s20 =	sshll.u32 s5, $0x1;
	s5 =	sadd.s32 s21, s3  }
0x9d: {  	[timem:s7], [sflag:s22] =	dma.local [hbm:s5], s20  }
0x9e: {  	_ =	swait.ge [sflag:s22], s20  }
0x9f: {  	s4 =	ssub.s32 $0x0, s20;
	[sflag:s22] =	ssyncset.done $0x0  }
0xa0: {  	[sflag:s22] =	ssyncadd.s32 s4;
	_ =	sdelay $0x1  }
0xa1: {  	s23 =	simm.s32 $0x1B8B  }
0xa2: {  	_ =	swait.ge [sflag:s23], $0x1  }
0xa3: {  	[sflag:s23] =	ssyncset.done $0x0  }
0xa4: {  	s25 =	simm.s32 $0x1B8E;
	s24 =	sld [smem:$0x3FFE];
	[sflag:s23] =	ssyncadd.s32 $0xFFFFFFFF  }
0xa5: {  	s26 =	simm.s32 $execute0_lowered;
	[smem:$0x3FD2] =	sst s25  }
0xa6: {  	s5 =	sshll.u32 s26, $0x1;
	_ =	strace $0x80000046;
	[dreg:$0x1] =	wrdreg $0xFFFFFFFF  }
0xa7: {  	s28 =	simm.s32 $_size_execute0_lowered;
	s3 =	sadd.s32 s3, s5;
	[dreg:$0x0] =	wrdreg $0x0  }
0xa8: {  	s5 =	sshll.u32 s28, $0x1;
	[dreg:$0x2] =	wrdreg s3  }
0xa9: {  	[dreg:$0x3] =	wrdreg s5  }
0xaa: {  	[dreg:$0x4] =	wrdreg $0xC0  }
0xab: {  	_ =	task [dreg:s7], $0x5FFFF  }
0xac: {  	[dreg:$0x1] =	wrdreg $0xFFFFFFFF  }
0xad: {  	[dreg:$0x0] =	wrdreg $0x60  }
0xae: {  	[dreg:$0x2] =	wrdreg s24  }
0xaf: {  	[dreg:$0x3] =	wrdreg s2  }
0xb0: {  	[dreg:$0x4] =	wrdreg $0x90800  }
0xb1: {  	[dreg:$0x5] =	wrdreg $0x130800  }
0xb2: {  	[dreg:$0x6] =	wrdreg $0x9  }
0xb3: {  	_ =	task.clear_ibuf [dreg:s7], $0x7FFFF;
	_ =	strace $0x90000046  }
0xb4: {  	s29 =	simm.s32 $0x9;
	_ =	strace $0x80000048  }
0xb5: {  	_ =	swait.ge [sflag:s29], $0x1  }
0xb6: {  	[sflag:s29] =	ssyncadd.s32 $0xFFFFFFFF  }
0xb7: {  	_ =	strace $0x90000048  }
0xb8: {  	_ =	sfence  }
0xb9: {  	s30 =	sld [smem:$0x0];
	_ =	sdelay $0x2  }
0xba: {  	s31 =	sshll.u32 s1, $0xD;
	s1 =	sshrl.u32 s1, $0x2  }
0xbb: {  	s3 =	sand.u32 $0x4000, s31;
	s1 =	sadd.s32 s1, s30  }
0xbc: {  	s0 =	sor.u32 s3, s0;
	s1 =	sshll.u32 s1, $0x11  }
0xbd: {  	s0 =	sor.u32 s1, s0  }
0xbe: {  	s0 =	sadd.s32 $0x8F2B, s0  }
0xbf: {  	[sflag:s0] =	ssyncadd.remote.s32 $0x1  }
0xc0: {  	_ =	sfence.sel $0xFFFF  }
0xc1: {  	[dreg:$0x0] =	wrdreg $0xFFFFFFFF;
	(pc) =	sbr.abs _section_cstart, $3  }
0xc2: {  	[dreg:$0x1] =	wrdreg $0xFFFFFFFF  }
0xc3: {  	_ =	task.clear_ibuf [dreg:s7], $0x2FFFF;
	_ =	strace $0x9FFFFFFF  }
0xc4: {  	(tm) =	ssettm $0x7FFFFFFF  }
0xc5: {  	_ =	shalt  }
tec
execute0_lowered:
.L_overlay_start_1:
0x0: {  	(tag) =	ssettag $0x1  }
0x1: {  	s0 =	rddreg [dreg:$0x0]  }
0x2: {  	s8 =	rddreg [dreg:$0x1]  }
0x3: {  	s2 =	rddreg [dreg:$0x2]  }
0x4: {  	s3 =	rddreg [dreg:$0x3];
	s1 =	stileid.u32  }
0x5: {  	s5 =	srdreg.scid;
	s4 =	simm.s32 $0x0;
	s16 =	simm.s32 $0x3  }
0x6: {  	s18 =	simm.s32 $0x2800;
	s19 =	simm.s32 $0x80;
	s20 =	simm.s32 $0x5080  }
0x7: {  	s21 =	simm.s32 $0x7080;
	s22 =	simm.s32 $0x1;
	s23 =	simm.s32 $0x1D080  }
0x8: {  	s24 =	simm.s32 $0x5000;
	s25 =	simm.s32 $0x2;
	s28 =	simm.s32 $0x0  }
0x9: {  	s9 =	smul.u32 $0xA000, s1;
	s5 =	sand.u32 $0x1, s5;
	[smem:$0x7FF] =	sst s4  }
0xa: {  	s10 =	sshll.u32 s1, $0x1;
	s31 =	sshll.u32 s1, $0x6;
	s6 =	smul.u32 $0xA0000, s5  }
0xb: {  	_ =	strace $0x80000047;
	s26 =	sor.u32 s5, s10;
	s29 =	ssub.s32 $0x2, s5  }
0xc: {  	s5 =	sadd.s32 $0x35800, s0;
	s7 =	sshrl.u32 s9, $0x3;
	s10 =	smul.u32 $0x500, s26  }
0xd: {  	s30 =	sshrl.u32 s29, $0x1;
	s15 =	sadd.s32 s9, s2;
	s17 =	sadd.s32 s9, s3  }
0xe: {  	s26 =	simm.s32 $0x2780;
	s11 =	sadd.s32 s7, s0;
	s6 =	sadd.s32 s9, s6  }
0xf: {  	s14 =	ssub.s32 s29, s30;
	s7 =	sor.u32 $0x1C03, s31;
	s15 =	sshrl.u32 s15, $0x3  }
0x10: {  	s17 =	sshrl.u32 s17, $0x3;
	s6 =	sshrl.u32 s6, $0x3;
	s8 =	sadd.s32 s8, s10  }
0x11: {  	s14 =	smax.u32 s14, $0x1;
	s12 =	sadd.s32 s6, s0;
	s0 =	sadd.s32 s10, s0  }
0x12: {  	s6 =	sadd.s32 $0x17800, s11;
	s11 =	sadd.s32 $0x3800, s11;
	s9 =	sadd.s32 $0x2B800, s0  }
0x13: {  	v0 =	vimm.f32 $0.0e+00;
	v1 =	vimm.f32 $1.000000000e+00;
	s10 =	sadd.s32 $0x68C00, s12;
	s12 =	sadd.s32 $0x40C00, s12;
	s13 =	sadd.s32 $0x36C00, s0  }
.LBB2_1:
0x14: {  	[spmem:s15], [sflag:s7] =	dma.local [hbm:s6], $0x1400  }
0x15: {  	_ =	swait.ge [sflag:s16], $0x1400  }
0x16: {  	[sflag:s16] =	ssyncset.done $0x0  }
0x17: {  	[sflag:s16] =	ssyncadd.s32 $0xFFFFEC00  }
0x18: {  	[spmem:s17], [sflag:s7] =	dma.local [hbm:s5], $0x1400  }
0x19: {  	_ =	swait.ge [sflag:s16], $0x1400  }
0x1a: {  	[sflag:s16] =	ssyncset.done $0x0  }
0x1b: {  	[sflag:s16] =	ssyncadd.s32 $0xFFFFEC00  }
0x1c: {  	[tilespmem:s4], [sflag:$0x3] =	stream.linear.gather [hbm4b:s8+s4], $0x2800, $0x38;
	[tilespmem:$0x1F880] =	vst v63  }
0x1d: {  	_ =	swait.ge [sflag:s16], $0x2800  }
0x1e: {  	[sflag:s16] =	ssyncset.done $0x0  }
0x1f: {  	[sflag:s16] =	ssyncadd.s32 $0xFFFFD800  }
0x20: {  	[tilespmem:s18], [sflag:$0x3] =	stream.linear.gather [hbm4b:s9+s4], $0x2800, $0x38;
	[tilespmem:$0x1F880] =	vst v63  }
0x21: {  	_ =	swait.ge [sflag:s16], $0x2800  }
0x22: {  	[sflag:s16] =	ssyncset.done $0x0  }
0x23: {  	s29 =	simm.s32 $0x40;
	s0 =	simm.s32 $0x0;
	[sflag:s16] =	ssyncadd.s32 $0xFFFFD800  }
.LBB2_2:
0x24: {  	p0 =	sne.s32 s29, $0x9FC0;
	[tilespmem:s0+$0x1D080] =	vst v0;
	s0 =	smov.u32 s29;
	s29 =	sadd.s32 $0x40, s29  }
.Ltmp0:
0x25: {  	(pc) =	sbr.rel @p0 .LBB2_2-.Ltmp0, $2  }
0x26: {  	_ =	sdelay $0x2  }
0x27: {  	s0 =	sshra.s32 s0, $0x2  }
0x28: {  	[tilespmem:s0+$0x1D080] =	vst v0  }
0x29: {  	s29 =	simm.s32 $0x0;
	[bflag:$0x0] =	sbarrier.arrive $0xFFFF  }
0x2a: {  	[tilespmem:s20], [sflag:$0x1] =	stream.indirect.gather [spmem:s2], $0x40, s29, s19, $0xb8;
	[tilespmem:$0x1F880] =	vst v63  }
.LBB2_4:
0x2b: {  	s30 =	sshra.s32 s29, $0x2  }
0x2c: {  	s0 =	sadd.s32 $0x80, s30  }
0x2d: {  	[tilespmem:s21], [sflag:$0x2] =	stream.indirect.gather [spmem:s2], $0x40, s0, s19, $0xb8;
	[tilespmem:$0x1F880] =	vst v63  }
0x2e: {  	_ =	swait.ge [sflag:s22], $0x2000  }
0x2f: {  	[sflag:s22] =	ssyncset.done $0x0  }
0x30: {  	[sflag:s22] =	ssyncadd.s32 $0xFFFFE000  }
0x31: {  	v2 =	vld [tilespmem:s30+$0x2800];
	_ =	sdelay $0x6  }
0x32: {  	[tilespmem:$0x5000] =	vst v2  }
0x33: {  	[tilespmem:v2+s23+$0x0] =	vst.idx.add.f32.msk $0xffff, v1  }
0x34: {  	v2 =	vld [tilespmem:s30+$0x2810];
	_ =	sdelay $0x6  }
0x35: {  	[tilespmem:$0x5010] =	vst v2  }
0x36: {  	[tilespmem:v2+s23+$0x0] =	vst.idx.add.f32.msk $0xffff, v1  }
0x37: {  	v2 =	vld [tilespmem:s30+$0x2820];
	_ =	sdelay $0x6  }
0x38: {  	[tilespmem:$0x5020] =	vst v2  }
0x39: {  	[tilespmem:v2+s23+$0x0] =	vst.idx.add.f32.msk $0xffff, v1  }
0x3a: {  	v2 =	vld [tilespmem:s30+$0x2830];
	_ =	sdelay $0x6  }
0x3b: {  	[tilespmem:$0x5030] =	vst v2  }
0x3c: {  	[tilespmem:v2+s23+$0x0] =	vst.idx.add.f32.msk $0xffff, v1  }
0x3d: {  	v2 =	vld [tilespmem:s30+$0x2840];
	_ =	sdelay $0x6  }
0x3e: {  	[tilespmem:$0x5040] =	vst v2  }
0x3f: {  	[tilespmem:v2+s23+$0x0] =	vst.idx.add.f32.msk $0xffff, v1  }
0x40: {  	v2 =	vld [tilespmem:s30+$0x2850];
	_ =	sdelay $0x6  }
0x41: {  	[tilespmem:$0x5050] =	vst v2  }
0x42: {  	[tilespmem:v2+s23+$0x0] =	vst.idx.add.f32.msk $0xffff, v1  }
0x43: {  	v2 =	vld [tilespmem:s30+$0x2860];
	_ =	sdelay $0x6  }
0x44: {  	[tilespmem:$0x5060] =	vst v2  }
0x45: {  	[tilespmem:v2+s23+$0x0] =	vst.idx.add.f32.msk $0xffff, v1  }
0x46: {  	v2 =	vld [tilespmem:s30+$0x2870];
	_ =	sdelay $0x6  }
0x47: {  	[tilespmem:$0x5070] =	vst v2  }
0x48: {  	[tilespmem:v2+s23+$0x0] =	vst.idx.add.f32.msk $0xffff, v1  }
0x49: {  	[spmem:s3] =	stream.indirect.scatter.add.f32 [tilespmem:s20], [sflag:$0x3], $0x40, s24, s19, $0xb8;
	[tilespmem:$0x1F880] =	vst v63  }
0x4a: {  	p0 =	seq.s32 s29, $0x9C00;
	_ =	swait.ge [sflag:s16], $0x2000  }
0x4b: {  	s31 =	simm.s32 @!p0 $0x80;
	s0 =	sshra.s32 @!p0 s29, $0x2;
	[sflag:s16] =	ssyncset.done $0x0  }
0x4c: {  	s1 =	simm.s32 @!p0 $0x5080;
	s0 =	sadd.s32 @!p0 $0x100, s0;
	[sflag:s16] =	ssyncadd.s32 $0xFFFFE000  }
0x4d: {  	[tilespmem:s1], [sflag:$0x1] =	stream.indirect.gather @!p0 [spmem:s2], $0x40, s0, s31, $0xb8;
	[tilespmem:$0x1F880] =	vst v63  }
0x4e: {  	_ =	swait.ge [sflag:s25], $0x2000  }
0x4f: {  	[sflag:s25] =	ssyncset.done $0x0  }
0x50: {  	[sflag:s25] =	ssyncadd.s32 $0xFFFFE000  }
0x51: {  	v2 =	vld [tilespmem:s30+$0x2880];
	_ =	sdelay $0x6  }
0x52: {  	[tilespmem:$0x5000] =	vst v2  }
0x53: {  	[tilespmem:v2+s23+$0x0] =	vst.idx.add.f32.msk $0xffff, v1  }
0x54: {  	v2 =	vld [tilespmem:s30+$0x2890];
	_ =	sdelay $0x6  }
0x55: {  	[tilespmem:$0x5010] =	vst v2  }
0x56: {  	[tilespmem:v2+s23+$0x0] =	vst.idx.add.f32.msk $0xffff, v1  }
0x57: {  	v2 =	vld [tilespmem:s30+$0x28A0];
	_ =	sdelay $0x6  }
0x58: {  	[tilespmem:$0x5020] =	vst v2  }
0x59: {  	[tilespmem:v2+s23+$0x0] =	vst.idx.add.f32.msk $0xffff, v1  }
0x5a: {  	v2 =	vld [tilespmem:s30+$0x28B0];
	_ =	sdelay $0x6  }
0x5b: {  	[tilespmem:$0x5030] =	vst v2  }
0x5c: {  	[tilespmem:v2+s23+$0x0] =	vst.idx.add.f32.msk $0xffff, v1  }
0x5d: {  	v2 =	vld [tilespmem:s30+$0x28C0];
	_ =	sdelay $0x6  }
0x5e: {  	[tilespmem:$0x5040] =	vst v2  }
0x5f: {  	[tilespmem:v2+s23+$0x0] =	vst.idx.add.f32.msk $0xffff, v1  }
0x60: {  	v2 =	vld [tilespmem:s30+$0x28D0];
	_ =	sdelay $0x6  }
0x61: {  	[tilespmem:$0x5050] =	vst v2  }
0x62: {  	[tilespmem:v2+s23+$0x0] =	vst.idx.add.f32.msk $0xffff, v1  }
0x63: {  	v2 =	vld [tilespmem:s30+$0x28E0];
	_ =	sdelay $0x6  }
0x64: {  	[tilespmem:$0x5060] =	vst v2  }
0x65: {  	[tilespmem:v2+s23+$0x0] =	vst.idx.add.f32.msk $0xffff, v1  }
0x66: {  	v2 =	vld [tilespmem:s30+$0x28F0];
	_ =	sdelay $0x5  }
0x67: {  	s29 =	sadd.s32 $0x400, s29  }
0x68: {  	p0 =	sne.s32 s29, $0xA000;
	[tilespmem:$0x5070] =	vst v2  }
.Ltmp1:
0x69: {  	[tilespmem:v2+s23+$0x0] =	vst.idx.add.f32.msk $0xffff, v1;
	(pc) =	sbr.rel @p0 .LBB2_4-.Ltmp1, $4  }
0x6a: {  	[spmem:s3] =	stream.indirect.scatter.add.f32 [tilespmem:s21], [sflag:$0x3], $0x40, s24, s19, $0xb8;
	[tilespmem:$0x1F880] =	vst v63  }
0x6b: {  	_ =	swait.ge [sflag:s16], $0x2000  }
0x6c: {  	[sflag:s16] =	ssyncset.done $0x0  }
0x6d: {  	[sflag:s16] =	ssyncadd.s32 $0xFFFFE000  }
0x6e: {  	[bflag:$0x0] =	sbarrier.arrive $0xFFFF  }
0x6f: {  	[hbm:s10], [sflag:s7] =	dma.local [spmem:s17], $0x1400  }
0x70: {  	_ =	swait.ge [sflag:s16], $0x1400  }
0x71: {  	[sflag:s16] =	ssyncset.done $0x0  }
0x72: {  	[sflag:s16] =	ssyncadd.s32 $0xFFFFEC00  }
0x73: {  	[spmem:s15], [sflag:s7] =	dma.local [hbm:s11], $0x1400  }
0x74: {  	_ =	swait.ge [sflag:s16], $0x1400  }
0x75: {  	[sflag:s16] =	ssyncset.done $0x0  }
0x76: {  	[sflag:s16] =	ssyncadd.s32 $0xFFFFEC00  }
0x77: {  	[spmem:s17], [sflag:s7] =	dma.local [hbm:s5], $0x1400  }
0x78: {  	_ =	swait.ge [sflag:s16], $0x1400  }
0x79: {  	[sflag:s16] =	ssyncset.done $0x0  }
0x7a: {  	[sflag:s16] =	ssyncadd.s32 $0xFFFFEC00  }
0x7b: {  	s0 =	simm.s32 $0x0;
	[bflag:$0x0] =	sbarrier.arrive $0xFFFF  }
0x7c: {  	[tilespmem:s20], [sflag:$0x1] =	stream.indirect.gather [spmem:s2], $0x40, s0, s19, $0xb8;
	[tilespmem:$0x1F880] =	vst v63  }
0x7d: {  	s1 =	simm.s32 $0x80  }
0x7e: {  	[tilespmem:s21], [sflag:$0x2] =	stream.indirect.gather [spmem:s2], $0x40, s1, s19, $0xb8;
	[tilespmem:$0x1F880] =	vst v63  }
0x7f: {  	_ =	swait.ge [sflag:s22], $0x2000  }
0x80: {  	[sflag:s22] =	ssyncset.done $0x0  }
0x81: {  	s31 =	simm.s32 $0x0;
	[sflag:s22] =	ssyncadd.s32 $0xFFFFE000  }
0x82: {  	v2 =	vld [tilespmem:s31+$0x2800];
	_ =	sdelay $0x4  }
0x83: {  	[tilespmem:$0x5000] =	vst v2  }
0x84: {  	v2 =	vld [tilespmem:s31+$0x2810];
	_ =	sdelay $0x4  }
0x85: {  	[tilespmem:$0x5010] =	vst v2  }
0x86: {  	v2 =	vld [tilespmem:s31+$0x2820];
	_ =	sdelay $0x4  }
0x87: {  	[tilespmem:$0x5020] =	vst v2  }
0x88: {  	v2 =	vld [tilespmem:s31+$0x2830];
	_ =	sdelay $0x4  }
0x89: {  	[tilespmem:$0x5030] =	vst v2  }
0x8a: {  	v2 =	vld [tilespmem:s31+$0x2840];
	_ =	sdelay $0x4  }
0x8b: {  	[tilespmem:$0x5040] =	vst v2  }
0x8c: {  	v2 =	vld [tilespmem:s31+$0x2850];
	_ =	sdelay $0x4  }
0x8d: {  	[tilespmem:$0x5050] =	vst v2  }
0x8e: {  	v2 =	vld [tilespmem:s31+$0x2860];
	_ =	sdelay $0x4  }
0x8f: {  	[tilespmem:$0x5060] =	vst v2  }
0x90: {  	v2 =	vld [tilespmem:s31+$0x2870];
	_ =	sdelay $0x4  }
0x91: {  	[tilespmem:$0x5070] =	vst v2  }
0x92: {  	[spmem:s3] =	stream.indirect.scatter.add.f32 [tilespmem:s20], [sflag:$0x3], $0x40, s24, s19, $0xb8;
	[tilespmem:$0x1F880] =	vst v63  }
0x93: {  	_ =	swait.ge [sflag:s16], $0x2000  }
0x94: {  	[sflag:s16] =	ssyncset.done $0x0  }
0x95: {  	s1 =	simm.s32 $0x100;
	[sflag:s16] =	ssyncadd.s32 $0xFFFFE000  }
0x96: {  	[tilespmem:s20], [sflag:$0x1] =	stream.indirect.gather [spmem:s2], $0x40, s1, s19, $0xb8;
	[tilespmem:$0x1F880] =	vst v63  }
0x97: {  	_ =	swait.ge [sflag:s25], $0x2000  }
0x98: {  	[sflag:s25] =	ssyncset.done $0x0  }
0x99: {  	[sflag:s25] =	ssyncadd.s32 $0xFFFFE000  }
0x9a: {  	v2 =	vld [tilespmem:s31+$0x2880];
	_ =	sdelay $0x4  }
0x9b: {  	[tilespmem:$0x5000] =	vst v2  }
0x9c: {  	v2 =	vld [tilespmem:s31+$0x2890];
	_ =	sdelay $0x4  }
0x9d: {  	[tilespmem:$0x5010] =	vst v2  }
0x9e: {  	v2 =	vld [tilespmem:s31+$0x28A0];
	_ =	sdelay $0x4  }
0x9f: {  	[tilespmem:$0x5020] =	vst v2  }
0xa0: {  	v2 =	vld [tilespmem:s31+$0x28B0];
	_ =	sdelay $0x4  }
0xa1: {  	[tilespmem:$0x5030] =	vst v2  }
0xa2: {  	v2 =	vld [tilespmem:s31+$0x28C0];
	_ =	sdelay $0x4  }
0xa3: {  	[tilespmem:$0x5040] =	vst v2  }
0xa4: {  	v2 =	vld [tilespmem:s31+$0x28D0];
	_ =	sdelay $0x4  }
0xa5: {  	[tilespmem:$0x5050] =	vst v2  }
0xa6: {  	v2 =	vld [tilespmem:s31+$0x28E0];
	_ =	sdelay $0x4  }
0xa7: {  	[tilespmem:$0x5060] =	vst v2  }
0xa8: {  	v2 =	vld [tilespmem:s31+$0x28F0];
	_ =	sdelay $0x4  }
0xa9: {  	[tilespmem:$0x5070] =	vst v2  }
0xaa: {  	[spmem:s3] =	stream.indirect.scatter.add.f32 [tilespmem:s21], [sflag:$0x3], $0x40, s24, s19, $0xb8;
	[tilespmem:$0x1F880] =	vst v63  }
0xab: {  	_ =	swait.ge [sflag:s16], $0x2000  }
0xac: {  	s30 =	simm.s32 $0x800;
	s29 =	simm.s32 $0x100;
	[sflag:s16] =	ssyncset.done $0x0  }
.LBB2_6:
0xad: {  	s1 =	sadd.s32 $0x80, s29  }
0xae: {  	[sflag:s16] =	ssyncadd.s32 $0xFFFFE000;
	s31 =	smov.u32 s30;
	s0 =	sadd.s32 $0x400, s30  }
0xaf: {  	[tilespmem:s21], [sflag:$0x2] =	stream.indirect.gather [spmem:s2], $0x40, s1, s19, $0xb8;
	[tilespmem:$0x1F880] =	vst v63  }
0xb0: {  	p0 =	sne.s32 s30, $0x9800;
	_ =	swait.ge [sflag:s22], $0x2000  }
0xb1: {  	[sflag:s22] =	ssyncset.done $0x0  }
0xb2: {  	[sflag:s22] =	ssyncadd.s32 $0xFFFFE000  }
0xb3: {  	v2 =	vld [tilespmem:s29+$0x2800];
	_ =	sdelay $0x4  }
0xb4: {  	[tilespmem:$0x5000] =	vst v2  }
0xb5: {  	v2 =	vld [tilespmem:s29+$0x2810];
	_ =	sdelay $0x4  }
0xb6: {  	[tilespmem:$0x5010] =	vst v2  }
0xb7: {  	v2 =	vld [tilespmem:s29+$0x2820];
	_ =	sdelay $0x4  }
0xb8: {  	[tilespmem:$0x5020] =	vst v2  }
0xb9: {  	v2 =	vld [tilespmem:s29+$0x2830];
	_ =	sdelay $0x4  }
0xba: {  	[tilespmem:$0x5030] =	vst v2  }
0xbb: {  	v2 =	vld [tilespmem:s29+$0x2840];
	_ =	sdelay $0x4  }
0xbc: {  	[tilespmem:$0x5040] =	vst v2  }
0xbd: {  	v2 =	vld [tilespmem:s29+$0x2850];
	_ =	sdelay $0x4  }
0xbe: {  	[tilespmem:$0x5050] =	vst v2  }
0xbf: {  	v2 =	vld [tilespmem:s29+$0x2860];
	_ =	sdelay $0x4  }
0xc0: {  	[tilespmem:$0x5060] =	vst v2  }
0xc1: {  	v2 =	vld [tilespmem:s29+$0x2870];
	_ =	sdelay $0x4  }
0xc2: {  	[tilespmem:$0x5070] =	vst v2  }
0xc3: {  	[spmem:s3] =	stream.indirect.scatter.add.f32 [tilespmem:s20], [sflag:$0x3], $0x40, s24, s19, $0xb8;
	[tilespmem:$0x1F880] =	vst v63  }
0xc4: {  	_ =	swait.ge [sflag:s16], $0x2000  }
0xc5: {  	[sflag:s16] =	ssyncset.done $0x0  }
0xc6: {  	s1 =	sadd.s32 $0x100, s29;
	[sflag:s16] =	ssyncadd.s32 $0xFFFFE000  }
0xc7: {  	[tilespmem:s20], [sflag:$0x1] =	stream.indirect.gather [spmem:s2], $0x40, s1, s19, $0xb8;
	[tilespmem:$0x1F880] =	vst v63  }
0xc8: {  	_ =	swait.ge [sflag:s25], $0x2000  }
0xc9: {  	[sflag:s25] =	ssyncset.done $0x0  }
0xca: {  	[sflag:s25] =	ssyncadd.s32 $0xFFFFE000  }
0xcb: {  	v2 =	vld [tilespmem:s29+$0x2880];
	_ =	sdelay $0x4  }
0xcc: {  	[tilespmem:$0x5000] =	vst v2  }
0xcd: {  	v2 =	vld [tilespmem:s29+$0x2890];
	_ =	sdelay $0x4  }
0xce: {  	[tilespmem:$0x5010] =	vst v2  }
0xcf: {  	v2 =	vld [tilespmem:s29+$0x28A0];
	_ =	sdelay $0x4  }
0xd0: {  	[tilespmem:$0x5020] =	vst v2  }
0xd1: {  	v2 =	vld [tilespmem:s29+$0x28B0];
	_ =	sdelay $0x4  }
0xd2: {  	[tilespmem:$0x5030] =	vst v2  }
0xd3: {  	v2 =	vld [tilespmem:s29+$0x28C0];
	_ =	sdelay $0x4  }
0xd4: {  	[tilespmem:$0x5040] =	vst v2  }
0xd5: {  	v2 =	vld [tilespmem:s29+$0x28D0];
	_ =	sdelay $0x4  }
0xd6: {  	[tilespmem:$0x5050] =	vst v2  }
0xd7: {  	v2 =	vld [tilespmem:s29+$0x28E0];
	_ =	sdelay $0x4  }
0xd8: {  	[tilespmem:$0x5060] =	vst v2  }
0xd9: {  	v2 =	vld [tilespmem:s29+$0x28F0];
	_ =	sdelay $0x3  }
.Ltmp2:
0xda: {  	(pc) =	sbr.rel @p0 .LBB2_6-.Ltmp2, $4  }
0xdb: {  	[tilespmem:$0x5070] =	vst v2  }
0xdc: {  	[spmem:s3] =	stream.indirect.scatter.add.f32 [tilespmem:s21], [sflag:$0x3], $0x40, s24, s19, $0xb8;
	[tilespmem:$0x1F880] =	vst v63  }
0xdd: {  	_ =	swait.ge [sflag:s16], $0x2000  }
0xde: {  	s30 =	smov.u32 s0;
	s29 =	sshra.s32 s31, $0x2;
	[sflag:s16] =	ssyncset.done $0x0  }
0xdf: {  	s0 =	sadd.s32 $0x80, s29;
	[sflag:s16] =	ssyncadd.s32 $0xFFFFE000  }
0xe0: {  	[tilespmem:s21], [sflag:$0x2] =	stream.indirect.gather [spmem:s2], $0x40, s0, s19, $0xb8;
	[tilespmem:$0x1F880] =	vst v63  }
0xe1: {  	_ =	swait.ge [sflag:s22], $0x2000  }
0xe2: {  	[sflag:s22] =	ssyncset.done $0x0  }
0xe3: {  	[sflag:s22] =	ssyncadd.s32 $0xFFFFE000  }
0xe4: {  	v2 =	vld [tilespmem:s29+$0x2800];
	_ =	sdelay $0x4  }
0xe5: {  	[tilespmem:$0x5000] =	vst v2  }
0xe6: {  	v2 =	vld [tilespmem:s29+$0x2810];
	_ =	sdelay $0x4  }
0xe7: {  	[tilespmem:$0x5010] =	vst v2  }
0xe8: {  	v2 =	vld [tilespmem:s29+$0x2820];
	_ =	sdelay $0x4  }
0xe9: {  	[tilespmem:$0x5020] =	vst v2  }
0xea: {  	v2 =	vld [tilespmem:s29+$0x2830];
	_ =	sdelay $0x4  }
0xeb: {  	[tilespmem:$0x5030] =	vst v2  }
0xec: {  	v2 =	vld [tilespmem:s29+$0x2840];
	_ =	sdelay $0x4  }
0xed: {  	[tilespmem:$0x5040] =	vst v2  }
0xee: {  	v2 =	vld [tilespmem:s29+$0x2850];
	_ =	sdelay $0x4  }
0xef: {  	[tilespmem:$0x5050] =	vst v2  }
0xf0: {  	v2 =	vld [tilespmem:s29+$0x2860];
	_ =	sdelay $0x4  }
0xf1: {  	[tilespmem:$0x5060] =	vst v2  }
0xf2: {  	v2 =	vld [tilespmem:s29+$0x2870];
	_ =	sdelay $0x4  }
0xf3: {  	[tilespmem:$0x5070] =	vst v2  }
0xf4: {  	[spmem:s3] =	stream.indirect.scatter.add.f32 [tilespmem:s20], [sflag:$0x3], $0x40, s24, s19, $0xb8;
	[tilespmem:$0x1F880] =	vst v63  }
0xf5: {  	_ =	swait.ge [sflag:s16], $0x2000  }
0xf6: {  	[sflag:s16] =	ssyncset.done $0x0  }
0xf7: {  	s31 =	sadd.s32 $0x100, s29;
	[sflag:s16] =	ssyncadd.s32 $0xFFFFE000  }
0xf8: {  	[tilespmem:s20], [sflag:$0x1] =	stream.indirect.gather [spmem:s2], $0x40, s31, s19, $0xb8;
	[tilespmem:$0x1F880] =	vst v63  }
0xf9: {  	_ =	swait.ge [sflag:s25], $0x2000  }
0xfa: {  	[sflag:s25] =	ssyncset.done $0x0  }
0xfb: {  	[sflag:s25] =	ssyncadd.s32 $0xFFFFE000  }
0xfc: {  	v2 =	vld [tilespmem:s29+$0x2880];
	_ =	sdelay $0x4  }
0xfd: {  	[tilespmem:$0x5000] =	vst v2  }
0xfe: {  	v2 =	vld [tilespmem:s29+$0x2890];
	_ =	sdelay $0x4  }
0xff: {  	[tilespmem:$0x5010] =	vst v2  }
0x100: {  	v2 =	vld [tilespmem:s29+$0x28A0];
	_ =	sdelay $0x4  }
0x101: {  	[tilespmem:$0x5020] =	vst v2  }
0x102: {  	v2 =	vld [tilespmem:s29+$0x28B0];
	_ =	sdelay $0x4  }
0x103: {  	[tilespmem:$0x5030] =	vst v2  }
0x104: {  	v2 =	vld [tilespmem:s29+$0x28C0];
	_ =	sdelay $0x4  }
0x105: {  	[tilespmem:$0x5040] =	vst v2  }
0x106: {  	v2 =	vld [tilespmem:s29+$0x28D0];
	_ =	sdelay $0x4  }
0x107: {  	[tilespmem:$0x5050] =	vst v2  }
0x108: {  	v2 =	vld [tilespmem:s29+$0x28E0];
	_ =	sdelay $0x4  }
0x109: {  	[tilespmem:$0x5060] =	vst v2  }
0x10a: {  	v2 =	vld [tilespmem:s29+$0x28F0];
	_ =	sdelay $0x4  }
0x10b: {  	[tilespmem:$0x5070] =	vst v2  }
0x10c: {  	[spmem:s3] =	stream.indirect.scatter.add.f32 [tilespmem:s21], [sflag:$0x3], $0x40, s24, s19, $0xb8;
	[tilespmem:$0x1F880] =	vst v63  }
0x10d: {  	_ =	swait.ge [sflag:s16], $0x2000  }
0x10e: {  	[sflag:s16] =	ssyncset.done $0x0  }
0x10f: {  	[sflag:s16] =	ssyncadd.s32 $0xFFFFE000  }
0x110: {  	[tilespmem:s21], [sflag:$0x2] =	stream.indirect.gather [spmem:s2], $0x40, s26, s19, $0xb8;
	[tilespmem:$0x1F880] =	vst v63  }
0x111: {  	_ =	swait.ge [sflag:s22], $0x2000  }
0x112: {  	[sflag:s22] =	ssyncset.done $0x0  }
0x113: {  	[sflag:s22] =	ssyncadd.s32 $0xFFFFE000  }
0x114: {  	v2 =	vld [tilespmem:$0x4F00]  }
0x115: {  	v3 =	vld [tilespmem:$0x4F10]  }
0x116: {  	v4 =	vld [tilespmem:$0x4F20]  }
0x117: {  	v5 =	vld [tilespmem:$0x4F30]  }
0x118: {  	v6 =	vld [tilespmem:$0x4F40]  }
0x119: {  	v59 =	vld [tilespmem:$0x4F70];
	[tilespmem:$0x5000] =	vst v2  }
0x11a: {  	v2 =	vld [tilespmem:$0x4F50];
	[tilespmem:$0x5010] =	vst v3  }
0x11b: {  	v3 =	vld [tilespmem:$0x4F60];
	[tilespmem:$0x5020] =	vst v4  }
0x11c: {  	[tilespmem:$0x5030] =	vst v5  }
0x11d: {  	[tilespmem:$0x5040] =	vst v6  }
0x11e: {  	[tilespmem:$0x5070] =	vst v59  }
0x11f: {  	[tilespmem:$0x5050] =	vst v2  }
0x120: {  	[tilespmem:$0x5060] =	vst v3  }
0x121: {  	[spmem:s3] =	stream.indirect.scatter.add.f32 [tilespmem:s20], [sflag:$0x3], $0x40, s24, s19, $0xb8;
	[tilespmem:$0x1F880] =	vst v63  }
0x122: {  	_ =	swait.ge [sflag:s16], $0x2000  }
0x123: {  	[sflag:s16] =	ssyncset.done $0x0  }
0x124: {  	[sflag:s16] =	ssyncadd.s32 $0xFFFFE000  }
0x125: {  	_ =	swait.ge [sflag:s25], $0x2000  }
0x126: {  	[sflag:s25] =	ssyncset.done $0x0  }
0x127: {  	[sflag:s25] =	ssyncadd.s32 $0xFFFFE000  }
0x128: {  	v2 =	vld [tilespmem:$0x4F80]  }
0x129: {  	v3 =	vld [tilespmem:$0x4F90]  }
0x12a: {  	v60 =	vld [tilespmem:$0x4FA0]  }
0x12b: {  	v61 =	vld [tilespmem:$0x4FB0]  }
0x12c: {  	v62 =	vld [tilespmem:$0x4FC0]  }
0x12d: {  	v63 =	vld [tilespmem:$0x4FF0];
	[tilespmem:$0x5000] =	vst v2  }
0x12e: {  	v2 =	vld [tilespmem:$0x4FD0];
	[tilespmem:$0x5010] =	vst v3  }
0x12f: {  	v3 =	vld [tilespmem:$0x4FE0];
	[tilespmem:$0x5020] =	vst v60  }
0x130: {  	[tilespmem:$0x5030] =	vst v61  }
0x131: {  	[tilespmem:$0x5040] =	vst v62  }
0x132: {  	[tilespmem:$0x5070] =	vst v63  }
0x133: {  	[tilespmem:$0x5050] =	vst v2  }
0x134: {  	[tilespmem:$0x5060] =	vst v3  }
0x135: {  	[spmem:s3] =	stream.indirect.scatter.add.f32 [tilespmem:s21], [sflag:$0x3], $0x40, s24, s19, $0xb8;
	[tilespmem:$0x1F880] =	vst v63  }
0x136: {  	_ =	swait.ge [sflag:s16], $0x2000  }
0x137: {  	[sflag:s16] =	ssyncset.done $0x0  }
0x138: {  	[sflag:s16] =	ssyncadd.s32 $0xFFFFE000  }
0x139: {  	[bflag:$0x0] =	sbarrier.arrive $0xFFFF  }
0x13a: {  	[hbm:s12], [sflag:s7] =	dma.local [spmem:s17], $0x1400  }
0x13b: {  	s28 =	sadd.s32 $0x1, s28;
	_ =	swait.ge [sflag:s16], $0x1400  }
0x13c: {  	p0 =	sne.s32 s28, s14;
	[sflag:s16] =	ssyncset.done $0x0  }
.Ltmp3:
0x13d: {  	[sflag:s16] =	ssyncadd.s32 $0xFFFFEC00;
	(pc) =	sbr.rel @p0 .LBB2_1-.Ltmp3, $4  }
0x13e: {  	[hbm4b:s13+s4] =	stream.linear.scatter [tilespmem:s23], [sflag:$0x3], $0x2800, $0x38;
	[tilespmem:$0x1F880] =	vst v63  }
0x13f: {  	_ =	swait.ge [sflag:s16], $0x2800  }
0x140: {  	[sflag:s16] =	ssyncset.done $0x0  }
0x141: {  	[sflag:s16] =	ssyncadd.s32 $0xFFFFD800  }
0x142: {  	_ =	sfence.sel $0x180000  }
0x143: {  	[bflag:$0x0] =	sbarrier.arrive $0xFFFF  }
0x144: {  	_ =	strace $0x90000047  }
0x145: {  	s0 =	stileid.u32;
	[bflag:$0x2] =	sbarrier.arrive $0xFFFF  }
0x146: {  	p0 =	sne.s32 s0, $0x0;
	s0 =	rddreg [dreg:$0x4]  }
0x147: {  	s0 =	sadd.s32 @!p0 $0x100000, s0  }
0x148: {  	[sflag:s0] =	ssyncadd.tile.s32 @!p0 $0x1;
	_ =	shalt  }
.Lfunc_end2:
_tile_overlayer_lowered:
.L_overlay_start_2:
0x149: {  	(tag) =	ssettag $0x2  }
0x14a: {  	s0 =	rddreg [dreg:$0x0];
	s2 =	stileid.u32  }
0x14b: {  	s1 =	rddreg [dreg:$0x1];
	p0 =	sne.s32 s2, $0x0  }
0x14c: {  	s3 =	rddreg [dreg:$0x2];
	[bflag:$0x3] =	sbarrier.arrive $0xFFFF;
	s2 =	simm.s32 @!p0 $0x1C03  }
0x14d: {  	[timem:s3], [sflag:s2] =	dma.local @!p0 [hbm:s0], s1  }
0x14e: {  	s0 =	simm.s32 @!p0 $0x3  }
0x14f: {  	_ =	swait.ge @!p0 [sflag:s0], s1  }
0x150: {  	s1 =	ssub.s32 @!p0 $0x0, s1;
	[sflag:s0] =	ssyncset.done @!p0 $0x0  }
0x151: {  	[sflag:s0] =	ssyncadd.s32 @!p0 s1  }
0x152: {  	[bflag:$0x3] =	sbarrier.arrive $0xFFFF  }
0x153: {  	_ =	shalt  }

</sc_bundles>
